<compile_context>
chip_gen: v7x
topology: tpu7x:2x2x1
jax: 0.10.2.dev20260603
libtpu: 0.0.44.dev20260713+nightly
codegen_flags: <defaults>
</compile_context>

<pallas_src>
import functools

import jax
import jax.numpy as jnp
from jax import lax
from jax.experimental import pallas as pl
from jax.experimental.pallas import tpu as pltpu
from jax.experimental.pallas import tpu_sc as plsc

NC = 2
NS = 16
LANES = 16


def _mm_body(x_ref, w_ref, h_ref):
    h_ref[0] = jnp.dot(x_ref[...], w_ref[0], preferred_element_type=jnp.float32)


def _matmul(x, W, bn):
    N, D_in = x.shape
    K, _, D_out = W.shape
    nb = N // bn
    return pl.pallas_call(
        _mm_body,
        grid=(nb, K),
        in_specs=[
            pl.BlockSpec((bn, D_in), lambda n, k: (n, 0)),
            pl.BlockSpec((1, D_in, D_out), lambda n, k: (k, 0, 0)),
        ],
        out_specs=pl.BlockSpec((1, bn, D_out), lambda n, k: (k, n, 0)),
        out_shape=jax.ShapeDtypeStruct((K, N, D_out), jnp.float32),
    )(x, W)


def _make_sc_scatter(K, N, D, E):
    Dh = D // 2
    ept = E // NS
    C = 128
    NBUF = 5
    nfull = ept // C
    rem = ept - nfull * C
    nburst = nfull // NBUF
    nleft = nfull - nburst * NBUF
    n_pad = -(-N // (NS * 8)) * (NS * 8)
    rpt = n_pad // NS
    zrows = rpt // 2
    mesh = plsc.VectorSubcoreMesh(core_axis_name="c", subcore_axis_name="s")

    @functools.partial(
        pl.kernel,
        out_type=jax.ShapeDtypeStruct((NC * K * n_pad, Dh), jnp.float32),
        mesh=mesh,
        scratch_types=[
            [pltpu.VMEM((C,), jnp.int32) for _ in range(NBUF)],
            [pltpu.VMEM((C,), jnp.int32) for _ in range(NBUF)],
            [pltpu.VMEM((C, Dh), jnp.float32) for _ in range(NBUF)],
            pltpu.VMEM((max(rem, 8), Dh), jnp.float32),
            pltpu.VMEM((max(rem, 8),), jnp.int32),
            pltpu.VMEM((max(rem, 8),), jnp.int32),
            pltpu.VMEM((zrows, Dh), jnp.float32),
            pltpu.VMEM_SHARED((n_pad, Dh), jnp.float32),
            [pltpu.SemaphoreType.DMA for _ in range(NBUF)],
            [pltpu.SemaphoreType.DMA for _ in range(NBUF)],
            [pltpu.SemaphoreType.DMA for _ in range(NBUF)],
            [pltpu.SemaphoreType.DMA for _ in range(NBUF)],
        ],
        compiler_params=pltpu.CompilerParams(use_tc_tiling_on_sc=False),
    )
    def sc_scatter(h_hbm, src_hbm, dst_hbm, out_hbm, sidx, didx, rows, rows_r,
                   sidx_r, didx_r, zbuf, acc, isem, dsem, gsem, ssem):
        c = lax.axis_index("c")
        s = lax.axis_index("s")
        zv = jnp.zeros((LANES,), jnp.float32)

        def zrow(r, carry):
            for q in range(Dh // LANES):
                zbuf[r, pl.ds(q * LANES, LANES)] = zv
            return carry

        lax.fori_loop(0, zrows, zrow, 0)
        r0 = s * rpt
        eoff = s * ept
        for i in range(K):
            for j in range(rpt // zrows):
                pltpu.sync_copy(zbuf, acc.at[pl.ds(r0 + j * zrows, zrows)])
            plsc.subcore_barrier()

            def do_chunks(first_chunk, cnt, sb, db, rb, ism, dsm, gsm):
                off = eoff + first_chunk * C
                icp = pltpu.async_copy(
                    src_hbm.at[c, i, pl.ds(off, cnt)], sb, ism)
                dcp = pltpu.async_copy(
                    dst_hbm.at[i, pl.ds(off, cnt)], db, dsm)
                return icp, dcp

            def burst(t, carry):
                base = t * NBUF
                cps = [
                    do_chunks(base + b, C, sidx[b], didx[b], rows[b],
                              isem[b], dsem[b], gsem[b])
                    for b in range(NBUF)
                ]
                gcps = []
                for b in range(NBUF):
                    cps[b][0].wait()
                    gcps.append(pltpu.async_copy(h_hbm.at[sidx[b]], rows[b], gsem[b]))
                scps = []
                for b in range(NBUF):
                    gcps[b].wait()
                    cps[b][1].wait()
                    scps.append(pltpu.async_copy(rows[b], acc.at[didx[b]],
                                                 ssem[b], add=True))
                for scp in scps:
                    scp.wait()
                return carry

            lax.fori_loop(0, nburst, burst, 0)

            eps = []
            for b in range(nleft):
                eps.append((do_chunks(nburst * NBUF + b, C, sidx[b], didx[b],
                                      rows[b], isem[b], dsem[b], gsem[b]),
                            sidx[b], didx[b], rows[b], gsem[b]))
            if rem:
                off = eoff + nfull * C
                icp = pltpu.async_copy(
                    src_hbm.at[c, i, pl.ds(off, rem)], sidx_r, isem[NBUF - 1])
                dcp = pltpu.async_copy(
                    dst_hbm.at[i, pl.ds(off, rem)], didx_r, dsem[NBUF - 1])
                eps.append(((icp, dcp), sidx_r, didx_r, rows_r, gsem[NBUF - 1]))
            gcps = []
            for (icp, dcp), sb, db, rb, gsm in eps:
                icp.wait()
                gcps.append((pltpu.async_copy(h_hbm.at[sb], rb, gsm), dcp, db, rb))
            scps = []
            for e, (gcp, dcp, db, rb) in enumerate(gcps):
                gcp.wait()
                dcp.wait()
                scps.append(pltpu.async_copy(rb, acc.at[db], ssem[e], add=True))
            for scp in scps:
                scp.wait()

            plsc.subcore_barrier()
            obase = (c * K + i) * n_pad + r0
            pltpu.sync_copy(acc.at[pl.ds(r0, rpt)], out_hbm.at[pl.ds(obase, rpt)])

    return sc_scatter, n_pad


def _fc_body(K, p_ref, w1_ref, b1_ref, w2_ref, b2_ref, w3_ref, b3_ref, o_ref):
    p = p_ref[...]
    halves = []
    for h in range(2):
        a = [jnp.maximum(p[h, i], 0.0) for i in range(K)]
        b = [
            jnp.maximum(
                sum(a[i] * w1_ref[i, j] for i in range(K)) + b1_ref[j], 0.0
            )
            for j in range(K)
        ]
        c = [
            jnp.maximum(
                sum(b[i] * w2_ref[i, j] for i in range(K)) + b2_ref[j], 0.0
            )
            for j in range(K)
        ]
        halves.append(sum(c[i] * w3_ref[i, 0] for i in range(K)) + b3_ref[0])
    o_ref[...] = jnp.concatenate(halves, axis=-1)


def _fc(partial, fc1_w, fc1_b, fc2_w, fc2_b, fc3_w, fc3_b, N, bn):
    _, K, _, Dh = partial.shape
    nb = N // bn
    smem = pl.BlockSpec(memory_space=pltpu.SMEM)
    return pl.pallas_call(
        functools.partial(_fc_body, K),
        grid=(nb,),
        in_specs=[
            pl.BlockSpec((2, K, bn, Dh), lambda n: (0, 0, n, 0)),
            smem, smem, smem, smem, smem, smem,
        ],
        out_specs=pl.BlockSpec((bn, 2 * Dh), lambda n: (n, 0)),
        out_shape=jax.ShapeDtypeStruct((N, 2 * Dh), jnp.float32),
    )(partial, fc1_w, fc1_b, fc2_w, fc2_b, fc3_w, fc3_b)


def kernel(x, edge_index, W, fc1_w, fc1_b, fc2_w, fc2_b, fc3_w, fc3_b):
    N, D_in = x.shape
    K, _, D_out = W.shape
    E = edge_index.shape[2]
    h = _matmul(x, W, bn=2000)
    h_half = h.reshape(K * N * 2, D_out // 2)
    src = edge_index[:, 0, :]
    src_adj = (
        2 * (src[None] + (jnp.arange(K, dtype=jnp.int32) * N)[None, :, None])
        + jnp.arange(NC, dtype=jnp.int32)[:, None, None]
    )
    dst = edge_index[:, 1, :]
    sc, n_pad = _make_sc_scatter(K, N, D_out, E)
    partial = sc(h_half, src_adj, dst)
    partial = partial.reshape(2, K, n_pad, D_out // 2)
    return _fc(partial, fc1_w, fc1_b, fc2_w, fc2_b, fc3_w, fc3_b, N, bn=2000)

# --- scband reference (transcript-rebuilt; emitter-appended) ---
"""Pipeline reference for scband-graph-convolution-sparse-k-26422638805427 (READ-ONLY COPY).

The authoritative reference and input builder live on the scoring server;
editing this copy changes nothing except your own understanding.
"""

import jax, jax.numpy as jnp
import numpy as np

N = 10000
E = 320000
K = 3
D_IN = 128
D_OUT = 128


def setup_inputs(seed: int = 0) -> dict:
    key = jax.random.key(seed)
    ks = jax.random.split(key, 10)
    x = jax.random.normal(ks[0], (N, D_IN), dtype=jnp.float32)
    edge_index = jax.random.randint(ks[1], (K, 2, E), 0, N, dtype=jnp.int32)
    # Glorot-uniform per-edge-type GCN weights (matches weight_variable_glorot)
    init_range = float(np.sqrt(6.0 / (D_IN + D_OUT)))
    W = jax.random.uniform(ks[2], (K, D_IN, D_OUT), minval=-init_range, maxval=init_range, dtype=jnp.float32)
    # slim.fully_connected layers operating on the last (k) axis
    fc1_w = jax.random.normal(ks[3], (K, K), dtype=jnp.float32) * 0.1
    fc1_b = jnp.zeros((K,), dtype=jnp.float32)
    fc2_w = jax.random.normal(ks[4], (K, K), dtype=jnp.float32) * 0.1
    fc2_b = jnp.zeros((K,), dtype=jnp.float32)
    fc3_w = jax.random.normal(ks[5], (K, 1), dtype=jnp.float32) * 0.1
    fc3_b = jnp.zeros((1,), dtype=jnp.float32)
    return {"x": x, "edge_index": edge_index, "W": W, "fc1_w": fc1_w, "fc1_b": fc1_b, "fc2_w": fc2_w, "fc2_b": fc2_b, "fc3_w": fc3_w, "fc3_b": fc3_b}


def reference(x, edge_index, W, fc1_w, fc1_b, fc2_w, fc2_b, fc3_w, fc3_b):
    # Per edge type: x @ W_i  then  A_i @ (xW_i) via gather + segment_sum (dropout=0.0 so sparse dropout is identity)
    outs = []
    k = W.shape[0]
    n = x.shape[0]
    for i in range(k):
        h = x @ W[i]                                   # sparse_tensor_dense_matmul(x, W_i), x treated densely
        src = edge_index[i, 0]
        dst = edge_index[i, 1]
        msg = jnp.take(h, src, axis=0)                 # gather source node features
        agg = jax.ops.segment_sum(msg, dst, num_segments=n)  # A_i @ h (binary adjacency)
        outs.append(jax.nn.relu(agg))
    o = jnp.stack(outs, axis=-1)                       # [N, D_OUT, K] (expand_dims + concat)
    o = jax.nn.relu(o @ fc1_w + fc1_b)                 # slim.fully_connected(., K, relu)
    o = jax.nn.relu(o @ fc2_w + fc2_b)                 # slim.fully_connected(., K, relu)
    o = jnp.squeeze(o @ fc3_w + fc3_b, axis=-1)        # slim.fully_connected(., 1, None) + squeeze
    return o

if __name__ == "__main__":
    import jax
    _d = setup_inputs()
    print(jax.jit(kernel)(*tuple(_d.values())))

</pallas_src>

<mosaic_0001>
#map = affine_map<(d0, d1) -> (0, 0)>
#map1 = affine_map<(d0, d1) -> (0, 0, 0)>
module attributes {stable_mosaic.version = 14 : i64} {
  func.func @sc_scatter(%arg0: i32, %arg1: i32, %arg2: memref<60000x64xf32, #tpu.memory_space<hbm>>, %arg3: memref<2x3x320000xi32, #tpu.memory_space<hbm>>, %arg4: memref<3x320000xi32, #tpu.memory_space<hbm>>, %arg5: memref<60672x64xf32, #tpu.memory_space<hbm>>, %arg6: memref<128xi32, #tpu.memory_space<vmem>>, %arg7: memref<128xi32, #tpu.memory_space<vmem>>, %arg8: memref<128xi32, #tpu.memory_space<vmem>>, %arg9: memref<128xi32, #tpu.memory_space<vmem>>, %arg10: memref<128xi32, #tpu.memory_space<vmem>>, %arg11: memref<128xi32, #tpu.memory_space<vmem>>, %arg12: memref<128xi32, #tpu.memory_space<vmem>>, %arg13: memref<128xi32, #tpu.memory_space<vmem>>, %arg14: memref<128xi32, #tpu.memory_space<vmem>>, %arg15: memref<128xi32, #tpu.memory_space<vmem>>, %arg16: memref<128x64xf32, #tpu.memory_space<vmem>>, %arg17: memref<128x64xf32, #tpu.memory_space<vmem>>, %arg18: memref<128x64xf32, #tpu.memory_space<vmem>>, %arg19: memref<128x64xf32, #tpu.memory_space<vmem>>, %arg20: memref<128x64xf32, #tpu.memory_space<vmem>>, %arg21: memref<32x64xf32, #tpu.memory_space<vmem>>, %arg22: memref<32xi32, #tpu.memory_space<vmem>>, %arg23: memref<32xi32, #tpu.memory_space<vmem>>, %arg24: memref<316x64xf32, #tpu.memory_space<vmem>>, %arg25: memref<10112x64xf32, #tpu.memory_space<vmem_shared>>, %arg26: memref<!tpu.dma_semaphore, #tpu.memory_space<semaphore_mem>>, %arg27: memref<!tpu.dma_semaphore, #tpu.memory_space<semaphore_mem>>, %arg28: memref<!tpu.dma_semaphore, #tpu.memory_space<semaphore_mem>>, %arg29: memref<!tpu.dma_semaphore, #tpu.memory_space<semaphore_mem>>, %arg30: memref<!tpu.dma_semaphore, #tpu.memory_space<semaphore_mem>>, %arg31: memref<!tpu.dma_semaphore, #tpu.memory_space<semaphore_mem>>, %arg32: memref<!tpu.dma_semaphore, #tpu.memory_space<semaphore_mem>>, %arg33: memref<!tpu.dma_semaphore, #tpu.memory_space<semaphore_mem>>, %arg34: memref<!tpu.dma_semaphore, #tpu.memory_space<semaphore_mem>>, %arg35: memref<!tpu.dma_semaphore, #tpu.memory_space<semaphore_mem>>, %arg36: memref<!tpu.dma_semaphore, #tpu.memory_space<semaphore_mem>>, %arg37: memref<!tpu.dma_semaphore, #tpu.memory_space<semaphore_mem>>, %arg38: memref<!tpu.dma_semaphore, #tpu.memory_space<semaphore_mem>>, %arg39: memref<!tpu.dma_semaphore, #tpu.memory_space<semaphore_mem>>, %arg40: memref<!tpu.dma_semaphore, #tpu.memory_space<semaphore_mem>>, %arg41: memref<!tpu.dma_semaphore, #tpu.memory_space<semaphore_mem>>, %arg42: memref<!tpu.dma_semaphore, #tpu.memory_space<semaphore_mem>>, %arg43: memref<!tpu.dma_semaphore, #tpu.memory_space<semaphore_mem>>, %arg44: memref<!tpu.dma_semaphore, #tpu.memory_space<semaphore_mem>>, %arg45: memref<!tpu.dma_semaphore, #tpu.memory_space<semaphore_mem>>) attributes {dimension_semantics = [#tpu.dimension_semantics<core_parallel>, #tpu.dimension_semantics<subcore_parallel>], iteration_bounds = array<i64: 2, 16>, scalar_prefetch = 0 : i64, scratch_operands = 40 : i64, tpu.core_type = #tpu.core_type<sc_vector_subcore>, window_params = [{transform_indices = #map}, {transform_indices = #map1}, {transform_indices = #map}, {transform_indices = #map}]} {
    %broadcast_in_dim3A = arith.constant 0.000000e+00 : f32
    %broadcast_in_dim3A_0 = vector.broadcast %broadcast_in_dim3A : f32 to vector<16xf32>
    %scan3A = arith.constant 0 : i32
    %scan3A_1 = arith.constant 0 : i32
    %scan3A_2 = arith.constant 316 : i32
    %scan3A_3 = arith.addi %scan3A_1, %scan3A_2 : i32
    %scan3A_4 = arith.constant 1 : i32
    scf.for %scan3A_266 = %scan3A_1 to %scan3A_3 step %scan3A_4  : i32 {
      %swap3A = arith.index_cast %scan3A_266 : i32 to index
      %swap3A_267 = arith.constant 0 : index
      %swap3A_268 = tpu.vector_load %arg24[%swap3A, %swap3A_267] {strides = array<i32>} : memref<316x64xf32, #tpu.memory_space<vmem>>, vector<1x16xf32>,
      %swap3A_269 = vector.shape_cast %swap3A_268 : vector<1x16xf32> to vector<16xf32>
      %swap3A_270 = vector.shape_cast %broadcast_in_dim3A_0 : vector<16xf32> to vector<1x16xf32>
      tpu.vector_store %arg24[%swap3A, %swap3A_267], %swap3A_270 {strides = array<i32>} : memref<316x64xf32, #tpu.memory_space<vmem>>, vector<1x16xf32>,
      %swap3A_271 = arith.index_cast %scan3A_266 : i32 to index
      %swap3A_272 = arith.constant 16 : index
      %swap3A_273 = tpu.vector_load %arg24[%swap3A_271, %swap3A_272] {strides = array<i32>} : memref<316x64xf32, #tpu.memory_space<vmem>>, vector<1x16xf32>,
      %swap3A_274 = vector.shape_cast %swap3A_273 : vector<1x16xf32> to vector<16xf32>
      %swap3A_275 = vector.shape_cast %broadcast_in_dim3A_0 : vector<16xf32> to vector<1x16xf32>
      tpu.vector_store %arg24[%swap3A_271, %swap3A_272], %swap3A_275 {strides = array<i32>} : memref<316x64xf32, #tpu.memory_space<vmem>>, vector<1x16xf32>,
      %swap3A_276 = arith.index_cast %scan3A_266 : i32 to index
      %swap3A_277 = arith.constant 32 : index
      %swap3A_278 = tpu.vector_load %arg24[%swap3A_276, %swap3A_277] {strides = array<i32>} : memref<316x64xf32, #tpu.memory_space<vmem>>, vector<1x16xf32>,
      %swap3A_279 = vector.shape_cast %swap3A_278 : vector<1x16xf32> to vector<16xf32>
      %swap3A_280 = vector.shape_cast %broadcast_in_dim3A_0 : vector<16xf32> to vector<1x16xf32>
      tpu.vector_store %arg24[%swap3A_276, %swap3A_277], %swap3A_280 {strides = array<i32>} : memref<316x64xf32, #tpu.memory_space<vmem>>, vector<1x16xf32>,
      %swap3A_281 = arith.index_cast %scan3A_266 : i32 to index
      %swap3A_282 = arith.constant 48 : index
      %swap3A_283 = tpu.vector_load %arg24[%swap3A_281, %swap3A_282] {strides = array<i32>} : memref<316x64xf32, #tpu.memory_space<vmem>>, vector<1x16xf32>,
      %swap3A_284 = vector.shape_cast %swap3A_283 : vector<1x16xf32> to vector<16xf32>
      %swap3A_285 = vector.shape_cast %broadcast_in_dim3A_0 : vector<16xf32> to vector<1x16xf32>
      tpu.vector_store %arg24[%swap3A_281, %swap3A_282], %swap3A_285 {strides = array<i32>} : memref<316x64xf32, #tpu.memory_space<vmem>>, vector<1x16xf32>,
    }
    %scan3A_5 = arith.constant 316 : i32
    %mul3A = arith.constant 632 : i32
    %mul3A_6 = arith.muli %arg1, %mul3A : i32
    %mul3A_7 = arith.constant 20000 : i32
    %mul3A_8 = arith.muli %arg1, %mul3A_7 : i32
    %add3A = arith.constant 0 : i32
    %add3A_9 = arith.addi %mul3A_6, %add3A : i32
    "tpu.region"() ({
      %run_scoped3A = tpu.sem_alloc : memref<!tpu.dma_semaphore, #tpu.memory_space<semaphore_mem>>
      %dma_start3A_266 = arith.constant 0 : i32
      %dma_start3A_267 = tpu.memref_slice %arg25[%add3A_9, %dma_start3A_266] : memref<10112x64xf32, #tpu.memory_space<vmem_shared>> -> memref<316x64xf32, #tpu.memory_space<vmem_shared>>
      %dma_start3A_268 = arith.constant 0 : i32
      %dma_start3A_269 = tpu.memref_slice %arg25[%add3A_9, %dma_start3A_268] : memref<10112x64xf32, #tpu.memory_space<vmem_shared>> -> memref<316x64xf32, #tpu.memory_space<vmem_shared>>
      tpu.enqueue_dma source(%arg24 : memref<316x64xf32, #tpu.memory_space<vmem>>) target(%dma_start3A_269 : memref<316x64xf32, #tpu.memory_space<vmem_shared>>) target_semaphore(%run_scoped3A : memref<!tpu.dma_semaphore, #tpu.memory_space<semaphore_mem>>)
      %dma_wait3A_270 = arith.constant 0 : i32
      %dma_wait3A_271 = tpu.memref_slice %arg25[%add3A_9, %dma_wait3A_270] : memref<10112x64xf32, #tpu.memory_space<vmem_shared>> -> memref<316x64xf32, #tpu.memory_space<vmem_shared>>
      %dma_wait3A_272 = arith.constant 0 : i32
      %dma_wait3A_273 = tpu.memref_slice %arg25[%add3A_9, %dma_wait3A_272] : memref<10112x64xf32, #tpu.memory_space<vmem_shared>> -> memref<316x64xf32, #tpu.memory_space<vmem_shared>>
      tpu.wait_dma2 semaphore(%run_scoped3A : memref<!tpu.dma_semaphore, #tpu.memory_space<semaphore_mem>>) src(%arg24 : memref<316x64xf32, #tpu.memory_space<vmem>>) dst(%dma_wait3A_273 : memref<316x64xf32, #tpu.memory_space<vmem_shared>>)
      tpu.yield
    }) : () -> ()
    %add3A_10 = arith.constant 316 : i32
    %add3A_11 = arith.addi %mul3A_6, %add3A_10 : i32
    "tpu.region"() ({
      %run_scoped3A = tpu.sem_alloc : memref<!tpu.dma_semaphore, #tpu.memory_space<semaphore_mem>>
      %dma_start3A_266 = arith.constant 0 : i32
      %dma_start3A_267 = tpu.memref_slice %arg25[%add3A_11, %dma_start3A_266] : memref<10112x64xf32, #tpu.memory_space<vmem_shared>> -> memref<316x64xf32, #tpu.memory_space<vmem_shared>>
      %dma_start3A_268 = arith.constant 0 : i32
      %dma_start3A_269 = tpu.memref_slice %arg25[%add3A_11, %dma_start3A_268] : memref<10112x64xf32, #tpu.memory_space<vmem_shared>> -> memref<316x64xf32, #tpu.memory_space<vmem_shared>>
      tpu.enqueue_dma source(%arg24 : memref<316x64xf32, #tpu.memory_space<vmem>>) target(%dma_start3A_269 : memref<316x64xf32, #tpu.memory_space<vmem_shared>>) target_semaphore(%run_scoped3A : memref<!tpu.dma_semaphore, #tpu.memory_space<semaphore_mem>>)
      %dma_wait3A_270 = arith.constant 0 : i32
      %dma_wait3A_271 = tpu.memref_slice %arg25[%add3A_11, %dma_wait3A_270] : memref<10112x64xf32, #tpu.memory_space<vmem_shared>> -> memref<316x64xf32, #tpu.memory_space<vmem_shared>>
      %dma_wait3A_272 = arith.constant 0 : i32
      %dma_wait3A_273 = tpu.memref_slice %arg25[%add3A_11, %dma_wait3A_272] : memref<10112x64xf32, #tpu.memory_space<vmem_shared>> -> memref<316x64xf32, #tpu.memory_space<vmem_shared>>
      tpu.wait_dma2 semaphore(%run_scoped3A : memref<!tpu.dma_semaphore, #tpu.memory_space<semaphore_mem>>) src(%arg24 : memref<316x64xf32, #tpu.memory_space<vmem>>) dst(%dma_wait3A_273 : memref<316x64xf32, #tpu.memory_space<vmem_shared>>)
      tpu.yield
    }) : () -> ()
    %barrier3A = arith.constant 0 : index
    tpu.barrier barrier_id(%barrier3A)
    %scan3A_12 = arith.constant 0 : i32
    %scan3A_13 = arith.constant 0 : i32
    %scan3A_14 = arith.constant 31 : i32
    %scan3A_15 = arith.addi %scan3A_13, %scan3A_14 : i32
    %scan3A_16 = arith.constant 1 : i32
    scf.for %scan3A_266 = %scan3A_13 to %scan3A_15 step %scan3A_16  : i32 {
      %mul3A_267 = arith.constant 5 : i32
      %mul3A_268 = arith.muli %scan3A_266, %mul3A_267 : i32
      %add3A_269 = arith.constant 0 : i32
      %add3A_270 = arith.addi %mul3A_268, %add3A_269 : i32
      %mul3A_271 = arith.constant 128 : i32
      %mul3A_272 = arith.muli %add3A_270, %mul3A_271 : i32
      %add3A_273 = arith.addi %mul3A_8, %mul3A_272 : i32
      %dma_start3A_274 = arith.constant 0 : i32
      %dma_start3A_275 = tpu.memref_slice %arg3[%arg0, %dma_start3A_274, %add3A_273] : memref<2x3x320000xi32, #tpu.memory_space<hbm>> -> memref<1x1x128xi32, #tpu.memory_space<hbm>>
      %dma_start3A_276 = tpu.memref_squeeze %dma_start3A_275 : memref<1x1x128xi32, #tpu.memory_space<hbm>> -> memref<128xi32, #tpu.memory_space<hbm>>
      %dma_start3A_277 = tpu.memref_slice %arg3[%arg0, %dma_start3A_274, %add3A_273] : memref<2x3x320000xi32, #tpu.memory_space<hbm>> -> memref<1x1x128xi32, #tpu.memory_space<hbm>>
      %dma_start3A_278 = tpu.memref_squeeze %dma_start3A_277 : memref<1x1x128xi32, #tpu.memory_space<hbm>> -> memref<128xi32, #tpu.memory_space<hbm>>
      tpu.enqueue_dma source(%dma_start3A_278 : memref<128xi32, #tpu.memory_space<hbm>>) target(%arg6 : memref<128xi32, #tpu.memory_space<vmem>>) target_semaphore(%arg26 : memref<!tpu.dma_semaphore, #tpu.memory_space<semaphore_mem>>)
      %dma_start3A_279 = arith.constant 0 : i32
      %dma_start3A_280 = tpu.memref_slice %arg4[%dma_start3A_279, %add3A_273] : memref<3x320000xi32, #tpu.memory_space<hbm>> -> memref<1x128xi32, #tpu.memory_space<hbm>>
      %dma_start3A_281 = tpu.memref_squeeze %dma_start3A_280 : memref<1x128xi32, #tpu.memory_space<hbm>> -> memref<128xi32, #tpu.memory_space<hbm>>
      %dma_start3A_282 = tpu.memref_slice %arg4[%dma_start3A_279, %add3A_273] : memref<3x320000xi32, #tpu.memory_space<hbm>> -> memref<1x128xi32, #tpu.memory_space<hbm>>
      %dma_start3A_283 = tpu.memref_squeeze %dma_start3A_282 : memref<1x128xi32, #tpu.memory_space<hbm>> -> memref<128xi32, #tpu.memory_space<hbm>>
      tpu.enqueue_dma source(%dma_start3A_283 : memref<128xi32, #tpu.memory_space<hbm>>) target(%arg11 : memref<128xi32, #tpu.memory_space<vmem>>) target_semaphore(%arg31 : memref<!tpu.dma_semaphore, #tpu.memory_space<semaphore_mem>>)
      %add3A_284 = arith.constant 1 : i32
      %add3A_285 = arith.addi %mul3A_268, %add3A_284 : i32
      %mul3A_286 = arith.constant 128 : i32
      %mul3A_287 = arith.muli %add3A_285, %mul3A_286 : i32
      %add3A_288 = arith.addi %mul3A_8, %mul3A_287 : i32
      %dma_start3A_289 = arith.constant 0 : i32
      %dma_start3A_290 = tpu.memref_slice %arg3[%arg0, %dma_start3A_289, %add3A_288] : memref<2x3x320000xi32, #tpu.memory_space<hbm>> -> memref<1x1x128xi32, #tpu.memory_space<hbm>>
      %dma_start3A_291 = tpu.memref_squeeze %dma_start3A_290 : memref<1x1x128xi32, #tpu.memory_space<hbm>> -> memref<128xi32, #tpu.memory_space<hbm>>
      %dma_start3A_292 = tpu.memref_slice %arg3[%arg0, %dma_start3A_289, %add3A_288] : memref<2x3x320000xi32, #tpu.memory_space<hbm>> -> memref<1x1x128xi32, #tpu.memory_space<hbm>>
      %dma_start3A_293 = tpu.memref_squeeze %dma_start3A_292 : memref<1x1x128xi32, #tpu.memory_space<hbm>> -> memref<128xi32, #tpu.memory_space<hbm>>
      tpu.enqueue_dma source(%dma_start3A_293 : memref<128xi32, #tpu.memory_space<hbm>>) target(%arg7 : memref<128xi32, #tpu.memory_space<vmem>>) target_semaphore(%arg27 : memref<!tpu.dma_semaphore, #tpu.memory_space<semaphore_mem>>)
      %dma_start3A_294 = arith.constant 0 : i32
      %dma_start3A_295 = tpu.memref_slice %arg4[%dma_start3A_294, %add3A_288] : memref<3x320000xi32, #tpu.memory_space<hbm>> -> memref<1x128xi32, #tpu.memory_space<hbm>>
      %dma_start3A_296 = tpu.memref_squeeze %dma_start3A_295 : memref<1x128xi32, #tpu.memory_space<hbm>> -> memref<128xi32, #tpu.memory_space<hbm>>
      %dma_start3A_297 = tpu.memref_slice %arg4[%dma_start3A_294, %add3A_288] : memref<3x320000xi32, #tpu.memory_space<hbm>> -> memref<1x128xi32, #tpu.memory_space<hbm>>
      %dma_start3A_298 = tpu.memref_squeeze %dma_start3A_297 : memref<1x128xi32, #tpu.memory_space<hbm>> -> memref<128xi32, #tpu.memory_space<hbm>>
      tpu.enqueue_dma source(%dma_start3A_298 : memref<128xi32, #tpu.memory_space<hbm>>) target(%arg12 : memref<128xi32, #tpu.memory_space<vmem>>) target_semaphore(%arg32 : memref<!tpu.dma_semaphore, #tpu.memory_space<semaphore_mem>>)
      %add3A_299 = arith.constant 2 : i32
      %add3A_300 = arith.addi %mul3A_268, %add3A_299 : i32
      %mul3A_301 = arith.constant 128 : i32
      %mul3A_302 = arith.muli %add3A_300, %mul3A_301 : i32
      %add3A_303 = arith.addi %mul3A_8, %mul3A_302 : i32
      %dma_start3A_304 = arith.constant 0 : i32
      %dma_start3A_305 = tpu.memref_slice %arg3[%arg0, %dma_start3A_304, %add3A_303] : memref<2x3x320000xi32, #tpu.memory_space<hbm>> -> memref<1x1x128xi32, #tpu.memory_space<hbm>>
      %dma_start3A_306 = tpu.memref_squeeze %dma_start3A_305 : memref<1x1x128xi32, #tpu.memory_space<hbm>> -> memref<128xi32, #tpu.memory_space<hbm>>
      %dma_start3A_307 = tpu.memref_slice %arg3[%arg0, %dma_start3A_304, %add3A_303] : memref<2x3x320000xi32, #tpu.memory_space<hbm>> -> memref<1x1x128xi32, #tpu.memory_space<hbm>>
      %dma_start3A_308 = tpu.memref_squeeze %dma_start3A_307 : memref<1x1x128xi32, #tpu.memory_space<hbm>> -> memref<128xi32, #tpu.memory_space<hbm>>
      tpu.enqueue_dma source(%dma_start3A_308 : memref<128xi32, #tpu.memory_space<hbm>>) target(%arg8 : memref<128xi32, #tpu.memory_space<vmem>>) target_semaphore(%arg28 : memref<!tpu.dma_semaphore, #tpu.memory_space<semaphore_mem>>)
      %dma_start3A_309 = arith.constant 0 : i32
      %dma_start3A_310 = tpu.memref_slice %arg4[%dma_start3A_309, %add3A_303] : memref<3x320000xi32, #tpu.memory_space<hbm>> -> memref<1x128xi32, #tpu.memory_space<hbm>>
      %dma_start3A_311 = tpu.memref_squeeze %dma_start3A_310 : memref<1x128xi32, #tpu.memory_space<hbm>> -> memref<128xi32, #tpu.memory_space<hbm>>
      %dma_start3A_312 = tpu.memref_slice %arg4[%dma_start3A_309, %add3A_303] : memref<3x320000xi32, #tpu.memory_space<hbm>> -> memref<1x128xi32, #tpu.memory_space<hbm>>
      %dma_start3A_313 = tpu.memref_squeeze %dma_start3A_312 : memref<1x128xi32, #tpu.memory_space<hbm>> -> memref<128xi32, #tpu.memory_space<hbm>>
      tpu.enqueue_dma source(%dma_start3A_313 : memref<128xi32, #tpu.memory_space<hbm>>) target(%arg13 : memref<128xi32, #tpu.memory_space<vmem>>) target_semaphore(%arg33 : memref<!tpu.dma_semaphore, #tpu.memory_space<semaphore_mem>>)
      %add3A_314 = arith.constant 3 : i32
      %add3A_315 = arith.addi %mul3A_268, %add3A_314 : i32
      %mul3A_316 = arith.constant 128 : i32
      %mul3A_317 = arith.muli %add3A_315, %mul3A_316 : i32
      %add3A_318 = arith.addi %mul3A_8, %mul3A_317 : i32
      %dma_start3A_319 = arith.constant 0 : i32
      %dma_start3A_320 = tpu.memref_slice %arg3[%arg0, %dma_start3A_319, %add3A_318] : memref<2x3x320000xi32, #tpu.memory_space<hbm>> -> memref<1x1x128xi32, #tpu.memory_space<hbm>>
      %dma_start3A_321 = tpu.memref_squeeze %dma_start3A_320 : memref<1x1x128xi32, #tpu.memory_space<hbm>> -> memref<128xi32, #tpu.memory_space<hbm>>
      %dma_start3A_322 = tpu.memref_slice %arg3[%arg0, %dma_start3A_319, %add3A_318] : memref<2x3x320000xi32, #tpu.memory_space<hbm>> -> memref<1x1x128xi32, #tpu.memory_space<hbm>>
      %dma_start3A_323 = tpu.memref_squeeze %dma_start3A_322 : memref<1x1x128xi32, #tpu.memory_space<hbm>> -> memref<128xi32, #tpu.memory_space<hbm>>
      tpu.enqueue_dma source(%dma_start3A_323 : memref<128xi32, #tpu.memory_space<hbm>>) target(%arg9 : memref<128xi32, #tpu.memory_space<vmem>>) target_semaphore(%arg29 : memref<!tpu.dma_semaphore, #tpu.memory_space<semaphore_mem>>)
      %dma_start3A_324 = arith.constant 0 : i32
      %dma_start3A_325 = tpu.memref_slice %arg4[%dma_start3A_324, %add3A_318] : memref<3x320000xi32, #tpu.memory_space<hbm>> -> memref<1x128xi32, #tpu.memory_space<hbm>>
      %dma_start3A_326 = tpu.memref_squeeze %dma_start3A_325 : memref<1x128xi32, #tpu.memory_space<hbm>> -> memref<128xi32, #tpu.memory_space<hbm>>
      %dma_start3A_327 = tpu.memref_slice %arg4[%dma_start3A_324, %add3A_318] : memref<3x320000xi32, #tpu.memory_space<hbm>> -> memref<1x128xi32, #tpu.memory_space<hbm>>
      %dma_start3A_328 = tpu.memref_squeeze %dma_start3A_327 : memref<1x128xi32, #tpu.memory_space<hbm>> -> memref<128xi32, #tpu.memory_space<hbm>>
      tpu.enqueue_dma source(%dma_start3A_328 : memref<128xi32, #tpu.memory_space<hbm>>) target(%arg14 : memref<128xi32, #tpu.memory_space<vmem>>) target_semaphore(%arg34 : memref<!tpu.dma_semaphore, #tpu.memory_space<semaphore_mem>>)
      %add3A_329 = arith.constant 4 : i32
      %add3A_330 = arith.addi %mul3A_268, %add3A_329 : i32
      %mul3A_331 = arith.constant 128 : i32
      %mul3A_332 = arith.muli %add3A_330, %mul3A_331 : i32
      %add3A_333 = arith.addi %mul3A_8, %mul3A_332 : i32
      %dma_start3A_334 = arith.constant 0 : i32
      %dma_start3A_335 = tpu.memref_slice %arg3[%arg0, %dma_start3A_334, %add3A_333] : memref<2x3x320000xi32, #tpu.memory_space<hbm>> -> memref<1x1x128xi32, #tpu.memory_space<hbm>>
      %dma_start3A_336 = tpu.memref_squeeze %dma_start3A_335 : memref<1x1x128xi32, #tpu.memory_space<hbm>> -> memref<128xi32, #tpu.memory_space<hbm>>
      %dma_start3A_337 = tpu.memref_slice %arg3[%arg0, %dma_start3A_334, %add3A_333] : memref<2x3x320000xi32, #tpu.memory_space<hbm>> -> memref<1x1x128xi32, #tpu.memory_space<hbm>>
      %dma_start3A_338 = tpu.memref_squeeze %dma_start3A_337 : memref<1x1x128xi32, #tpu.memory_space<hbm>> -> memref<128xi32, #tpu.memory_space<hbm>>
      tpu.enqueue_dma source(%dma_start3A_338 : memref<128xi32, #tpu.memory_space<hbm>>) target(%arg10 : memref<128xi32, #tpu.memory_space<vmem>>) target_semaphore(%arg30 : memref<!tpu.dma_semaphore, #tpu.memory_space<semaphore_mem>>)
      %dma_start3A_339 = arith.constant 0 : i32
      %dma_start3A_340 = tpu.memref_slice %arg4[%dma_start3A_339, %add3A_333] : memref<3x320000xi32, #tpu.memory_space<hbm>> -> memref<1x128xi32, #tpu.memory_space<hbm>>
      %dma_start3A_341 = tpu.memref_squeeze %dma_start3A_340 : memref<1x128xi32, #tpu.memory_space<hbm>> -> memref<128xi32, #tpu.memory_space<hbm>>
      %dma_start3A_342 = tpu.memref_slice %arg4[%dma_start3A_339, %add3A_333] : memref<3x320000xi32, #tpu.memory_space<hbm>> -> memref<1x128xi32, #tpu.memory_space<hbm>>
      %dma_start3A_343 = tpu.memref_squeeze %dma_start3A_342 : memref<1x128xi32, #tpu.memory_space<hbm>> -> memref<128xi32, #tpu.memory_space<hbm>>
      tpu.enqueue_dma source(%dma_start3A_343 : memref<128xi32, #tpu.memory_space<hbm>>) target(%arg15 : memref<128xi32, #tpu.memory_space<vmem>>) target_semaphore(%arg35 : memref<!tpu.dma_semaphore, #tpu.memory_space<semaphore_mem>>)
      %dma_wait3A_344 = arith.constant 0 : i32
      %dma_wait3A_345 = tpu.memref_slice %arg3[%arg0, %dma_wait3A_344, %add3A_273] : memref<2x3x320000xi32, #tpu.memory_space<hbm>> -> memref<1x1x128xi32, #tpu.memory_space<hbm>>
      %dma_wait3A_346 = tpu.memref_squeeze %dma_wait3A_345 : memref<1x1x128xi32, #tpu.memory_space<hbm>> -> memref<128xi32, #tpu.memory_space<hbm>>
      %dma_wait3A_347 = tpu.memref_slice %arg3[%arg0, %dma_wait3A_344, %add3A_273] : memref<2x3x320000xi32, #tpu.memory_space<hbm>> -> memref<1x1x128xi32, #tpu.memory_space<hbm>>
      %dma_wait3A_348 = tpu.memref_squeeze %dma_wait3A_347 : memref<1x1x128xi32, #tpu.memory_space<hbm>> -> memref<128xi32, #tpu.memory_space<hbm>>
      tpu.wait_dma2 semaphore(%arg26 : memref<!tpu.dma_semaphore, #tpu.memory_space<semaphore_mem>>) src(%dma_wait3A_348 : memref<128xi32, #tpu.memory_space<hbm>>) dst(%arg6 : memref<128xi32, #tpu.memory_space<vmem>>)
      %dma_start3A_349 = arith.constant 0 : i32
      %dma_start3A_350 = arith.constant 0 : i32
      %dma_start3A_351 = tpu.memref_slice %arg2[%dma_start3A_349, %dma_start3A_350] : memref<60000x64xf32, #tpu.memory_space<hbm>> -> memref<60000x64xf32, #tpu.memory_space<hbm>>
      tpu.enqueue_indirect_dma source(%dma_start3A_351 : memref<60000x64xf32, #tpu.memory_space<hbm>>) target(%arg16 : memref<128x64xf32, #tpu.memory_space<vmem>>) offsets(%arg6 : memref<128xi32, #tpu.memory_space<vmem>>) semaphore(%arg36 : memref<!tpu.dma_semaphore, #tpu.memory_space<semaphore_mem>>)
      %dma_wait3A_352 = arith.constant 0 : i32
      %dma_wait3A_353 = tpu.memref_slice %arg3[%arg0, %dma_wait3A_352, %add3A_288] : memref<2x3x320000xi32, #tpu.memory_space<hbm>> -> memref<1x1x128xi32, #tpu.memory_space<hbm>>
      %dma_wait3A_354 = tpu.memref_squeeze %dma_wait3A_353 : memref<1x1x128xi32, #tpu.memory_space<hbm>> -> memref<128xi32, #tpu.memory_space<hbm>>
      %dma_wait3A_355 = tpu.memref_slice %arg3[%arg0, %dma_wait3A_352, %add3A_288] : memref<2x3x320000xi32, #tpu.memory_space<hbm>> -> memref<1x1x128xi32, #tpu.memory_space<hbm>>
      %dma_wait3A_356 = tpu.memref_squeeze %dma_wait3A_355 : memref<1x1x128xi32, #tpu.memory_space<hbm>> -> memref<128xi32, #tpu.memory_space<hbm>>
      tpu.wait_dma2 semaphore(%arg27 : memref<!tpu.dma_semaphore, #tpu.memory_space<semaphore_mem>>) src(%dma_wait3A_356 : memref<128xi32, #tpu.memory_space<hbm>>) dst(%arg7 : memref<128xi32, #tpu.memory_space<vmem>>)
      %dma_start3A_357 = arith.constant 0 : i32
      %dma_start3A_358 = arith.constant 0 : i32
      %dma_start3A_359 = tpu.memref_slice %arg2[%dma_start3A_357, %dma_start3A_358] : memref<60000x64xf32, #tpu.memory_space<hbm>> -> memref<60000x64xf32, #tpu.memory_space<hbm>>
      tpu.enqueue_indirect_dma source(%dma_start3A_359 : memref<60000x64xf32, #tpu.memory_space<hbm>>) target(%arg17 : memref<128x64xf32, #tpu.memory_space<vmem>>) offsets(%arg7 : memref<128xi32, #tpu.memory_space<vmem>>) semaphore(%arg37 : memref<!tpu.dma_semaphore, #tpu.memory_space<semaphore_mem>>)
      %dma_wait3A_360 = arith.constant 0 : i32
      %dma_wait3A_361 = tpu.memref_slice %arg3[%arg0, %dma_wait3A_360, %add3A_303] : memref<2x3x320000xi32, #tpu.memory_space<hbm>> -> memref<1x1x128xi32, #tpu.memory_space<hbm>>
      %dma_wait3A_362 = tpu.memref_squeeze %dma_wait3A_361 : memref<1x1x128xi32, #tpu.memory_space<hbm>> -> memref<128xi32, #tpu.memory_space<hbm>>
      %dma_wait3A_363 = tpu.memref_slice %arg3[%arg0, %dma_wait3A_360, %add3A_303] : memref<2x3x320000xi32, #tpu.memory_space<hbm>> -> memref<1x1x128xi32, #tpu.memory_space<hbm>>
      %dma_wait3A_364 = tpu.memref_squeeze %dma_wait3A_363 : memref<1x1x128xi32, #tpu.memory_space<hbm>> -> memref<128xi32, #tpu.memory_space<hbm>>
      tpu.wait_dma2 semaphore(%arg28 : memref<!tpu.dma_semaphore, #tpu.memory_space<semaphore_mem>>) src(%dma_wait3A_364 : memref<128xi32, #tpu.memory_space<hbm>>) dst(%arg8 : memref<128xi32, #tpu.memory_space<vmem>>)
      %dma_start3A_365 = arith.constant 0 : i32
      %dma_start3A_366 = arith.constant 0 : i32
      %dma_start3A_367 = tpu.memref_slice %arg2[%dma_start3A_365, %dma_start3A_366] : memref<60000x64xf32, #tpu.memory_space<hbm>> -> memref<60000x64xf32, #tpu.memory_space<hbm>>
      tpu.enqueue_indirect_dma source(%dma_start3A_367 : memref<60000x64xf32, #tpu.memory_space<hbm>>) target(%arg18 : memref<128x64xf32, #tpu.memory_space<vmem>>) offsets(%arg8 : memref<128xi32, #tpu.memory_space<vmem>>) semaphore(%arg38 : memref<!tpu.dma_semaphore, #tpu.memory_space<semaphore_mem>>)
      %dma_wait3A_368 = arith.constant 0 : i32
      %dma_wait3A_369 = tpu.memref_slice %arg3[%arg0, %dma_wait3A_368, %add3A_318] : memref<2x3x320000xi32, #tpu.memory_space<hbm>> -> memref<1x1x128xi32, #tpu.memory_space<hbm>>
      %dma_wait3A_370 = tpu.memref_squeeze %dma_wait3A_369 : memref<1x1x128xi32, #tpu.memory_space<hbm>> -> memref<128xi32, #tpu.memory_space<hbm>>
      %dma_wait3A_371 = tpu.memref_slice %arg3[%arg0, %dma_wait3A_368, %add3A_318] : memref<2x3x320000xi32, #tpu.memory_space<hbm>> -> memref<1x1x128xi32, #tpu.memory_space<hbm>>
      %dma_wait3A_372 = tpu.memref_squeeze %dma_wait3A_371 : memref<1x1x128xi32, #tpu.memory_space<hbm>> -> memref<128xi32, #tpu.memory_space<hbm>>
      tpu.wait_dma2 semaphore(%arg29 : memref<!tpu.dma_semaphore, #tpu.memory_space<semaphore_mem>>) src(%dma_wait3A_372 : memref<128xi32, #tpu.memory_space<hbm>>) dst(%arg9 : memref<128xi32, #tpu.memory_space<vmem>>)
      %dma_start3A_373 = arith.constant 0 : i32
      %dma_start3A_374 = arith.constant 0 : i32
      %dma_start3A_375 = tpu.memref_slice %arg2[%dma_start3A_373, %dma_start3A_374] : memref<60000x64xf32, #tpu.memory_space<hbm>> -> memref<60000x64xf32, #tpu.memory_space<hbm>>
      tpu.enqueue_indirect_dma source(%dma_start3A_375 : memref<60000x64xf32, #tpu.memory_space<hbm>>) target(%arg19 : memref<128x64xf32, #tpu.memory_space<vmem>>) offsets(%arg9 : memref<128xi32, #tpu.memory_space<vmem>>) semaphore(%arg39 : memref<!tpu.dma_semaphore, #tpu.memory_space<semaphore_mem>>)
      %dma_wait3A_376 = arith.constant 0 : i32
      %dma_wait3A_377 = tpu.memref_slice %arg3[%arg0, %dma_wait3A_376, %add3A_333] : memref<2x3x320000xi32, #tpu.memory_space<hbm>> -> memref<1x1x128xi32, #tpu.memory_space<hbm>>
      %dma_wait3A_378 = tpu.memref_squeeze %dma_wait3A_377 : memref<1x1x128xi32, #tpu.memory_space<hbm>> -> memref<128xi32, #tpu.memory_space<hbm>>
      %dma_wait3A_379 = tpu.memref_slice %arg3[%arg0, %dma_wait3A_376, %add3A_333] : memref<2x3x320000xi32, #tpu.memory_space<hbm>> -> memref<1x1x128xi32, #tpu.memory_space<hbm>>
      %dma_wait3A_380 = tpu.memref_squeeze %dma_wait3A_379 : memref<1x1x128xi32, #tpu.memory_space<hbm>> -> memref<128xi32, #tpu.memory_space<hbm>>
      tpu.wait_dma2 semaphore(%arg30 : memref<!tpu.dma_semaphore, #tpu.memory_space<semaphore_mem>>) src(%dma_wait3A_380 : memref<128xi32, #tpu.memory_space<hbm>>) dst(%arg10 : memref<128xi32, #tpu.memory_space<vmem>>)
      %dma_start3A_381 = arith.constant 0 : i32
      %dma_start3A_382 = arith.constant 0 : i32
      %dma_start3A_383 = tpu.memref_slice %arg2[%dma_start3A_381, %dma_start3A_382] : memref<60000x64xf32, #tpu.memory_space<hbm>> -> memref<60000x64xf32, #tpu.memory_space<hbm>>
      tpu.enqueue_indirect_dma source(%dma_start3A_383 : memref<60000x64xf32, #tpu.memory_space<hbm>>) target(%arg20 : memref<128x64xf32, #tpu.memory_space<vmem>>) offsets(%arg10 : memref<128xi32, #tpu.memory_space<vmem>>) semaphore(%arg40 : memref<!tpu.dma_semaphore, #tpu.memory_space<semaphore_mem>>)
      %dma_wait3A_384 = arith.constant 0 : i32
      %dma_wait3A_385 = arith.constant 0 : i32
      %dma_wait3A_386 = tpu.memref_slice %arg2[%dma_wait3A_384, %dma_wait3A_385] : memref<60000x64xf32, #tpu.memory_space<hbm>> -> memref<60000x64xf32, #tpu.memory_space<hbm>>
      tpu.wait_indirect_dma semaphore(%arg36 : memref<!tpu.dma_semaphore, #tpu.memory_space<semaphore_mem>>) src(%dma_wait3A_386 : memref<60000x64xf32, #tpu.memory_space<hbm>>) dst(%arg16 : memref<128x64xf32, #tpu.memory_space<vmem>>)
      %dma_wait3A_387 = arith.constant 0 : i32
      %dma_wait3A_388 = tpu.memref_slice %arg4[%dma_wait3A_387, %add3A_273] : memref<3x320000xi32, #tpu.memory_space<hbm>> -> memref<1x128xi32, #tpu.memory_space<hbm>>
      %dma_wait3A_389 = tpu.memref_squeeze %dma_wait3A_388 : memref<1x128xi32, #tpu.memory_space<hbm>> -> memref<128xi32, #tpu.memory_space<hbm>>
      %dma_wait3A_390 = tpu.memref_slice %arg4[%dma_wait3A_387, %add3A_273] : memref<3x320000xi32, #tpu.memory_space<hbm>> -> memref<1x128xi32, #tpu.memory_space<hbm>>
      %dma_wait3A_391 = tpu.memref_squeeze %dma_wait3A_390 : memref<1x128xi32, #tpu.memory_space<hbm>> -> memref<128xi32, #tpu.memory_space<hbm>>
      tpu.wait_dma2 semaphore(%arg31 : memref<!tpu.dma_semaphore, #tpu.memory_space<semaphore_mem>>) src(%dma_wait3A_391 : memref<128xi32, #tpu.memory_space<hbm>>) dst(%arg11 : memref<128xi32, #tpu.memory_space<vmem>>)
      %dma_start3A_392 = arith.constant 0 : i32
      %dma_start3A_393 = arith.constant 0 : i32
      %dma_start3A_394 = tpu.memref_slice %arg25[%dma_start3A_392, %dma_start3A_393] : memref<10112x64xf32, #tpu.memory_space<vmem_shared>> -> memref<10112x64xf32, #tpu.memory_space<vmem_shared>>
      tpu.enqueue_indirect_dma source(%arg16 : memref<128x64xf32, #tpu.memory_space<vmem>>) target(%dma_start3A_394 : memref<10112x64xf32, #tpu.memory_space<vmem_shared>>) offsets(%arg11 : memref<128xi32, #tpu.memory_space<vmem>>) semaphore(%arg41 : memref<!tpu.dma_semaphore, #tpu.memory_space<semaphore_mem>>) {add = true}
      %dma_wait3A_395 = arith.constant 0 : i32
      %dma_wait3A_396 = arith.constant 0 : i32
      %dma_wait3A_397 = tpu.memref_slice %arg2[%dma_wait3A_395, %dma_wait3A_396] : memref<60000x64xf32, #tpu.memory_space<hbm>> -> memref<60000x64xf32, #tpu.memory_space<hbm>>
      tpu.wait_indirect_dma semaphore(%arg37 : memref<!tpu.dma_semaphore, #tpu.memory_space<semaphore_mem>>) src(%dma_wait3A_397 : memref<60000x64xf32, #tpu.memory_space<hbm>>) dst(%arg17 : memref<128x64xf32, #tpu.memory_space<vmem>>)
      %dma_wait3A_398 = arith.constant 0 : i32
      %dma_wait3A_399 = tpu.memref_slice %arg4[%dma_wait3A_398, %add3A_288] : memref<3x320000xi32, #tpu.memory_space<hbm>> -> memref<1x128xi32, #tpu.memory_space<hbm>>
      %dma_wait3A_400 = tpu.memref_squeeze %dma_wait3A_399 : memref<1x128xi32, #tpu.memory_space<hbm>> -> memref<128xi32, #tpu.memory_space<hbm>>
      %dma_wait3A_401 = tpu.memref_slice %arg4[%dma_wait3A_398, %add3A_288] : memref<3x320000xi32, #tpu.memory_space<hbm>> -> memref<1x128xi32, #tpu.memory_space<hbm>>
      %dma_wait3A_402 = tpu.memref_squeeze %dma_wait3A_401 : memref<1x128xi32, #tpu.memory_space<hbm>> -> memref<128xi32, #tpu.memory_space<hbm>>
      tpu.wait_dma2 semaphore(%arg32 : memref<!tpu.dma_semaphore, #tpu.memory_space<semaphore_mem>>) src(%dma_wait3A_402 : memref<128xi32, #tpu.memory_space<hbm>>) dst(%arg12 : memref<128xi32, #tpu.memory_space<vmem>>)
      %dma_start3A_403 = arith.constant 0 : i32
      %dma_start3A_404 = arith.constant 0 : i32
      %dma_start3A_405 = tpu.memref_slice %arg25[%dma_start3A_403, %dma_start3A_404] : memref<10112x64xf32, #tpu.memory_space<vmem_shared>> -> memref<10112x64xf32, #tpu.memory_space<vmem_shared>>
      tpu.enqueue_indirect_dma source(%arg17 : memref<128x64xf32, #tpu.memory_space<vmem>>) target(%dma_start3A_405 : memref<10112x64xf32, #tpu.memory_space<vmem_shared>>) offsets(%arg12 : memref<128xi32, #tpu.memory_space<vmem>>) semaphore(%arg42 : memref<!tpu.dma_semaphore, #tpu.memory_space<semaphore_mem>>) {add = true}
      %dma_wait3A_406 = arith.constant 0 : i32
      %dma_wait3A_407 = arith.constant 0 : i32
      %dma_wait3A_408 = tpu.memref_slice %arg2[%dma_wait3A_406, %dma_wait3A_407] : memref<60000x64xf32, #tpu.memory_space<hbm>> -> memref<60000x64xf32, #tpu.memory_space<hbm>>
      tpu.wait_indirect_dma semaphore(%arg38 : memref<!tpu.dma_semaphore, #tpu.memory_space<semaphore_mem>>) src(%dma_wait3A_408 : memref<60000x64xf32, #tpu.memory_space<hbm>>) dst(%arg18 : memref<128x64xf32, #tpu.memory_space<vmem>>)
      %dma_wait3A_409 = arith.constant 0 : i32
      %dma_wait3A_410 = tpu.memref_slice %arg4[%dma_wait3A_409, %add3A_303] : memref<3x320000xi32, #tpu.memory_space<hbm>> -> memref<1x128xi32, #tpu.memory_space<hbm>>
      %dma_wait3A_411 = tpu.memref_squeeze %dma_wait3A_410 : memref<1x128xi32, #tpu.memory_space<hbm>> -> memref<128xi32, #tpu.memory_space<hbm>>
      %dma_wait3A_412 = tpu.memref_slice %arg4[%dma_wait3A_409, %add3A_303] : memref<3x320000xi32, #tpu.memory_space<hbm>> -> memref<1x128xi32, #tpu.memory_space<hbm>>
      %dma_wait3A_413 = tpu.memref_squeeze %dma_wait3A_412 : memref<1x128xi32, #tpu.memory_space<hbm>> -> memref<128xi32, #tpu.memory_space<hbm>>
      tpu.wait_dma2 semaphore(%arg33 : memref<!tpu.dma_semaphore, #tpu.memory_space<semaphore_mem>>) src(%dma_wait3A_413 : memref<128xi32, #tpu.memory_space<hbm>>) dst(%arg13 : memref<128xi32, #tpu.memory_space<vmem>>)
      %dma_start3A_414 = arith.constant 0 : i32
      %dma_start3A_415 = arith.constant 0 : i32
      %dma_start3A_416 = tpu.memref_slice %arg25[%dma_start3A_414, %dma_start3A_415] : memref<10112x64xf32, #tpu.memory_space<vmem_shared>> -> memref<10112x64xf32, #tpu.memory_space<vmem_shared>>
      tpu.enqueue_indirect_dma source(%arg18 : memref<128x64xf32, #tpu.memory_space<vmem>>) target(%dma_start3A_416 : memref<10112x64xf32, #tpu.memory_space<vmem_shared>>) offsets(%arg13 : memref<128xi32, #tpu.memory_space<vmem>>) semaphore(%arg43 : memref<!tpu.dma_semaphore, #tpu.memory_space<semaphore_mem>>) {add = true}
      %dma_wait3A_417 = arith.constant 0 : i32
      %dma_wait3A_418 = arith.constant 0 : i32
      %dma_wait3A_419 = tpu.memref_slice %arg2[%dma_wait3A_417, %dma_wait3A_418] : memref<60000x64xf32, #tpu.memory_space<hbm>> -> memref<60000x64xf32, #tpu.memory_space<hbm>>
      tpu.wait_indirect_dma semaphore(%arg39 : memref<!tpu.dma_semaphore, #tpu.memory_space<semaphore_mem>>) src(%dma_wait3A_419 : memref<60000x64xf32, #tpu.memory_space<hbm>>) dst(%arg19 : memref<128x64xf32, #tpu.memory_space<vmem>>)
      %dma_wait3A_420 = arith.constant 0 : i32
      %dma_wait3A_421 = tpu.memref_slice %arg4[%dma_wait3A_420, %add3A_318] : memref<3x320000xi32, #tpu.memory_space<hbm>> -> memref<1x128xi32, #tpu.memory_space<hbm>>
      %dma_wait3A_422 = tpu.memref_squeeze %dma_wait3A_421 : memref<1x128xi32, #tpu.memory_space<hbm>> -> memref<128xi32, #tpu.memory_space<hbm>>
      %dma_wait3A_423 = tpu.memref_slice %arg4[%dma_wait3A_420, %add3A_318] : memref<3x320000xi32, #tpu.memory_space<hbm>> -> memref<1x128xi32, #tpu.memory_space<hbm>>
      %dma_wait3A_424 = tpu.memref_squeeze %dma_wait3A_423 : memref<1x128xi32, #tpu.memory_space<hbm>> -> memref<128xi32, #tpu.memory_space<hbm>>
      tpu.wait_dma2 semaphore(%arg34 : memref<!tpu.dma_semaphore, #tpu.memory_space<semaphore_mem>>) src(%dma_wait3A_424 : memref<128xi32, #tpu.memory_space<hbm>>) dst(%arg14 : memref<128xi32, #tpu.memory_space<vmem>>)
      %dma_start3A_425 = arith.constant 0 : i32
      %dma_start3A_426 = arith.constant 0 : i32
      %dma_start3A_427 = tpu.memref_slice %arg25[%dma_start3A_425, %dma_start3A_426] : memref<10112x64xf32, #tpu.memory_space<vmem_shared>> -> memref<10112x64xf32, #tpu.memory_space<vmem_shared>>
      tpu.enqueue_indirect_dma source(%arg19 : memref<128x64xf32, #tpu.memory_space<vmem>>) target(%dma_start3A_427 : memref<10112x64xf32, #tpu.memory_space<vmem_shared>>) offsets(%arg14 : memref<128xi32, #tpu.memory_space<vmem>>) semaphore(%arg44 : memref<!tpu.dma_semaphore, #tpu.memory_space<semaphore_mem>>) {add = true}
      %dma_wait3A_428 = arith.constant 0 : i32
      %dma_wait3A_429 = arith.constant 0 : i32
      %dma_wait3A_430 = tpu.memref_slice %arg2[%dma_wait3A_428, %dma_wait3A_429] : memref<60000x64xf32, #tpu.memory_space<hbm>> -> memref<60000x64xf32, #tpu.memory_space<hbm>>
      tpu.wait_indirect_dma semaphore(%arg40 : memref<!tpu.dma_semaphore, #tpu.memory_space<semaphore_mem>>) src(%dma_wait3A_430 : memref<60000x64xf32, #tpu.memory_space<hbm>>) dst(%arg20 : memref<128x64xf32, #tpu.memory_space<vmem>>)
      %dma_wait3A_431 = arith.constant 0 : i32
      %dma_wait3A_432 = tpu.memref_slice %arg4[%dma_wait3A_431, %add3A_333] : memref<3x320000xi32, #tpu.memory_space<hbm>> -> memref<1x128xi32, #tpu.memory_space<hbm>>
      %dma_wait3A_433 = tpu.memref_squeeze %dma_wait3A_432 : memref<1x128xi32, #tpu.memory_space<hbm>> -> memref<128xi32, #tpu.memory_space<hbm>>
      %dma_wait3A_434 = tpu.memref_slice %arg4[%dma_wait3A_431, %add3A_333] : memref<3x320000xi32, #tpu.memory_space<hbm>> -> memref<1x128xi32, #tpu.memory_space<hbm>>
      %dma_wait3A_435 = tpu.memref_squeeze %dma_wait3A_434 : memref<1x128xi32, #tpu.memory_space<hbm>> -> memref<128xi32, #tpu.memory_space<hbm>>
      tpu.wait_dma2 semaphore(%arg35 : memref<!tpu.dma_semaphore, #tpu.memory_space<semaphore_mem>>) src(%dma_wait3A_435 : memref<128xi32, #tpu.memory_space<hbm>>) dst(%arg15 : memref<128xi32, #tpu.memory_space<vmem>>)
      %dma_start3A_436 = arith.constant 0 : i32
      %dma_start3A_437 = arith.constant 0 : i32
      %dma_start3A_438 = tpu.memref_slice %arg25[%dma_start3A_436, %dma_start3A_437] : memref<10112x64xf32, #tpu.memory_space<vmem_shared>> -> memref<10112x64xf32, #tpu.memory_space<vmem_shared>>
      tpu.enqueue_indirect_dma source(%arg20 : memref<128x64xf32, #tpu.memory_space<vmem>>) target(%dma_start3A_438 : memref<10112x64xf32, #tpu.memory_space<vmem_shared>>) offsets(%arg15 : memref<128xi32, #tpu.memory_space<vmem>>) semaphore(%arg45 : memref<!tpu.dma_semaphore, #tpu.memory_space<semaphore_mem>>) {add = true}
      %dma_wait3A_439 = arith.constant 0 : i32
      %dma_wait3A_440 = arith.constant 0 : i32
      %dma_wait3A_441 = tpu.memref_slice %arg25[%dma_wait3A_439, %dma_wait3A_440] : memref<10112x64xf32, #tpu.memory_space<vmem_shared>> -> memref<10112x64xf32, #tpu.memory_space<vmem_shared>>
      tpu.wait_indirect_dma semaphore(%arg41 : memref<!tpu.dma_semaphore, #tpu.memory_space<semaphore_mem>>) src(%arg16 : memref<128x64xf32, #tpu.memory_space<vmem>>) dst(%dma_wait3A_441 : memref<10112x64xf32, #tpu.memory_space<vmem_shared>>)
      %dma_wait3A_442 = arith.constant 0 : i32
      %dma_wait3A_443 = arith.constant 0 : i32
      %dma_wait3A_444 = tpu.memref_slice %arg25[%dma_wait3A_442, %dma_wait3A_443] : memref<10112x64xf32, #tpu.memory_space<vmem_shared>> -> memref<10112x64xf32, #tpu.memory_space<vmem_shared>>
      tpu.wait_indirect_dma semaphore(%arg42 : memref<!tpu.dma_semaphore, #tpu.memory_space<semaphore_mem>>) src(%arg17 : memref<128x64xf32, #tpu.memory_space<vmem>>) dst(%dma_wait3A_444 : memref<10112x64xf32, #tpu.memory_space<vmem_shared>>)
      %dma_wait3A_445 = arith.constant 0 : i32
      %dma_wait3A_446 = arith.constant 0 : i32
      %dma_wait3A_447 = tpu.memref_slice %arg25[%dma_wait3A_445, %dma_wait3A_446] : memref<10112x64xf32, #tpu.memory_space<vmem_shared>> -> memref<10112x64xf32, #tpu.memory_space<vmem_shared>>
      tpu.wait_indirect_dma semaphore(%arg43 : memref<!tpu.dma_semaphore, #tpu.memory_space<semaphore_mem>>) src(%arg18 : memref<128x64xf32, #tpu.memory_space<vmem>>) dst(%dma_wait3A_447 : memref<10112x64xf32, #tpu.memory_space<vmem_shared>>)
      %dma_wait3A_448 = arith.constant 0 : i32
      %dma_wait3A_449 = arith.constant 0 : i32
      %dma_wait3A_450 = tpu.memref_slice %arg25[%dma_wait3A_448, %dma_wait3A_449] : memref<10112x64xf32, #tpu.memory_space<vmem_shared>> -> memref<10112x64xf32, #tpu.memory_space<vmem_shared>>
      tpu.wait_indirect_dma semaphore(%arg44 : memref<!tpu.dma_semaphore, #tpu.memory_space<semaphore_mem>>) src(%arg19 : memref<128x64xf32, #tpu.memory_space<vmem>>) dst(%dma_wait3A_450 : memref<10112x64xf32, #tpu.memory_space<vmem_shared>>)
      %dma_wait3A_451 = arith.constant 0 : i32
      %dma_wait3A_452 = arith.constant 0 : i32
      %dma_wait3A_453 = tpu.memref_slice %arg25[%dma_wait3A_451, %dma_wait3A_452] : memref<10112x64xf32, #tpu.memory_space<vmem_shared>> -> memref<10112x64xf32, #tpu.memory_space<vmem_shared>>
      tpu.wait_indirect_dma semaphore(%arg45 : memref<!tpu.dma_semaphore, #tpu.memory_space<semaphore_mem>>) src(%arg20 : memref<128x64xf32, #tpu.memory_space<vmem>>) dst(%dma_wait3A_453 : memref<10112x64xf32, #tpu.memory_space<vmem_shared>>)
    }
    %scan3A_17 = arith.constant 31 : i32
    %add3A_18 = arith.constant 19840 : i32
    %add3A_19 = arith.addi %mul3A_8, %add3A_18 : i32
    %dma_start3A = arith.constant 0 : i32
    %dma_start3A_20 = tpu.memref_slice %arg3[%arg0, %dma_start3A, %add3A_19] : memref<2x3x320000xi32, #tpu.memory_space<hbm>> -> memref<1x1x128xi32, #tpu.memory_space<hbm>>
    %dma_start3A_21 = tpu.memref_squeeze %dma_start3A_20 : memref<1x1x128xi32, #tpu.memory_space<hbm>> -> memref<128xi32, #tpu.memory_space<hbm>>
    %dma_start3A_22 = tpu.memref_slice %arg3[%arg0, %dma_start3A, %add3A_19] : memref<2x3x320000xi32, #tpu.memory_space<hbm>> -> memref<1x1x128xi32, #tpu.memory_space<hbm>>
    %dma_start3A_23 = tpu.memref_squeeze %dma_start3A_22 : memref<1x1x128xi32, #tpu.memory_space<hbm>> -> memref<128xi32, #tpu.memory_space<hbm>>
    tpu.enqueue_dma source(%dma_start3A_23 : memref<128xi32, #tpu.memory_space<hbm>>) target(%arg6 : memref<128xi32, #tpu.memory_space<vmem>>) target_semaphore(%arg26 : memref<!tpu.dma_semaphore, #tpu.memory_space<semaphore_mem>>)
    %dma_start3A_24 = arith.constant 0 : i32
    %dma_start3A_25 = tpu.memref_slice %arg4[%dma_start3A_24, %add3A_19] : memref<3x320000xi32, #tpu.memory_space<hbm>> -> memref<1x128xi32, #tpu.memory_space<hbm>>
    %dma_start3A_26 = tpu.memref_squeeze %dma_start3A_25 : memref<1x128xi32, #tpu.memory_space<hbm>> -> memref<128xi32, #tpu.memory_space<hbm>>
    %dma_start3A_27 = tpu.memref_slice %arg4[%dma_start3A_24, %add3A_19] : memref<3x320000xi32, #tpu.memory_space<hbm>> -> memref<1x128xi32, #tpu.memory_space<hbm>>
    %dma_start3A_28 = tpu.memref_squeeze %dma_start3A_27 : memref<1x128xi32, #tpu.memory_space<hbm>> -> memref<128xi32, #tpu.memory_space<hbm>>
    tpu.enqueue_dma source(%dma_start3A_28 : memref<128xi32, #tpu.memory_space<hbm>>) target(%arg11 : memref<128xi32, #tpu.memory_space<vmem>>) target_semaphore(%arg31 : memref<!tpu.dma_semaphore, #tpu.memory_space<semaphore_mem>>)
    %add3A_29 = arith.constant 19968 : i32
    %add3A_30 = arith.addi %mul3A_8, %add3A_29 : i32
    %dma_start3A_31 = arith.constant 0 : i32
    %dma_start3A_32 = tpu.memref_slice %arg3[%arg0, %dma_start3A_31, %add3A_30] : memref<2x3x320000xi32, #tpu.memory_space<hbm>> -> memref<1x1x32xi32, #tpu.memory_space<hbm>>
    %dma_start3A_33 = tpu.memref_squeeze %dma_start3A_32 : memref<1x1x32xi32, #tpu.memory_space<hbm>> -> memref<32xi32, #tpu.memory_space<hbm>>
    %dma_start3A_34 = tpu.memref_slice %arg3[%arg0, %dma_start3A_31, %add3A_30] : memref<2x3x320000xi32, #tpu.memory_space<hbm>> -> memref<1x1x32xi32, #tpu.memory_space<hbm>>
    %dma_start3A_35 = tpu.memref_squeeze %dma_start3A_34 : memref<1x1x32xi32, #tpu.memory_space<hbm>> -> memref<32xi32, #tpu.memory_space<hbm>>
    tpu.enqueue_dma source(%dma_start3A_35 : memref<32xi32, #tpu.memory_space<hbm>>) target(%arg22 : memref<32xi32, #tpu.memory_space<vmem>>) target_semaphore(%arg30 : memref<!tpu.dma_semaphore, #tpu.memory_space<semaphore_mem>>)
    %dma_start3A_36 = arith.constant 0 : i32
    %dma_start3A_37 = tpu.memref_slice %arg4[%dma_start3A_36, %add3A_30] : memref<3x320000xi32, #tpu.memory_space<hbm>> -> memref<1x32xi32, #tpu.memory_space<hbm>>
    %dma_start3A_38 = tpu.memref_squeeze %dma_start3A_37 : memref<1x32xi32, #tpu.memory_space<hbm>> -> memref<32xi32, #tpu.memory_space<hbm>>
    %dma_start3A_39 = tpu.memref_slice %arg4[%dma_start3A_36, %add3A_30] : memref<3x320000xi32, #tpu.memory_space<hbm>> -> memref<1x32xi32, #tpu.memory_space<hbm>>
    %dma_start3A_40 = tpu.memref_squeeze %dma_start3A_39 : memref<1x32xi32, #tpu.memory_space<hbm>> -> memref<32xi32, #tpu.memory_space<hbm>>
    tpu.enqueue_dma source(%dma_start3A_40 : memref<32xi32, #tpu.memory_space<hbm>>) target(%arg23 : memref<32xi32, #tpu.memory_space<vmem>>) target_semaphore(%arg35 : memref<!tpu.dma_semaphore, #tpu.memory_space<semaphore_mem>>)
    %dma_wait3A = arith.constant 0 : i32
    %dma_wait3A_41 = tpu.memref_slice %arg3[%arg0, %dma_wait3A, %add3A_19] : memref<2x3x320000xi32, #tpu.memory_space<hbm>> -> memref<1x1x128xi32, #tpu.memory_space<hbm>>
    %dma_wait3A_42 = tpu.memref_squeeze %dma_wait3A_41 : memref<1x1x128xi32, #tpu.memory_space<hbm>> -> memref<128xi32, #tpu.memory_space<hbm>>
    %dma_wait3A_43 = tpu.memref_slice %arg3[%arg0, %dma_wait3A, %add3A_19] : memref<2x3x320000xi32, #tpu.memory_space<hbm>> -> memref<1x1x128xi32, #tpu.memory_space<hbm>>
    %dma_wait3A_44 = tpu.memref_squeeze %dma_wait3A_43 : memref<1x1x128xi32, #tpu.memory_space<hbm>> -> memref<128xi32, #tpu.memory_space<hbm>>
    tpu.wait_dma2 semaphore(%arg26 : memref<!tpu.dma_semaphore, #tpu.memory_space<semaphore_mem>>) src(%dma_wait3A_44 : memref<128xi32, #tpu.memory_space<hbm>>) dst(%arg6 : memref<128xi32, #tpu.memory_space<vmem>>)
    %dma_start3A_45 = arith.constant 0 : i32
    %dma_start3A_46 = arith.constant 0 : i32
    %dma_start3A_47 = tpu.memref_slice %arg2[%dma_start3A_45, %dma_start3A_46] : memref<60000x64xf32, #tpu.memory_space<hbm>> -> memref<60000x64xf32, #tpu.memory_space<hbm>>
    tpu.enqueue_indirect_dma source(%dma_start3A_47 : memref<60000x64xf32, #tpu.memory_space<hbm>>) target(%arg16 : memref<128x64xf32, #tpu.memory_space<vmem>>) offsets(%arg6 : memref<128xi32, #tpu.memory_space<vmem>>) semaphore(%arg36 : memref<!tpu.dma_semaphore, #tpu.memory_space<semaphore_mem>>)
    %dma_wait3A_48 = arith.constant 0 : i32
    %dma_wait3A_49 = tpu.memref_slice %arg3[%arg0, %dma_wait3A_48, %add3A_30] : memref<2x3x320000xi32, #tpu.memory_space<hbm>> -> memref<1x1x32xi32, #tpu.memory_space<hbm>>
    %dma_wait3A_50 = tpu.memref_squeeze %dma_wait3A_49 : memref<1x1x32xi32, #tpu.memory_space<hbm>> -> memref<32xi32, #tpu.memory_space<hbm>>
    %dma_wait3A_51 = tpu.memref_slice %arg3[%arg0, %dma_wait3A_48, %add3A_30] : memref<2x3x320000xi32, #tpu.memory_space<hbm>> -> memref<1x1x32xi32, #tpu.memory_space<hbm>>
    %dma_wait3A_52 = tpu.memref_squeeze %dma_wait3A_51 : memref<1x1x32xi32, #tpu.memory_space<hbm>> -> memref<32xi32, #tpu.memory_space<hbm>>
    tpu.wait_dma2 semaphore(%arg30 : memref<!tpu.dma_semaphore, #tpu.memory_space<semaphore_mem>>) src(%dma_wait3A_52 : memref<32xi32, #tpu.memory_space<hbm>>) dst(%arg22 : memref<32xi32, #tpu.memory_space<vmem>>)
    %dma_start3A_53 = arith.constant 0 : i32
    %dma_start3A_54 = arith.constant 0 : i32
    %dma_start3A_55 = tpu.memref_slice %arg2[%dma_start3A_53, %dma_start3A_54] : memref<60000x64xf32, #tpu.memory_space<hbm>> -> memref<60000x64xf32, #tpu.memory_space<hbm>>
    tpu.enqueue_indirect_dma source(%dma_start3A_55 : memref<60000x64xf32, #tpu.memory_space<hbm>>) target(%arg21 : memref<32x64xf32, #tpu.memory_space<vmem>>) offsets(%arg22 : memref<32xi32, #tpu.memory_space<vmem>>) semaphore(%arg40 : memref<!tpu.dma_semaphore, #tpu.memory_space<semaphore_mem>>)
    %dma_wait3A_56 = arith.constant 0 : i32
    %dma_wait3A_57 = arith.constant 0 : i32
    %dma_wait3A_58 = tpu.memref_slice %arg2[%dma_wait3A_56, %dma_wait3A_57] : memref<60000x64xf32, #tpu.memory_space<hbm>> -> memref<60000x64xf32, #tpu.memory_space<hbm>>
    tpu.wait_indirect_dma semaphore(%arg36 : memref<!tpu.dma_semaphore, #tpu.memory_space<semaphore_mem>>) src(%dma_wait3A_58 : memref<60000x64xf32, #tpu.memory_space<hbm>>) dst(%arg16 : memref<128x64xf32, #tpu.memory_space<vmem>>)
    %dma_wait3A_59 = arith.constant 0 : i32
    %dma_wait3A_60 = tpu.memref_slice %arg4[%dma_wait3A_59, %add3A_19] : memref<3x320000xi32, #tpu.memory_space<hbm>> -> memref<1x128xi32, #tpu.memory_space<hbm>>
    %dma_wait3A_61 = tpu.memref_squeeze %dma_wait3A_60 : memref<1x128xi32, #tpu.memory_space<hbm>> -> memref<128xi32, #tpu.memory_space<hbm>>
    %dma_wait3A_62 = tpu.memref_slice %arg4[%dma_wait3A_59, %add3A_19] : memref<3x320000xi32, #tpu.memory_space<hbm>> -> memref<1x128xi32, #tpu.memory_space<hbm>>
    %dma_wait3A_63 = tpu.memref_squeeze %dma_wait3A_62 : memref<1x128xi32, #tpu.memory_space<hbm>> -> memref<128xi32, #tpu.memory_space<hbm>>
    tpu.wait_dma2 semaphore(%arg31 : memref<!tpu.dma_semaphore, #tpu.memory_space<semaphore_mem>>) src(%dma_wait3A_63 : memref<128xi32, #tpu.memory_space<hbm>>) dst(%arg11 : memref<128xi32, #tpu.memory_space<vmem>>)
    %dma_start3A_64 = arith.constant 0 : i32
    %dma_start3A_65 = arith.constant 0 : i32
    %dma_start3A_66 = tpu.memref_slice %arg25[%dma_start3A_64, %dma_start3A_65] : memref<10112x64xf32, #tpu.memory_space<vmem_shared>> -> memref<10112x64xf32, #tpu.memory_space<vmem_shared>>
    tpu.enqueue_indirect_dma source(%arg16 : memref<128x64xf32, #tpu.memory_space<vmem>>) target(%dma_start3A_66 : memref<10112x64xf32, #tpu.memory_space<vmem_shared>>) offsets(%arg11 : memref<128xi32, #tpu.memory_space<vmem>>) semaphore(%arg41 : memref<!tpu.dma_semaphore, #tpu.memory_space<semaphore_mem>>) {add = true}
    %dma_wait3A_67 = arith.constant 0 : i32
    %dma_wait3A_68 = arith.constant 0 : i32
    %dma_wait3A_69 = tpu.memref_slice %arg2[%dma_wait3A_67, %dma_wait3A_68] : memref<60000x64xf32, #tpu.memory_space<hbm>> -> memref<60000x64xf32, #tpu.memory_space<hbm>>
    tpu.wait_indirect_dma semaphore(%arg40 : memref<!tpu.dma_semaphore, #tpu.memory_space<semaphore_mem>>) src(%dma_wait3A_69 : memref<60000x64xf32, #tpu.memory_space<hbm>>) dst(%arg21 : memref<32x64xf32, #tpu.memory_space<vmem>>)
    %dma_wait3A_70 = arith.constant 0 : i32
    %dma_wait3A_71 = tpu.memref_slice %arg4[%dma_wait3A_70, %add3A_30] : memref<3x320000xi32, #tpu.memory_space<hbm>> -> memref<1x32xi32, #tpu.memory_space<hbm>>
    %dma_wait3A_72 = tpu.memref_squeeze %dma_wait3A_71 : memref<1x32xi32, #tpu.memory_space<hbm>> -> memref<32xi32, #tpu.memory_space<hbm>>
    %dma_wait3A_73 = tpu.memref_slice %arg4[%dma_wait3A_70, %add3A_30] : memref<3x320000xi32, #tpu.memory_space<hbm>> -> memref<1x32xi32, #tpu.memory_space<hbm>>
    %dma_wait3A_74 = tpu.memref_squeeze %dma_wait3A_73 : memref<1x32xi32, #tpu.memory_space<hbm>> -> memref<32xi32, #tpu.memory_space<hbm>>
    tpu.wait_dma2 semaphore(%arg35 : memref<!tpu.dma_semaphore, #tpu.memory_space<semaphore_mem>>) src(%dma_wait3A_74 : memref<32xi32, #tpu.memory_space<hbm>>) dst(%arg23 : memref<32xi32, #tpu.memory_space<vmem>>)
    %dma_start3A_75 = arith.constant 0 : i32
    %dma_start3A_76 = arith.constant 0 : i32
    %dma_start3A_77 = tpu.memref_slice %arg25[%dma_start3A_75, %dma_start3A_76] : memref<10112x64xf32, #tpu.memory_space<vmem_shared>> -> memref<10112x64xf32, #tpu.memory_space<vmem_shared>>
    tpu.enqueue_indirect_dma source(%arg21 : memref<32x64xf32, #tpu.memory_space<vmem>>) target(%dma_start3A_77 : memref<10112x64xf32, #tpu.memory_space<vmem_shared>>) offsets(%arg23 : memref<32xi32, #tpu.memory_space<vmem>>) semaphore(%arg42 : memref<!tpu.dma_semaphore, #tpu.memory_space<semaphore_mem>>) {add = true}
    %dma_wait3A_78 = arith.constant 0 : i32
    %dma_wait3A_79 = arith.constant 0 : i32
    %dma_wait3A_80 = tpu.memref_slice %arg25[%dma_wait3A_78, %dma_wait3A_79] : memref<10112x64xf32, #tpu.memory_space<vmem_shared>> -> memref<10112x64xf32, #tpu.memory_space<vmem_shared>>
    tpu.wait_indirect_dma semaphore(%arg41 : memref<!tpu.dma_semaphore, #tpu.memory_space<semaphore_mem>>) src(%arg16 : memref<128x64xf32, #tpu.memory_space<vmem>>) dst(%dma_wait3A_80 : memref<10112x64xf32, #tpu.memory_space<vmem_shared>>)
    %dma_wait3A_81 = arith.constant 0 : i32
    %dma_wait3A_82 = arith.constant 0 : i32
    %dma_wait3A_83 = tpu.memref_slice %arg25[%dma_wait3A_81, %dma_wait3A_82] : memref<10112x64xf32, #tpu.memory_space<vmem_shared>> -> memref<10112x64xf32, #tpu.memory_space<vmem_shared>>
    tpu.wait_indirect_dma semaphore(%arg42 : memref<!tpu.dma_semaphore, #tpu.memory_space<semaphore_mem>>) src(%arg21 : memref<32x64xf32, #tpu.memory_space<vmem>>) dst(%dma_wait3A_83 : memref<10112x64xf32, #tpu.memory_space<vmem_shared>>)
    %barrier3A_84 = arith.constant 0 : index
    tpu.barrier barrier_id(%barrier3A_84)
    %mul3A_85 = arith.constant 3 : i32
    %mul3A_86 = arith.muli %arg0, %mul3A_85 : i32
    %add3A_87 = arith.constant 0 : i32
    %add3A_88 = arith.addi %mul3A_86, %add3A_87 : i32
    %mul3A_89 = arith.constant 10112 : i32
    %mul3A_90 = arith.muli %add3A_88, %mul3A_89 : i32
    %add3A_91 = arith.addi %mul3A_90, %mul3A_6 : i32
    "tpu.region"() ({
      %run_scoped3A = tpu.sem_alloc : memref<!tpu.dma_semaphore, #tpu.memory_space<semaphore_mem>>
      %dma_start3A_266 = arith.constant 0 : i32
      %dma_start3A_267 = tpu.memref_slice %arg5[%add3A_91, %dma_start3A_266] : memref<60672x64xf32, #tpu.memory_space<hbm>> -> memref<632x64xf32, #tpu.memory_space<hbm>>
      %dma_start3A_268 = arith.constant 0 : i32
      %dma_start3A_269 = tpu.memref_slice %arg25[%mul3A_6, %dma_start3A_268] : memref<10112x64xf32, #tpu.memory_space<vmem_shared>> -> memref<632x64xf32, #tpu.memory_space<vmem_shared>>
      tpu.enqueue_dma source(%dma_start3A_269 : memref<632x64xf32, #tpu.memory_space<vmem_shared>>) target(%dma_start3A_267 : memref<632x64xf32, #tpu.memory_space<hbm>>) target_semaphore(%run_scoped3A : memref<!tpu.dma_semaphore, #tpu.memory_space<semaphore_mem>>)
      %dma_wait3A_270 = arith.constant 0 : i32
      %dma_wait3A_271 = tpu.memref_slice %arg5[%add3A_91, %dma_wait3A_270] : memref<60672x64xf32, #tpu.memory_space<hbm>> -> memref<632x64xf32, #tpu.memory_space<hbm>>
      %dma_wait3A_272 = arith.constant 0 : i32
      %dma_wait3A_273 = tpu.memref_slice %arg25[%mul3A_6, %dma_wait3A_272] : memref<10112x64xf32, #tpu.memory_space<vmem_shared>> -> memref<632x64xf32, #tpu.memory_space<vmem_shared>>
      tpu.wait_dma2 semaphore(%run_scoped3A : memref<!tpu.dma_semaphore, #tpu.memory_space<semaphore_mem>>) src(%dma_wait3A_273 : memref<632x64xf32, #tpu.memory_space<vmem_shared>>) dst(%dma_wait3A_271 : memref<632x64xf32, #tpu.memory_space<hbm>>)
      tpu.yield
    }) : () -> ()
    %add3A_92 = arith.constant 0 : i32
    %add3A_93 = arith.addi %mul3A_6, %add3A_92 : i32
    "tpu.region"() ({
      %run_scoped3A = tpu.sem_alloc : memref<!tpu.dma_semaphore, #tpu.memory_space<semaphore_mem>>
      %dma_start3A_266 = arith.constant 0 : i32
      %dma_start3A_267 = tpu.memref_slice %arg25[%add3A_93, %dma_start3A_266] : memref<10112x64xf32, #tpu.memory_space<vmem_shared>> -> memref<316x64xf32, #tpu.memory_space<vmem_shared>>
      %dma_start3A_268 = arith.constant 0 : i32
      %dma_start3A_269 = tpu.memref_slice %arg25[%add3A_93, %dma_start3A_268] : memref<10112x64xf32, #tpu.memory_space<vmem_shared>> -> memref<316x64xf32, #tpu.memory_space<vmem_shared>>
      tpu.enqueue_dma source(%arg24 : memref<316x64xf32, #tpu.memory_space<vmem>>) target(%dma_start3A_269 : memref<316x64xf32, #tpu.memory_space<vmem_shared>>) target_semaphore(%run_scoped3A : memref<!tpu.dma_semaphore, #tpu.memory_space<semaphore_mem>>)
      %dma_wait3A_270 = arith.constant 0 : i32
      %dma_wait3A_271 = tpu.memref_slice %arg25[%add3A_93, %dma_wait3A_270] : memref<10112x64xf32, #tpu.memory_space<vmem_shared>> -> memref<316x64xf32, #tpu.memory_space<vmem_shared>>
      %dma_wait3A_272 = arith.constant 0 : i32
      %dma_wait3A_273 = tpu.memref_slice %arg25[%add3A_93, %dma_wait3A_272] : memref<10112x64xf32, #tpu.memory_space<vmem_shared>> -> memref<316x64xf32, #tpu.memory_space<vmem_shared>>
      tpu.wait_dma2 semaphore(%run_scoped3A : memref<!tpu.dma_semaphore, #tpu.memory_space<semaphore_mem>>) src(%arg24 : memref<316x64xf32, #tpu.memory_space<vmem>>) dst(%dma_wait3A_273 : memref<316x64xf32, #tpu.memory_space<vmem_shared>>)
      tpu.yield
    }) : () -> ()
    %add3A_94 = arith.constant 316 : i32
    %add3A_95 = arith.addi %mul3A_6, %add3A_94 : i32
    "tpu.region"() ({
      %run_scoped3A = tpu.sem_alloc : memref<!tpu.dma_semaphore, #tpu.memory_space<semaphore_mem>>
      %dma_start3A_266 = arith.constant 0 : i32
      %dma_start3A_267 = tpu.memref_slice %arg25[%add3A_95, %dma_start3A_266] : memref<10112x64xf32, #tpu.memory_space<vmem_shared>> -> memref<316x64xf32, #tpu.memory_space<vmem_shared>>
      %dma_start3A_268 = arith.constant 0 : i32
      %dma_start3A_269 = tpu.memref_slice %arg25[%add3A_95, %dma_start3A_268] : memref<10112x64xf32, #tpu.memory_space<vmem_shared>> -> memref<316x64xf32, #tpu.memory_space<vmem_shared>>
      tpu.enqueue_dma source(%arg24 : memref<316x64xf32, #tpu.memory_space<vmem>>) target(%dma_start3A_269 : memref<316x64xf32, #tpu.memory_space<vmem_shared>>) target_semaphore(%run_scoped3A : memref<!tpu.dma_semaphore, #tpu.memory_space<semaphore_mem>>)
      %dma_wait3A_270 = arith.constant 0 : i32
      %dma_wait3A_271 = tpu.memref_slice %arg25[%add3A_95, %dma_wait3A_270] : memref<10112x64xf32, #tpu.memory_space<vmem_shared>> -> memref<316x64xf32, #tpu.memory_space<vmem_shared>>
      %dma_wait3A_272 = arith.constant 0 : i32
      %dma_wait3A_273 = tpu.memref_slice %arg25[%add3A_95, %dma_wait3A_272] : memref<10112x64xf32, #tpu.memory_space<vmem_shared>> -> memref<316x64xf32, #tpu.memory_space<vmem_shared>>
      tpu.wait_dma2 semaphore(%run_scoped3A : memref<!tpu.dma_semaphore, #tpu.memory_space<semaphore_mem>>) src(%arg24 : memref<316x64xf32, #tpu.memory_space<vmem>>) dst(%dma_wait3A_273 : memref<316x64xf32, #tpu.memory_space<vmem_shared>>)
      tpu.yield
    }) : () -> ()
    %barrier3A_96 = arith.constant 0 : index
    tpu.barrier barrier_id(%barrier3A_96)
    %scan3A_97 = arith.constant 0 : i32
    %scan3A_98 = arith.constant 0 : i32
    %scan3A_99 = arith.constant 31 : i32
    %scan3A_100 = arith.addi %scan3A_98, %scan3A_99 : i32
    %scan3A_101 = arith.constant 1 : i32
    scf.for %scan3A_266 = %scan3A_98 to %scan3A_100 step %scan3A_101  : i32 {
      %mul3A_267 = arith.constant 5 : i32
      %mul3A_268 = arith.muli %scan3A_266, %mul3A_267 : i32
      %add3A_269 = arith.constant 0 : i32
      %add3A_270 = arith.addi %mul3A_268, %add3A_269 : i32
      %mul3A_271 = arith.constant 128 : i32
      %mul3A_272 = arith.muli %add3A_270, %mul3A_271 : i32
      %add3A_273 = arith.addi %mul3A_8, %mul3A_272 : i32
      %dma_start3A_274 = arith.constant 1 : i32
      %dma_start3A_275 = tpu.memref_slice %arg3[%arg0, %dma_start3A_274, %add3A_273] : memref<2x3x320000xi32, #tpu.memory_space<hbm>> -> memref<1x1x128xi32, #tpu.memory_space<hbm>>
      %dma_start3A_276 = tpu.memref_squeeze %dma_start3A_275 : memref<1x1x128xi32, #tpu.memory_space<hbm>> -> memref<128xi32, #tpu.memory_space<hbm>>
      %dma_start3A_277 = tpu.memref_slice %arg3[%arg0, %dma_start3A_274, %add3A_273] : memref<2x3x320000xi32, #tpu.memory_space<hbm>> -> memref<1x1x128xi32, #tpu.memory_space<hbm>>
      %dma_start3A_278 = tpu.memref_squeeze %dma_start3A_277 : memref<1x1x128xi32, #tpu.memory_space<hbm>> -> memref<128xi32, #tpu.memory_space<hbm>>
      tpu.enqueue_dma source(%dma_start3A_278 : memref<128xi32, #tpu.memory_space<hbm>>) target(%arg6 : memref<128xi32, #tpu.memory_space<vmem>>) target_semaphore(%arg26 : memref<!tpu.dma_semaphore, #tpu.memory_space<semaphore_mem>>)
      %dma_start3A_279 = arith.constant 1 : i32
      %dma_start3A_280 = tpu.memref_slice %arg4[%dma_start3A_279, %add3A_273] : memref<3x320000xi32, #tpu.memory_space<hbm>> -> memref<1x128xi32, #tpu.memory_space<hbm>>
      %dma_start3A_281 = tpu.memref_squeeze %dma_start3A_280 : memref<1x128xi32, #tpu.memory_space<hbm>> -> memref<128xi32, #tpu.memory_space<hbm>>
      %dma_start3A_282 = tpu.memref_slice %arg4[%dma_start3A_279, %add3A_273] : memref<3x320000xi32, #tpu.memory_space<hbm>> -> memref<1x128xi32, #tpu.memory_space<hbm>>
      %dma_start3A_283 = tpu.memref_squeeze %dma_start3A_282 : memref<1x128xi32, #tpu.memory_space<hbm>> -> memref<128xi32, #tpu.memory_space<hbm>>
      tpu.enqueue_dma source(%dma_start3A_283 : memref<128xi32, #tpu.memory_space<hbm>>) target(%arg11 : memref<128xi32, #tpu.memory_space<vmem>>) target_semaphore(%arg31 : memref<!tpu.dma_semaphore, #tpu.memory_space<semaphore_mem>>)
      %add3A_284 = arith.constant 1 : i32
      %add3A_285 = arith.addi %mul3A_268, %add3A_284 : i32
      %mul3A_286 = arith.constant 128 : i32
      %mul3A_287 = arith.muli %add3A_285, %mul3A_286 : i32
      %add3A_288 = arith.addi %mul3A_8, %mul3A_287 : i32
      %dma_start3A_289 = arith.constant 1 : i32
      %dma_start3A_290 = tpu.memref_slice %arg3[%arg0, %dma_start3A_289, %add3A_288] : memref<2x3x320000xi32, #tpu.memory_space<hbm>> -> memref<1x1x128xi32, #tpu.memory_space<hbm>>
      %dma_start3A_291 = tpu.memref_squeeze %dma_start3A_290 : memref<1x1x128xi32, #tpu.memory_space<hbm>> -> memref<128xi32, #tpu.memory_space<hbm>>
      %dma_start3A_292 = tpu.memref_slice %arg3[%arg0, %dma_start3A_289, %add3A_288] : memref<2x3x320000xi32, #tpu.memory_space<hbm>> -> memref<1x1x128xi32, #tpu.memory_space<hbm>>
      %dma_start3A_293 = tpu.memref_squeeze %dma_start3A_292 : memref<1x1x128xi32, #tpu.memory_space<hbm>> -> memref<128xi32, #tpu.memory_space<hbm>>
      tpu.enqueue_dma source(%dma_start3A_293 : memref<128xi32, #tpu.memory_space<hbm>>) target(%arg7 : memref<128xi32, #tpu.memory_space<vmem>>) target_semaphore(%arg27 : memref<!tpu.dma_semaphore, #tpu.memory_space<semaphore_mem>>)
      %dma_start3A_294 = arith.constant 1 : i32
      %dma_start3A_295 = tpu.memref_slice %arg4[%dma_start3A_294, %add3A_288] : memref<3x320000xi32, #tpu.memory_space<hbm>> -> memref<1x128xi32, #tpu.memory_space<hbm>>
      %dma_start3A_296 = tpu.memref_squeeze %dma_start3A_295 : memref<1x128xi32, #tpu.memory_space<hbm>> -> memref<128xi32, #tpu.memory_space<hbm>>
      %dma_start3A_297 = tpu.memref_slice %arg4[%dma_start3A_294, %add3A_288] : memref<3x320000xi32, #tpu.memory_space<hbm>> -> memref<1x128xi32, #tpu.memory_space<hbm>>
      %dma_start3A_298 = tpu.memref_squeeze %dma_start3A_297 : memref<1x128xi32, #tpu.memory_space<hbm>> -> memref<128xi32, #tpu.memory_space<hbm>>
      tpu.enqueue_dma source(%dma_start3A_298 : memref<128xi32, #tpu.memory_space<hbm>>) target(%arg12 : memref<128xi32, #tpu.memory_space<vmem>>) target_semaphore(%arg32 : memref<!tpu.dma_semaphore, #tpu.memory_space<semaphore_mem>>)
      %add3A_299 = arith.constant 2 : i32
      %add3A_300 = arith.addi %mul3A_268, %add3A_299 : i32
      %mul3A_301 = arith.constant 128 : i32
      %mul3A_302 = arith.muli %add3A_300, %mul3A_301 : i32
      %add3A_303 = arith.addi %mul3A_8, %mul3A_302 : i32
      %dma_start3A_304 = arith.constant 1 : i32
      %dma_start3A_305 = tpu.memref_slice %arg3[%arg0, %dma_start3A_304, %add3A_303] : memref<2x3x320000xi32, #tpu.memory_space<hbm>> -> memref<1x1x128xi32, #tpu.memory_space<hbm>>
      %dma_start3A_306 = tpu.memref_squeeze %dma_start3A_305 : memref<1x1x128xi32, #tpu.memory_space<hbm>> -> memref<128xi32, #tpu.memory_space<hbm>>
      %dma_start3A_307 = tpu.memref_slice %arg3[%arg0, %dma_start3A_304, %add3A_303] : memref<2x3x320000xi32, #tpu.memory_space<hbm>> -> memref<1x1x128xi32, #tpu.memory_space<hbm>>
      %dma_start3A_308 = tpu.memref_squeeze %dma_start3A_307 : memref<1x1x128xi32, #tpu.memory_space<hbm>> -> memref<128xi32, #tpu.memory_space<hbm>>
      tpu.enqueue_dma source(%dma_start3A_308 : memref<128xi32, #tpu.memory_space<hbm>>) target(%arg8 : memref<128xi32, #tpu.memory_space<vmem>>) target_semaphore(%arg28 : memref<!tpu.dma_semaphore, #tpu.memory_space<semaphore_mem>>)
      %dma_start3A_309 = arith.constant 1 : i32
      %dma_start3A_310 = tpu.memref_slice %arg4[%dma_start3A_309, %add3A_303] : memref<3x320000xi32, #tpu.memory_space<hbm>> -> memref<1x128xi32, #tpu.memory_space<hbm>>
      %dma_start3A_311 = tpu.memref_squeeze %dma_start3A_310 : memref<1x128xi32, #tpu.memory_space<hbm>> -> memref<128xi32, #tpu.memory_space<hbm>>
      %dma_start3A_312 = tpu.memref_slice %arg4[%dma_start3A_309, %add3A_303] : memref<3x320000xi32, #tpu.memory_space<hbm>> -> memref<1x128xi32, #tpu.memory_space<hbm>>
      %dma_start3A_313 = tpu.memref_squeeze %dma_start3A_312 : memref<1x128xi32, #tpu.memory_space<hbm>> -> memref<128xi32, #tpu.memory_space<hbm>>
      tpu.enqueue_dma source(%dma_start3A_313 : memref<128xi32, #tpu.memory_space<hbm>>) target(%arg13 : memref<128xi32, #tpu.memory_space<vmem>>) target_semaphore(%arg33 : memref<!tpu.dma_semaphore, #tpu.memory_space<semaphore_mem>>)
      %add3A_314 = arith.constant 3 : i32
      %add3A_315 = arith.addi %mul3A_268, %add3A_314 : i32
      %mul3A_316 = arith.constant 128 : i32
      %mul3A_317 = arith.muli %add3A_315, %mul3A_316 : i32
      %add3A_318 = arith.addi %mul3A_8, %mul3A_317 : i32
      %dma_start3A_319 = arith.constant 1 : i32
      %dma_start3A_320 = tpu.memref_slice %arg3[%arg0, %dma_start3A_319, %add3A_318] : memref<2x3x320000xi32, #tpu.memory_space<hbm>> -> memref<1x1x128xi32, #tpu.memory_space<hbm>>
      %dma_start3A_321 = tpu.memref_squeeze %dma_start3A_320 : memref<1x1x128xi32, #tpu.memory_space<hbm>> -> memref<128xi32, #tpu.memory_space<hbm>>
      %dma_start3A_322 = tpu.memref_slice %arg3[%arg0, %dma_start3A_319, %add3A_318] : memref<2x3x320000xi32, #tpu.memory_space<hbm>> -> memref<1x1x128xi32, #tpu.memory_space<hbm>>
      %dma_start3A_323 = tpu.memref_squeeze %dma_start3A_322 : memref<1x1x128xi32, #tpu.memory_space<hbm>> -> memref<128xi32, #tpu.memory_space<hbm>>
      tpu.enqueue_dma source(%dma_start3A_323 : memref<128xi32, #tpu.memory_space<hbm>>) target(%arg9 : memref<128xi32, #tpu.memory_space<vmem>>) target_semaphore(%arg29 : memref<!tpu.dma_semaphore, #tpu.memory_space<semaphore_mem>>)
      %dma_start3A_324 = arith.constant 1 : i32
      %dma_start3A_325 = tpu.memref_slice %arg4[%dma_start3A_324, %add3A_318] : memref<3x320000xi32, #tpu.memory_space<hbm>> -> memref<1x128xi32, #tpu.memory_space<hbm>>
      %dma_start3A_326 = tpu.memref_squeeze %dma_start3A_325 : memref<1x128xi32, #tpu.memory_space<hbm>> -> memref<128xi32, #tpu.memory_space<hbm>>
      %dma_start3A_327 = tpu.memref_slice %arg4[%dma_start3A_324, %add3A_318] : memref<3x320000xi32, #tpu.memory_space<hbm>> -> memref<1x128xi32, #tpu.memory_space<hbm>>
      %dma_start3A_328 = tpu.memref_squeeze %dma_start3A_327 : memref<1x128xi32, #tpu.memory_space<hbm>> -> memref<128xi32, #tpu.memory_space<hbm>>
      tpu.enqueue_dma source(%dma_start3A_328 : memref<128xi32, #tpu.memory_space<hbm>>) target(%arg14 : memref<128xi32, #tpu.memory_space<vmem>>) target_semaphore(%arg34 : memref<!tpu.dma_semaphore, #tpu.memory_space<semaphore_mem>>)
      %add3A_329 = arith.constant 4 : i32
      %add3A_330 = arith.addi %mul3A_268, %add3A_329 : i32
      %mul3A_331 = arith.constant 128 : i32
      %mul3A_332 = arith.muli %add3A_330, %mul3A_331 : i32
      %add3A_333 = arith.addi %mul3A_8, %mul3A_332 : i32
      %dma_start3A_334 = arith.constant 1 : i32
      %dma_start3A_335 = tpu.memref_slice %arg3[%arg0, %dma_start3A_334, %add3A_333] : memref<2x3x320000xi32, #tpu.memory_space<hbm>> -> memref<1x1x128xi32, #tpu.memory_space<hbm>>
      %dma_start3A_336 = tpu.memref_squeeze %dma_start3A_335 : memref<1x1x128xi32, #tpu.memory_space<hbm>> -> memref<128xi32, #tpu.memory_space<hbm>>
      %dma_start3A_337 = tpu.memref_slice %arg3[%arg0, %dma_start3A_334, %add3A_333] : memref<2x3x320000xi32, #tpu.memory_space<hbm>> -> memref<1x1x128xi32, #tpu.memory_space<hbm>>
      %dma_start3A_338 = tpu.memref_squeeze %dma_start3A_337 : memref<1x1x128xi32, #tpu.memory_space<hbm>> -> memref<128xi32, #tpu.memory_space<hbm>>
      tpu.enqueue_dma source(%dma_start3A_338 : memref<128xi32, #tpu.memory_space<hbm>>) target(%arg10 : memref<128xi32, #tpu.memory_space<vmem>>) target_semaphore(%arg30 : memref<!tpu.dma_semaphore, #tpu.memory_space<semaphore_mem>>)
      %dma_start3A_339 = arith.constant 1 : i32
      %dma_start3A_340 = tpu.memref_slice %arg4[%dma_start3A_339, %add3A_333] : memref<3x320000xi32, #tpu.memory_space<hbm>> -> memref<1x128xi32, #tpu.memory_space<hbm>>
      %dma_start3A_341 = tpu.memref_squeeze %dma_start3A_340 : memref<1x128xi32, #tpu.memory_space<hbm>> -> memref<128xi32, #tpu.memory_space<hbm>>
      %dma_start3A_342 = tpu.memref_slice %arg4[%dma_start3A_339, %add3A_333] : memref<3x320000xi32, #tpu.memory_space<hbm>> -> memref<1x128xi32, #tpu.memory_space<hbm>>
      %dma_start3A_343 = tpu.memref_squeeze %dma_start3A_342 : memref<1x128xi32, #tpu.memory_space<hbm>> -> memref<128xi32, #tpu.memory_space<hbm>>
      tpu.enqueue_dma source(%dma_start3A_343 : memref<128xi32, #tpu.memory_space<hbm>>) target(%arg15 : memref<128xi32, #tpu.memory_space<vmem>>) target_semaphore(%arg35 : memref<!tpu.dma_semaphore, #tpu.memory_space<semaphore_mem>>)
      %dma_wait3A_344 = arith.constant 1 : i32
      %dma_wait3A_345 = tpu.memref_slice %arg3[%arg0, %dma_wait3A_344, %add3A_273] : memref<2x3x320000xi32, #tpu.memory_space<hbm>> -> memref<1x1x128xi32, #tpu.memory_space<hbm>>
      %dma_wait3A_346 = tpu.memref_squeeze %dma_wait3A_345 : memref<1x1x128xi32, #tpu.memory_space<hbm>> -> memref<128xi32, #tpu.memory_space<hbm>>
      %dma_wait3A_347 = tpu.memref_slice %arg3[%arg0, %dma_wait3A_344, %add3A_273] : memref<2x3x320000xi32, #tpu.memory_space<hbm>> -> memref<1x1x128xi32, #tpu.memory_space<hbm>>
      %dma_wait3A_348 = tpu.memref_squeeze %dma_wait3A_347 : memref<1x1x128xi32, #tpu.memory_space<hbm>> -> memref<128xi32, #tpu.memory_space<hbm>>
      tpu.wait_dma2 semaphore(%arg26 : memref<!tpu.dma_semaphore, #tpu.memory_space<semaphore_mem>>) src(%dma_wait3A_348 : memref<128xi32, #tpu.memory_space<hbm>>) dst(%arg6 : memref<128xi32, #tpu.memory_space<vmem>>)
      %dma_start3A_349 = arith.constant 0 : i32
      %dma_start3A_350 = arith.constant 0 : i32
      %dma_start3A_351 = tpu.memref_slice %arg2[%dma_start3A_349, %dma_start3A_350] : memref<60000x64xf32, #tpu.memory_space<hbm>> -> memref<60000x64xf32, #tpu.memory_space<hbm>>
      tpu.enqueue_indirect_dma source(%dma_start3A_351 : memref<60000x64xf32, #tpu.memory_space<hbm>>) target(%arg16 : memref<128x64xf32, #tpu.memory_space<vmem>>) offsets(%arg6 : memref<128xi32, #tpu.memory_space<vmem>>) semaphore(%arg36 : memref<!tpu.dma_semaphore, #tpu.memory_space<semaphore_mem>>)
      %dma_wait3A_352 = arith.constant 1 : i32
      %dma_wait3A_353 = tpu.memref_slice %arg3[%arg0, %dma_wait3A_352, %add3A_288] : memref<2x3x320000xi32, #tpu.memory_space<hbm>> -> memref<1x1x128xi32, #tpu.memory_space<hbm>>
      %dma_wait3A_354 = tpu.memref_squeeze %dma_wait3A_353 : memref<1x1x128xi32, #tpu.memory_space<hbm>> -> memref<128xi32, #tpu.memory_space<hbm>>
      %dma_wait3A_355 = tpu.memref_slice %arg3[%arg0, %dma_wait3A_352, %add3A_288] : memref<2x3x320000xi32, #tpu.memory_space<hbm>> -> memref<1x1x128xi32, #tpu.memory_space<hbm>>
      %dma_wait3A_356 = tpu.memref_squeeze %dma_wait3A_355 : memref<1x1x128xi32, #tpu.memory_space<hbm>> -> memref<128xi32, #tpu.memory_space<hbm>>
      tpu.wait_dma2 semaphore(%arg27 : memref<!tpu.dma_semaphore, #tpu.memory_space<semaphore_mem>>) src(%dma_wait3A_356 : memref<128xi32, #tpu.memory_space<hbm>>) dst(%arg7 : memref<128xi32, #tpu.memory_space<vmem>>)
      %dma_start3A_357 = arith.constant 0 : i32
      %dma_start3A_358 = arith.constant 0 : i32
      %dma_start3A_359 = tpu.memref_slice %arg2[%dma_start3A_357, %dma_start3A_358] : memref<60000x64xf32, #tpu.memory_space<hbm>> -> memref<60000x64xf32, #tpu.memory_space<hbm>>
      tpu.enqueue_indirect_dma source(%dma_start3A_359 : memref<60000x64xf32, #tpu.memory_space<hbm>>) target(%arg17 : memref<128x64xf32, #tpu.memory_space<vmem>>) offsets(%arg7 : memref<128xi32, #tpu.memory_space<vmem>>) semaphore(%arg37 : memref<!tpu.dma_semaphore, #tpu.memory_space<semaphore_mem>>)
      %dma_wait3A_360 = arith.constant 1 : i32
      %dma_wait3A_361 = tpu.memref_slice %arg3[%arg0, %dma_wait3A_360, %add3A_303] : memref<2x3x320000xi32, #tpu.memory_space<hbm>> -> memref<1x1x128xi32, #tpu.memory_space<hbm>>
      %dma_wait3A_362 = tpu.memref_squeeze %dma_wait3A_361 : memref<1x1x128xi32, #tpu.memory_space<hbm>> -> memref<128xi32, #tpu.memory_space<hbm>>
      %dma_wait3A_363 = tpu.memref_slice %arg3[%arg0, %dma_wait3A_360, %add3A_303] : memref<2x3x320000xi32, #tpu.memory_space<hbm>> -> memref<1x1x128xi32, #tpu.memory_space<hbm>>
      %dma_wait3A_364 = tpu.memref_squeeze %dma_wait3A_363 : memref<1x1x128xi32, #tpu.memory_space<hbm>> -> memref<128xi32, #tpu.memory_space<hbm>>
      tpu.wait_dma2 semaphore(%arg28 : memref<!tpu.dma_semaphore, #tpu.memory_space<semaphore_mem>>) src(%dma_wait3A_364 : memref<128xi32, #tpu.memory_space<hbm>>) dst(%arg8 : memref<128xi32, #tpu.memory_space<vmem>>)
      %dma_start3A_365 = arith.constant 0 : i32
      %dma_start3A_366 = arith.constant 0 : i32
      %dma_start3A_367 = tpu.memref_slice %arg2[%dma_start3A_365, %dma_start3A_366] : memref<60000x64xf32, #tpu.memory_space<hbm>> -> memref<60000x64xf32, #tpu.memory_space<hbm>>
      tpu.enqueue_indirect_dma source(%dma_start3A_367 : memref<60000x64xf32, #tpu.memory_space<hbm>>) target(%arg18 : memref<128x64xf32, #tpu.memory_space<vmem>>) offsets(%arg8 : memref<128xi32, #tpu.memory_space<vmem>>) semaphore(%arg38 : memref<!tpu.dma_semaphore, #tpu.memory_space<semaphore_mem>>)
      %dma_wait3A_368 = arith.constant 1 : i32
      %dma_wait3A_369 = tpu.memref_slice %arg3[%arg0, %dma_wait3A_368, %add3A_318] : memref<2x3x320000xi32, #tpu.memory_space<hbm>> -> memref<1x1x128xi32, #tpu.memory_space<hbm>>
      %dma_wait3A_370 = tpu.memref_squeeze %dma_wait3A_369 : memref<1x1x128xi32, #tpu.memory_space<hbm>> -> memref<128xi32, #tpu.memory_space<hbm>>
      %dma_wait3A_371 = tpu.memref_slice %arg3[%arg0, %dma_wait3A_368, %add3A_318] : memref<2x3x320000xi32, #tpu.memory_space<hbm>> -> memref<1x1x128xi32, #tpu.memory_space<hbm>>
      %dma_wait3A_372 = tpu.memref_squeeze %dma_wait3A_371 : memref<1x1x128xi32, #tpu.memory_space<hbm>> -> memref<128xi32, #tpu.memory_space<hbm>>
      tpu.wait_dma2 semaphore(%arg29 : memref<!tpu.dma_semaphore, #tpu.memory_space<semaphore_mem>>) src(%dma_wait3A_372 : memref<128xi32, #tpu.memory_space<hbm>>) dst(%arg9 : memref<128xi32, #tpu.memory_space<vmem>>)
      %dma_start3A_373 = arith.constant 0 : i32
      %dma_start3A_374 = arith.constant 0 : i32
      %dma_start3A_375 = tpu.memref_slice %arg2[%dma_start3A_373, %dma_start3A_374] : memref<60000x64xf32, #tpu.memory_space<hbm>> -> memref<60000x64xf32, #tpu.memory_space<hbm>>
      tpu.enqueue_indirect_dma source(%dma_start3A_375 : memref<60000x64xf32, #tpu.memory_space<hbm>>) target(%arg19 : memref<128x64xf32, #tpu.memory_space<vmem>>) offsets(%arg9 : memref<128xi32, #tpu.memory_space<vmem>>) semaphore(%arg39 : memref<!tpu.dma_semaphore, #tpu.memory_space<semaphore_mem>>)
      %dma_wait3A_376 = arith.constant 1 : i32
      %dma_wait3A_377 = tpu.memref_slice %arg3[%arg0, %dma_wait3A_376, %add3A_333] : memref<2x3x320000xi32, #tpu.memory_space<hbm>> -> memref<1x1x128xi32, #tpu.memory_space<hbm>>
      %dma_wait3A_378 = tpu.memref_squeeze %dma_wait3A_377 : memref<1x1x128xi32, #tpu.memory_space<hbm>> -> memref<128xi32, #tpu.memory_space<hbm>>
      %dma_wait3A_379 = tpu.memref_slice %arg3[%arg0, %dma_wait3A_376, %add3A_333] : memref<2x3x320000xi32, #tpu.memory_space<hbm>> -> memref<1x1x128xi32, #tpu.memory_space<hbm>>
      %dma_wait3A_380 = tpu.memref_squeeze %dma_wait3A_379 : memref<1x1x128xi32, #tpu.memory_space<hbm>> -> memref<128xi32, #tpu.memory_space<hbm>>
      tpu.wait_dma2 semaphore(%arg30 : memref<!tpu.dma_semaphore, #tpu.memory_space<semaphore_mem>>) src(%dma_wait3A_380 : memref<128xi32, #tpu.memory_space<hbm>>) dst(%arg10 : memref<128xi32, #tpu.memory_space<vmem>>)
      %dma_start3A_381 = arith.constant 0 : i32
      %dma_start3A_382 = arith.constant 0 : i32
      %dma_start3A_383 = tpu.memref_slice %arg2[%dma_start3A_381, %dma_start3A_382] : memref<60000x64xf32, #tpu.memory_space<hbm>> -> memref<60000x64xf32, #tpu.memory_space<hbm>>
      tpu.enqueue_indirect_dma source(%dma_start3A_383 : memref<60000x64xf32, #tpu.memory_space<hbm>>) target(%arg20 : memref<128x64xf32, #tpu.memory_space<vmem>>) offsets(%arg10 : memref<128xi32, #tpu.memory_space<vmem>>) semaphore(%arg40 : memref<!tpu.dma_semaphore, #tpu.memory_space<semaphore_mem>>)
      %dma_wait3A_384 = arith.constant 0 : i32
      %dma_wait3A_385 = arith.constant 0 : i32
      %dma_wait3A_386 = tpu.memref_slice %arg2[%dma_wait3A_384, %dma_wait3A_385] : memref<60000x64xf32, #tpu.memory_space<hbm>> -> memref<60000x64xf32, #tpu.memory_space<hbm>>
      tpu.wait_indirect_dma semaphore(%arg36 : memref<!tpu.dma_semaphore, #tpu.memory_space<semaphore_mem>>) src(%dma_wait3A_386 : memref<60000x64xf32, #tpu.memory_space<hbm>>) dst(%arg16 : memref<128x64xf32, #tpu.memory_space<vmem>>)
      %dma_wait3A_387 = arith.constant 1 : i32
      %dma_wait3A_388 = tpu.memref_slice %arg4[%dma_wait3A_387, %add3A_273] : memref<3x320000xi32, #tpu.memory_space<hbm>> -> memref<1x128xi32, #tpu.memory_space<hbm>>
      %dma_wait3A_389 = tpu.memref_squeeze %dma_wait3A_388 : memref<1x128xi32, #tpu.memory_space<hbm>> -> memref<128xi32, #tpu.memory_space<hbm>>
      %dma_wait3A_390 = tpu.memref_slice %arg4[%dma_wait3A_387, %add3A_273] : memref<3x320000xi32, #tpu.memory_space<hbm>> -> memref<1x128xi32, #tpu.memory_space<hbm>>
      %dma_wait3A_391 = tpu.memref_squeeze %dma_wait3A_390 : memref<1x128xi32, #tpu.memory_space<hbm>> -> memref<128xi32, #tpu.memory_space<hbm>>
      tpu.wait_dma2 semaphore(%arg31 : memref<!tpu.dma_semaphore, #tpu.memory_space<semaphore_mem>>) src(%dma_wait3A_391 : memref<128xi32, #tpu.memory_space<hbm>>) dst(%arg11 : memref<128xi32, #tpu.memory_space<vmem>>)
      %dma_start3A_392 = arith.constant 0 : i32
      %dma_start3A_393 = arith.constant 0 : i32
      %dma_start3A_394 = tpu.memref_slice %arg25[%dma_start3A_392, %dma_start3A_393] : memref<10112x64xf32, #tpu.memory_space<vmem_shared>> -> memref<10112x64xf32, #tpu.memory_space<vmem_shared>>
      tpu.enqueue_indirect_dma source(%arg16 : memref<128x64xf32, #tpu.memory_space<vmem>>) target(%dma_start3A_394 : memref<10112x64xf32, #tpu.memory_space<vmem_shared>>) offsets(%arg11 : memref<128xi32, #tpu.memory_space<vmem>>) semaphore(%arg41 : memref<!tpu.dma_semaphore, #tpu.memory_space<semaphore_mem>>) {add = true}
      %dma_wait3A_395 = arith.constant 0 : i32
      %dma_wait3A_396 = arith.constant 0 : i32
      %dma_wait3A_397 = tpu.memref_slice %arg2[%dma_wait3A_395, %dma_wait3A_396] : memref<60000x64xf32, #tpu.memory_space<hbm>> -> memref<60000x64xf32, #tpu.memory_space<hbm>>
      tpu.wait_indirect_dma semaphore(%arg37 : memref<!tpu.dma_semaphore, #tpu.memory_space<semaphore_mem>>) src(%dma_wait3A_397 : memref<60000x64xf32, #tpu.memory_space<hbm>>) dst(%arg17 : memref<128x64xf32, #tpu.memory_space<vmem>>)
      %dma_wait3A_398 = arith.constant 1 : i32
      %dma_wait3A_399 = tpu.memref_slice %arg4[%dma_wait3A_398, %add3A_288] : memref<3x320000xi32, #tpu.memory_space<hbm>> -> memref<1x128xi32, #tpu.memory_space<hbm>>
      %dma_wait3A_400 = tpu.memref_squeeze %dma_wait3A_399 : memref<1x128xi32, #tpu.memory_space<hbm>> -> memref<128xi32, #tpu.memory_space<hbm>>
      %dma_wait3A_401 = tpu.memref_slice %arg4[%dma_wait3A_398, %add3A_288] : memref<3x320000xi32, #tpu.memory_space<hbm>> -> memref<1x128xi32, #tpu.memory_space<hbm>>
      %dma_wait3A_402 = tpu.memref_squeeze %dma_wait3A_401 : memref<1x128xi32, #tpu.memory_space<hbm>> -> memref<128xi32, #tpu.memory_space<hbm>>
      tpu.wait_dma2 semaphore(%arg32 : memref<!tpu.dma_semaphore, #tpu.memory_space<semaphore_mem>>) src(%dma_wait3A_402 : memref<128xi32, #tpu.memory_space<hbm>>) dst(%arg12 : memref<128xi32, #tpu.memory_space<vmem>>)
      %dma_start3A_403 = arith.constant 0 : i32
      %dma_start3A_404 = arith.constant 0 : i32
      %dma_start3A_405 = tpu.memref_slice %arg25[%dma_start3A_403, %dma_start3A_404] : memref<10112x64xf32, #tpu.memory_space<vmem_shared>> -> memref<10112x64xf32, #tpu.memory_space<vmem_shared>>
      tpu.enqueue_indirect_dma source(%arg17 : memref<128x64xf32, #tpu.memory_space<vmem>>) target(%dma_start3A_405 : memref<10112x64xf32, #tpu.memory_space<vmem_shared>>) offsets(%arg12 : memref<128xi32, #tpu.memory_space<vmem>>) semaphore(%arg42 : memref<!tpu.dma_semaphore, #tpu.memory_space<semaphore_mem>>) {add = true}
      %dma_wait3A_406 = arith.constant 0 : i32
      %dma_wait3A_407 = arith.constant 0 : i32
      %dma_wait3A_408 = tpu.memref_slice %arg2[%dma_wait3A_406, %dma_wait3A_407] : memref<60000x64xf32, #tpu.memory_space<hbm>> -> memref<60000x64xf32, #tpu.memory_space<hbm>>
      tpu.wait_indirect_dma semaphore(%arg38 : memref<!tpu.dma_semaphore, #tpu.memory_space<semaphore_mem>>) src(%dma_wait3A_408 : memref<60000x64xf32, #tpu.memory_space<hbm>>) dst(%arg18 : memref<128x64xf32, #tpu.memory_space<vmem>>)
      %dma_wait3A_409 = arith.constant 1 : i32
      %dma_wait3A_410 = tpu.memref_slice %arg4[%dma_wait3A_409, %add3A_303] : memref<3x320000xi32, #tpu.memory_space<hbm>> -> memref<1x128xi32, #tpu.memory_space<hbm>>
      %dma_wait3A_411 = tpu.memref_squeeze %dma_wait3A_410 : memref<1x128xi32, #tpu.memory_space<hbm>> -> memref<128xi32, #tpu.memory_space<hbm>>
      %dma_wait3A_412 = tpu.memref_slice %arg4[%dma_wait3A_409, %add3A_303] : memref<3x320000xi32, #tpu.memory_space<hbm>> -> memref<1x128xi32, #tpu.memory_space<hbm>>
      %dma_wait3A_413 = tpu.memref_squeeze %dma_wait3A_412 : memref<1x128xi32, #tpu.memory_space<hbm>> -> memref<128xi32, #tpu.memory_space<hbm>>
      tpu.wait_dma2 semaphore(%arg33 : memref<!tpu.dma_semaphore, #tpu.memory_space<semaphore_mem>>) src(%dma_wait3A_413 : memref<128xi32, #tpu.memory_space<hbm>>) dst(%arg13 : memref<128xi32, #tpu.memory_space<vmem>>)
      %dma_start3A_414 = arith.constant 0 : i32
      %dma_start3A_415 = arith.constant 0 : i32
      %dma_start3A_416 = tpu.memref_slice %arg25[%dma_start3A_414, %dma_start3A_415] : memref<10112x64xf32, #tpu.memory_space<vmem_shared>> -> memref<10112x64xf32, #tpu.memory_space<vmem_shared>>
      tpu.enqueue_indirect_dma source(%arg18 : memref<128x64xf32, #tpu.memory_space<vmem>>) target(%dma_start3A_416 : memref<10112x64xf32, #tpu.memory_space<vmem_shared>>) offsets(%arg13 : memref<128xi32, #tpu.memory_space<vmem>>) semaphore(%arg43 : memref<!tpu.dma_semaphore, #tpu.memory_space<semaphore_mem>>) {add = true}
      %dma_wait3A_417 = arith.constant 0 : i32
      %dma_wait3A_418 = arith.constant 0 : i32
      %dma_wait3A_419 = tpu.memref_slice %arg2[%dma_wait3A_417, %dma_wait3A_418] : memref<60000x64xf32, #tpu.memory_space<hbm>> -> memref<60000x64xf32, #tpu.memory_space<hbm>>
      tpu.wait_indirect_dma semaphore(%arg39 : memref<!tpu.dma_semaphore, #tpu.memory_space<semaphore_mem>>) src(%dma_wait3A_419 : memref<60000x64xf32, #tpu.memory_space<hbm>>) dst(%arg19 : memref<128x64xf32, #tpu.memory_space<vmem>>)
      %dma_wait3A_420 = arith.constant 1 : i32
      %dma_wait3A_421 = tpu.memref_slice %arg4[%dma_wait3A_420, %add3A_318] : memref<3x320000xi32, #tpu.memory_space<hbm>> -> memref<1x128xi32, #tpu.memory_space<hbm>>
      %dma_wait3A_422 = tpu.memref_squeeze %dma_wait3A_421 : memref<1x128xi32, #tpu.memory_space<hbm>> -> memref<128xi32, #tpu.memory_space<hbm>>
      %dma_wait3A_423 = tpu.memref_slice %arg4[%dma_wait3A_420, %add3A_318] : memref<3x320000xi32, #tpu.memory_space<hbm>> -> memref<1x128xi32, #tpu.memory_space<hbm>>
      %dma_wait3A_424 = tpu.memref_squeeze %dma_wait3A_423 : memref<1x128xi32, #tpu.memory_space<hbm>> -> memref<128xi32, #tpu.memory_space<hbm>>
      tpu.wait_dma2 semaphore(%arg34 : memref<!tpu.dma_semaphore, #tpu.memory_space<semaphore_mem>>) src(%dma_wait3A_424 : memref<128xi32, #tpu.memory_space<hbm>>) dst(%arg14 : memref<128xi32, #tpu.memory_space<vmem>>)
      %dma_start3A_425 = arith.constant 0 : i32
      %dma_start3A_426 = arith.constant 0 : i32
      %dma_start3A_427 = tpu.memref_slice %arg25[%dma_start3A_425, %dma_start3A_426] : memref<10112x64xf32, #tpu.memory_space<vmem_shared>> -> memref<10112x64xf32, #tpu.memory_space<vmem_shared>>
      tpu.enqueue_indirect_dma source(%arg19 : memref<128x64xf32, #tpu.memory_space<vmem>>) target(%dma_start3A_427 : memref<10112x64xf32, #tpu.memory_space<vmem_shared>>) offsets(%arg14 : memref<128xi32, #tpu.memory_space<vmem>>) semaphore(%arg44 : memref<!tpu.dma_semaphore, #tpu.memory_space<semaphore_mem>>) {add = true}
      %dma_wait3A_428 = arith.constant 0 : i32
      %dma_wait3A_429 = arith.constant 0 : i32
      %dma_wait3A_430 = tpu.memref_slice %arg2[%dma_wait3A_428, %dma_wait3A_429] : memref<60000x64xf32, #tpu.memory_space<hbm>> -> memref<60000x64xf32, #tpu.memory_space<hbm>>
      tpu.wait_indirect_dma semaphore(%arg40 : memref<!tpu.dma_semaphore, #tpu.memory_space<semaphore_mem>>) src(%dma_wait3A_430 : memref<60000x64xf32, #tpu.memory_space<hbm>>) dst(%arg20 : memref<128x64xf32, #tpu.memory_space<vmem>>)
      %dma_wait3A_431 = arith.constant 1 : i32
      %dma_wait3A_432 = tpu.memref_slice %arg4[%dma_wait3A_431, %add3A_333] : memref<3x320000xi32, #tpu.memory_space<hbm>> -> memref<1x128xi32, #tpu.memory_space<hbm>>
      %dma_wait3A_433 = tpu.memref_squeeze %dma_wait3A_432 : memref<1x128xi32, #tpu.memory_space<hbm>> -> memref<128xi32, #tpu.memory_space<hbm>>
      %dma_wait3A_434 = tpu.memref_slice %arg4[%dma_wait3A_431, %add3A_333] : memref<3x320000xi32, #tpu.memory_space<hbm>> -> memref<1x128xi32, #tpu.memory_space<hbm>>
      %dma_wait3A_435 = tpu.memref_squeeze %dma_wait3A_434 : memref<1x128xi32, #tpu.memory_space<hbm>> -> memref<128xi32, #tpu.memory_space<hbm>>
      tpu.wait_dma2 semaphore(%arg35 : memref<!tpu.dma_semaphore, #tpu.memory_space<semaphore_mem>>) src(%dma_wait3A_435 : memref<128xi32, #tpu.memory_space<hbm>>) dst(%arg15 : memref<128xi32, #tpu.memory_space<vmem>>)
      %dma_start3A_436 = arith.constant 0 : i32
      %dma_start3A_437 = arith.constant 0 : i32
      %dma_start3A_438 = tpu.memref_slice %arg25[%dma_start3A_436, %dma_start3A_437] : memref<10112x64xf32, #tpu.memory_space<vmem_shared>> -> memref<10112x64xf32, #tpu.memory_space<vmem_shared>>
      tpu.enqueue_indirect_dma source(%arg20 : memref<128x64xf32, #tpu.memory_space<vmem>>) target(%dma_start3A_438 : memref<10112x64xf32, #tpu.memory_space<vmem_shared>>) offsets(%arg15 : memref<128xi32, #tpu.memory_space<vmem>>) semaphore(%arg45 : memref<!tpu.dma_semaphore, #tpu.memory_space<semaphore_mem>>) {add = true}
      %dma_wait3A_439 = arith.constant 0 : i32
      %dma_wait3A_440 = arith.constant 0 : i32
      %dma_wait3A_441 = tpu.memref_slice %arg25[%dma_wait3A_439, %dma_wait3A_440] : memref<10112x64xf32, #tpu.memory_space<vmem_shared>> -> memref<10112x64xf32, #tpu.memory_space<vmem_shared>>
      tpu.wait_indirect_dma semaphore(%arg41 : memref<!tpu.dma_semaphore, #tpu.memory_space<semaphore_mem>>) src(%arg16 : memref<128x64xf32, #tpu.memory_space<vmem>>) dst(%dma_wait3A_441 : memref<10112x64xf32, #tpu.memory_space<vmem_shared>>)
      %dma_wait3A_442 = arith.constant 0 : i32
      %dma_wait3A_443 = arith.constant 0 : i32
      %dma_wait3A_444 = tpu.memref_slice %arg25[%dma_wait3A_442, %dma_wait3A_443] : memref<10112x64xf32, #tpu.memory_space<vmem_shared>> -> memref<10112x64xf32, #tpu.memory_space<vmem_shared>>
      tpu.wait_indirect_dma semaphore(%arg42 : memref<!tpu.dma_semaphore, #tpu.memory_space<semaphore_mem>>) src(%arg17 : memref<128x64xf32, #tpu.memory_space<vmem>>) dst(%dma_wait3A_444 : memref<10112x64xf32, #tpu.memory_space<vmem_shared>>)
      %dma_wait3A_445 = arith.constant 0 : i32
      %dma_wait3A_446 = arith.constant 0 : i32
      %dma_wait3A_447 = tpu.memref_slice %arg25[%dma_wait3A_445, %dma_wait3A_446] : memref<10112x64xf32, #tpu.memory_space<vmem_shared>> -> memref<10112x64xf32, #tpu.memory_space<vmem_shared>>
      tpu.wait_indirect_dma semaphore(%arg43 : memref<!tpu.dma_semaphore, #tpu.memory_space<semaphore_mem>>) src(%arg18 : memref<128x64xf32, #tpu.memory_space<vmem>>) dst(%dma_wait3A_447 : memref<10112x64xf32, #tpu.memory_space<vmem_shared>>)
      %dma_wait3A_448 = arith.constant 0 : i32
      %dma_wait3A_449 = arith.constant 0 : i32
      %dma_wait3A_450 = tpu.memref_slice %arg25[%dma_wait3A_448, %dma_wait3A_449] : memref<10112x64xf32, #tpu.memory_space<vmem_shared>> -> memref<10112x64xf32, #tpu.memory_space<vmem_shared>>
      tpu.wait_indirect_dma semaphore(%arg44 : memref<!tpu.dma_semaphore, #tpu.memory_space<semaphore_mem>>) src(%arg19 : memref<128x64xf32, #tpu.memory_space<vmem>>) dst(%dma_wait3A_450 : memref<10112x64xf32, #tpu.memory_space<vmem_shared>>)
      %dma_wait3A_451 = arith.constant 0 : i32
      %dma_wait3A_452 = arith.constant 0 : i32
      %dma_wait3A_453 = tpu.memref_slice %arg25[%dma_wait3A_451, %dma_wait3A_452] : memref<10112x64xf32, #tpu.memory_space<vmem_shared>> -> memref<10112x64xf32, #tpu.memory_space<vmem_shared>>
      tpu.wait_indirect_dma semaphore(%arg45 : memref<!tpu.dma_semaphore, #tpu.memory_space<semaphore_mem>>) src(%arg20 : memref<128x64xf32, #tpu.memory_space<vmem>>) dst(%dma_wait3A_453 : memref<10112x64xf32, #tpu.memory_space<vmem_shared>>)
    }
    %scan3A_102 = arith.constant 31 : i32
    %add3A_103 = arith.constant 19840 : i32
    %add3A_104 = arith.addi %mul3A_8, %add3A_103 : i32
    %dma_start3A_105 = arith.constant 1 : i32
    %dma_start3A_106 = tpu.memref_slice %arg3[%arg0, %dma_start3A_105, %add3A_104] : memref<2x3x320000xi32, #tpu.memory_space<hbm>> -> memref<1x1x128xi32, #tpu.memory_space<hbm>>
    %dma_start3A_107 = tpu.memref_squeeze %dma_start3A_106 : memref<1x1x128xi32, #tpu.memory_space<hbm>> -> memref<128xi32, #tpu.memory_space<hbm>>
    %dma_start3A_108 = tpu.memref_slice %arg3[%arg0, %dma_start3A_105, %add3A_104] : memref<2x3x320000xi32, #tpu.memory_space<hbm>> -> memref<1x1x128xi32, #tpu.memory_space<hbm>>
    %dma_start3A_109 = tpu.memref_squeeze %dma_start3A_108 : memref<1x1x128xi32, #tpu.memory_space<hbm>> -> memref<128xi32, #tpu.memory_space<hbm>>
    tpu.enqueue_dma source(%dma_start3A_109 : memref<128xi32, #tpu.memory_space<hbm>>) target(%arg6 : memref<128xi32, #tpu.memory_space<vmem>>) target_semaphore(%arg26 : memref<!tpu.dma_semaphore, #tpu.memory_space<semaphore_mem>>)
    %dma_start3A_110 = arith.constant 1 : i32
    %dma_start3A_111 = tpu.memref_slice %arg4[%dma_start3A_110, %add3A_104] : memref<3x320000xi32, #tpu.memory_space<hbm>> -> memref<1x128xi32, #tpu.memory_space<hbm>>
    %dma_start3A_112 = tpu.memref_squeeze %dma_start3A_111 : memref<1x128xi32, #tpu.memory_space<hbm>> -> memref<128xi32, #tpu.memory_space<hbm>>
    %dma_start3A_113 = tpu.memref_slice %arg4[%dma_start3A_110, %add3A_104] : memref<3x320000xi32, #tpu.memory_space<hbm>> -> memref<1x128xi32, #tpu.memory_space<hbm>>
    %dma_start3A_114 = tpu.memref_squeeze %dma_start3A_113 : memref<1x128xi32, #tpu.memory_space<hbm>> -> memref<128xi32, #tpu.memory_space<hbm>>
    tpu.enqueue_dma source(%dma_start3A_114 : memref<128xi32, #tpu.memory_space<hbm>>) target(%arg11 : memref<128xi32, #tpu.memory_space<vmem>>) target_semaphore(%arg31 : memref<!tpu.dma_semaphore, #tpu.memory_space<semaphore_mem>>)
    %add3A_115 = arith.constant 19968 : i32
    %add3A_116 = arith.addi %mul3A_8, %add3A_115 : i32
    %dma_start3A_117 = arith.constant 1 : i32
    %dma_start3A_118 = tpu.memref_slice %arg3[%arg0, %dma_start3A_117, %add3A_116] : memref<2x3x320000xi32, #tpu.memory_space<hbm>> -> memref<1x1x32xi32, #tpu.memory_space<hbm>>
    %dma_start3A_119 = tpu.memref_squeeze %dma_start3A_118 : memref<1x1x32xi32, #tpu.memory_space<hbm>> -> memref<32xi32, #tpu.memory_space<hbm>>
    %dma_start3A_120 = tpu.memref_slice %arg3[%arg0, %dma_start3A_117, %add3A_116] : memref<2x3x320000xi32, #tpu.memory_space<hbm>> -> memref<1x1x32xi32, #tpu.memory_space<hbm>>
    %dma_start3A_121 = tpu.memref_squeeze %dma_start3A_120 : memref<1x1x32xi32, #tpu.memory_space<hbm>> -> memref<32xi32, #tpu.memory_space<hbm>>
    tpu.enqueue_dma source(%dma_start3A_121 : memref<32xi32, #tpu.memory_space<hbm>>) target(%arg22 : memref<32xi32, #tpu.memory_space<vmem>>) target_semaphore(%arg30 : memref<!tpu.dma_semaphore, #tpu.memory_space<semaphore_mem>>)
    %dma_start3A_122 = arith.constant 1 : i32
    %dma_start3A_123 = tpu.memref_slice %arg4[%dma_start3A_122, %add3A_116] : memref<3x320000xi32, #tpu.memory_space<hbm>> -> memref<1x32xi32, #tpu.memory_space<hbm>>
    %dma_start3A_124 = tpu.memref_squeeze %dma_start3A_123 : memref<1x32xi32, #tpu.memory_space<hbm>> -> memref<32xi32, #tpu.memory_space<hbm>>
    %dma_start3A_125 = tpu.memref_slice %arg4[%dma_start3A_122, %add3A_116] : memref<3x320000xi32, #tpu.memory_space<hbm>> -> memref<1x32xi32, #tpu.memory_space<hbm>>
    %dma_start3A_126 = tpu.memref_squeeze %dma_start3A_125 : memref<1x32xi32, #tpu.memory_space<hbm>> -> memref<32xi32, #tpu.memory_space<hbm>>
    tpu.enqueue_dma source(%dma_start3A_126 : memref<32xi32, #tpu.memory_space<hbm>>) target(%arg23 : memref<32xi32, #tpu.memory_space<vmem>>) target_semaphore(%arg35 : memref<!tpu.dma_semaphore, #tpu.memory_space<semaphore_mem>>)
    %dma_wait3A_127 = arith.constant 1 : i32
    %dma_wait3A_128 = tpu.memref_slice %arg3[%arg0, %dma_wait3A_127, %add3A_104] : memref<2x3x320000xi32, #tpu.memory_space<hbm>> -> memref<1x1x128xi32, #tpu.memory_space<hbm>>
    %dma_wait3A_129 = tpu.memref_squeeze %dma_wait3A_128 : memref<1x1x128xi32, #tpu.memory_space<hbm>> -> memref<128xi32, #tpu.memory_space<hbm>>
    %dma_wait3A_130 = tpu.memref_slice %arg3[%arg0, %dma_wait3A_127, %add3A_104] : memref<2x3x320000xi32, #tpu.memory_space<hbm>> -> memref<1x1x128xi32, #tpu.memory_space<hbm>>
    %dma_wait3A_131 = tpu.memref_squeeze %dma_wait3A_130 : memref<1x1x128xi32, #tpu.memory_space<hbm>> -> memref<128xi32, #tpu.memory_space<hbm>>
    tpu.wait_dma2 semaphore(%arg26 : memref<!tpu.dma_semaphore, #tpu.memory_space<semaphore_mem>>) src(%dma_wait3A_131 : memref<128xi32, #tpu.memory_space<hbm>>) dst(%arg6 : memref<128xi32, #tpu.memory_space<vmem>>)
    %dma_start3A_132 = arith.constant 0 : i32
    %dma_start3A_133 = arith.constant 0 : i32
    %dma_start3A_134 = tpu.memref_slice %arg2[%dma_start3A_132, %dma_start3A_133] : memref<60000x64xf32, #tpu.memory_space<hbm>> -> memref<60000x64xf32, #tpu.memory_space<hbm>>
    tpu.enqueue_indirect_dma source(%dma_start3A_134 : memref<60000x64xf32, #tpu.memory_space<hbm>>) target(%arg16 : memref<128x64xf32, #tpu.memory_space<vmem>>) offsets(%arg6 : memref<128xi32, #tpu.memory_space<vmem>>) semaphore(%arg36 : memref<!tpu.dma_semaphore, #tpu.memory_space<semaphore_mem>>)
    %dma_wait3A_135 = arith.constant 1 : i32
    %dma_wait3A_136 = tpu.memref_slice %arg3[%arg0, %dma_wait3A_135, %add3A_116] : memref<2x3x320000xi32, #tpu.memory_space<hbm>> -> memref<1x1x32xi32, #tpu.memory_space<hbm>>
    %dma_wait3A_137 = tpu.memref_squeeze %dma_wait3A_136 : memref<1x1x32xi32, #tpu.memory_space<hbm>> -> memref<32xi32, #tpu.memory_space<hbm>>
    %dma_wait3A_138 = tpu.memref_slice %arg3[%arg0, %dma_wait3A_135, %add3A_116] : memref<2x3x320000xi32, #tpu.memory_space<hbm>> -> memref<1x1x32xi32, #tpu.memory_space<hbm>>
    %dma_wait3A_139 = tpu.memref_squeeze %dma_wait3A_138 : memref<1x1x32xi32, #tpu.memory_space<hbm>> -> memref<32xi32, #tpu.memory_space<hbm>>
    tpu.wait_dma2 semaphore(%arg30 : memref<!tpu.dma_semaphore, #tpu.memory_space<semaphore_mem>>) src(%dma_wait3A_139 : memref<32xi32, #tpu.memory_space<hbm>>) dst(%arg22 : memref<32xi32, #tpu.memory_space<vmem>>)
    %dma_start3A_140 = arith.constant 0 : i32
    %dma_start3A_141 = arith.constant 0 : i32
    %dma_start3A_142 = tpu.memref_slice %arg2[%dma_start3A_140, %dma_start3A_141] : memref<60000x64xf32, #tpu.memory_space<hbm>> -> memref<60000x64xf32, #tpu.memory_space<hbm>>
    tpu.enqueue_indirect_dma source(%dma_start3A_142 : memref<60000x64xf32, #tpu.memory_space<hbm>>) target(%arg21 : memref<32x64xf32, #tpu.memory_space<vmem>>) offsets(%arg22 : memref<32xi32, #tpu.memory_space<vmem>>) semaphore(%arg40 : memref<!tpu.dma_semaphore, #tpu.memory_space<semaphore_mem>>)
    %dma_wait3A_143 = arith.constant 0 : i32
    %dma_wait3A_144 = arith.constant 0 : i32
    %dma_wait3A_145 = tpu.memref_slice %arg2[%dma_wait3A_143, %dma_wait3A_144] : memref<60000x64xf32, #tpu.memory_space<hbm>> -> memref<60000x64xf32, #tpu.memory_space<hbm>>
    tpu.wait_indirect_dma semaphore(%arg36 : memref<!tpu.dma_semaphore, #tpu.memory_space<semaphore_mem>>) src(%dma_wait3A_145 : memref<60000x64xf32, #tpu.memory_space<hbm>>) dst(%arg16 : memref<128x64xf32, #tpu.memory_space<vmem>>)
    %dma_wait3A_146 = arith.constant 1 : i32
    %dma_wait3A_147 = tpu.memref_slice %arg4[%dma_wait3A_146, %add3A_104] : memref<3x320000xi32, #tpu.memory_space<hbm>> -> memref<1x128xi32, #tpu.memory_space<hbm>>
    %dma_wait3A_148 = tpu.memref_squeeze %dma_wait3A_147 : memref<1x128xi32, #tpu.memory_space<hbm>> -> memref<128xi32, #tpu.memory_space<hbm>>
    %dma_wait3A_149 = tpu.memref_slice %arg4[%dma_wait3A_146, %add3A_104] : memref<3x320000xi32, #tpu.memory_space<hbm>> -> memref<1x128xi32, #tpu.memory_space<hbm>>
    %dma_wait3A_150 = tpu.memref_squeeze %dma_wait3A_149 : memref<1x128xi32, #tpu.memory_space<hbm>> -> memref<128xi32, #tpu.memory_space<hbm>>
    tpu.wait_dma2 semaphore(%arg31 : memref<!tpu.dma_semaphore, #tpu.memory_space<semaphore_mem>>) src(%dma_wait3A_150 : memref<128xi32, #tpu.memory_space<hbm>>) dst(%arg11 : memref<128xi32, #tpu.memory_space<vmem>>)
    %dma_start3A_151 = arith.constant 0 : i32
    %dma_start3A_152 = arith.constant 0 : i32
    %dma_start3A_153 = tpu.memref_slice %arg25[%dma_start3A_151, %dma_start3A_152] : memref<10112x64xf32, #tpu.memory_space<vmem_shared>> -> memref<10112x64xf32, #tpu.memory_space<vmem_shared>>
    tpu.enqueue_indirect_dma source(%arg16 : memref<128x64xf32, #tpu.memory_space<vmem>>) target(%dma_start3A_153 : memref<10112x64xf32, #tpu.memory_space<vmem_shared>>) offsets(%arg11 : memref<128xi32, #tpu.memory_space<vmem>>) semaphore(%arg41 : memref<!tpu.dma_semaphore, #tpu.memory_space<semaphore_mem>>) {add = true}
    %dma_wait3A_154 = arith.constant 0 : i32
    %dma_wait3A_155 = arith.constant 0 : i32
    %dma_wait3A_156 = tpu.memref_slice %arg2[%dma_wait3A_154, %dma_wait3A_155] : memref<60000x64xf32, #tpu.memory_space<hbm>> -> memref<60000x64xf32, #tpu.memory_space<hbm>>
    tpu.wait_indirect_dma semaphore(%arg40 : memref<!tpu.dma_semaphore, #tpu.memory_space<semaphore_mem>>) src(%dma_wait3A_156 : memref<60000x64xf32, #tpu.memory_space<hbm>>) dst(%arg21 : memref<32x64xf32, #tpu.memory_space<vmem>>)
    %dma_wait3A_157 = arith.constant 1 : i32
    %dma_wait3A_158 = tpu.memref_slice %arg4[%dma_wait3A_157, %add3A_116] : memref<3x320000xi32, #tpu.memory_space<hbm>> -> memref<1x32xi32, #tpu.memory_space<hbm>>
    %dma_wait3A_159 = tpu.memref_squeeze %dma_wait3A_158 : memref<1x32xi32, #tpu.memory_space<hbm>> -> memref<32xi32, #tpu.memory_space<hbm>>
    %dma_wait3A_160 = tpu.memref_slice %arg4[%dma_wait3A_157, %add3A_116] : memref<3x320000xi32, #tpu.memory_space<hbm>> -> memref<1x32xi32, #tpu.memory_space<hbm>>
    %dma_wait3A_161 = tpu.memref_squeeze %dma_wait3A_160 : memref<1x32xi32, #tpu.memory_space<hbm>> -> memref<32xi32, #tpu.memory_space<hbm>>
    tpu.wait_dma2 semaphore(%arg35 : memref<!tpu.dma_semaphore, #tpu.memory_space<semaphore_mem>>) src(%dma_wait3A_161 : memref<32xi32, #tpu.memory_space<hbm>>) dst(%arg23 : memref<32xi32, #tpu.memory_space<vmem>>)
    %dma_start3A_162 = arith.constant 0 : i32
    %dma_start3A_163 = arith.constant 0 : i32
    %dma_start3A_164 = tpu.memref_slice %arg25[%dma_start3A_162, %dma_start3A_163] : memref<10112x64xf32, #tpu.memory_space<vmem_shared>> -> memref<10112x64xf32, #tpu.memory_space<vmem_shared>>
    tpu.enqueue_indirect_dma source(%arg21 : memref<32x64xf32, #tpu.memory_space<vmem>>) target(%dma_start3A_164 : memref<10112x64xf32, #tpu.memory_space<vmem_shared>>) offsets(%arg23 : memref<32xi32, #tpu.memory_space<vmem>>) semaphore(%arg42 : memref<!tpu.dma_semaphore, #tpu.memory_space<semaphore_mem>>) {add = true}
    %dma_wait3A_165 = arith.constant 0 : i32
    %dma_wait3A_166 = arith.constant 0 : i32
    %dma_wait3A_167 = tpu.memref_slice %arg25[%dma_wait3A_165, %dma_wait3A_166] : memref<10112x64xf32, #tpu.memory_space<vmem_shared>> -> memref<10112x64xf32, #tpu.memory_space<vmem_shared>>
    tpu.wait_indirect_dma semaphore(%arg41 : memref<!tpu.dma_semaphore, #tpu.memory_space<semaphore_mem>>) src(%arg16 : memref<128x64xf32, #tpu.memory_space<vmem>>) dst(%dma_wait3A_167 : memref<10112x64xf32, #tpu.memory_space<vmem_shared>>)
    %dma_wait3A_168 = arith.constant 0 : i32
    %dma_wait3A_169 = arith.constant 0 : i32
    %dma_wait3A_170 = tpu.memref_slice %arg25[%dma_wait3A_168, %dma_wait3A_169] : memref<10112x64xf32, #tpu.memory_space<vmem_shared>> -> memref<10112x64xf32, #tpu.memory_space<vmem_shared>>
    tpu.wait_indirect_dma semaphore(%arg42 : memref<!tpu.dma_semaphore, #tpu.memory_space<semaphore_mem>>) src(%arg21 : memref<32x64xf32, #tpu.memory_space<vmem>>) dst(%dma_wait3A_170 : memref<10112x64xf32, #tpu.memory_space<vmem_shared>>)
    %barrier3A_171 = arith.constant 0 : index
    tpu.barrier barrier_id(%barrier3A_171)
    %mul3A_172 = arith.constant 3 : i32
    %mul3A_173 = arith.muli %arg0, %mul3A_172 : i32
    %add3A_174 = arith.constant 1 : i32
    %add3A_175 = arith.addi %mul3A_173, %add3A_174 : i32
    %mul3A_176 = arith.constant 10112 : i32
    %mul3A_177 = arith.muli %add3A_175, %mul3A_176 : i32
    %add3A_178 = arith.addi %mul3A_177, %mul3A_6 : i32
    "tpu.region"() ({
      %run_scoped3A = tpu.sem_alloc : memref<!tpu.dma_semaphore, #tpu.memory_space<semaphore_mem>>
      %dma_start3A_266 = arith.constant 0 : i32
      %dma_start3A_267 = tpu.memref_slice %arg5[%add3A_178, %dma_start3A_266] : memref<60672x64xf32, #tpu.memory_space<hbm>> -> memref<632x64xf32, #tpu.memory_space<hbm>>
      %dma_start3A_268 = arith.constant 0 : i32
      %dma_start3A_269 = tpu.memref_slice %arg25[%mul3A_6, %dma_start3A_268] : memref<10112x64xf32, #tpu.memory_space<vmem_shared>> -> memref<632x64xf32, #tpu.memory_space<vmem_shared>>
      tpu.enqueue_dma source(%dma_start3A_269 : memref<632x64xf32, #tpu.memory_space<vmem_shared>>) target(%dma_start3A_267 : memref<632x64xf32, #tpu.memory_space<hbm>>) target_semaphore(%run_scoped3A : memref<!tpu.dma_semaphore, #tpu.memory_space<semaphore_mem>>)
      %dma_wait3A_270 = arith.constant 0 : i32
      %dma_wait3A_271 = tpu.memref_slice %arg5[%add3A_178, %dma_wait3A_270] : memref<60672x64xf32, #tpu.memory_space<hbm>> -> memref<632x64xf32, #tpu.memory_space<hbm>>
      %dma_wait3A_272 = arith.constant 0 : i32
      %dma_wait3A_273 = tpu.memref_slice %arg25[%mul3A_6, %dma_wait3A_272] : memref<10112x64xf32, #tpu.memory_space<vmem_shared>> -> memref<632x64xf32, #tpu.memory_space<vmem_shared>>
      tpu.wait_dma2 semaphore(%run_scoped3A : memref<!tpu.dma_semaphore, #tpu.memory_space<semaphore_mem>>) src(%dma_wait3A_273 : memref<632x64xf32, #tpu.memory_space<vmem_shared>>) dst(%dma_wait3A_271 : memref<632x64xf32, #tpu.memory_space<hbm>>)
      tpu.yield
    }) : () -> ()
    %add3A_179 = arith.constant 0 : i32
    %add3A_180 = arith.addi %mul3A_6, %add3A_179 : i32
    "tpu.region"() ({
      %run_scoped3A = tpu.sem_alloc : memref<!tpu.dma_semaphore, #tpu.memory_space<semaphore_mem>>
      %dma_start3A_266 = arith.constant 0 : i32
      %dma_start3A_267 = tpu.memref_slice %arg25[%add3A_180, %dma_start3A_266] : memref<10112x64xf32, #tpu.memory_space<vmem_shared>> -> memref<316x64xf32, #tpu.memory_space<vmem_shared>>
      %dma_start3A_268 = arith.constant 0 : i32
      %dma_start3A_269 = tpu.memref_slice %arg25[%add3A_180, %dma_start3A_268] : memref<10112x64xf32, #tpu.memory_space<vmem_shared>> -> memref<316x64xf32, #tpu.memory_space<vmem_shared>>
      tpu.enqueue_dma source(%arg24 : memref<316x64xf32, #tpu.memory_space<vmem>>) target(%dma_start3A_269 : memref<316x64xf32, #tpu.memory_space<vmem_shared>>) target_semaphore(%run_scoped3A : memref<!tpu.dma_semaphore, #tpu.memory_space<semaphore_mem>>)
      %dma_wait3A_270 = arith.constant 0 : i32
      %dma_wait3A_271 = tpu.memref_slice %arg25[%add3A_180, %dma_wait3A_270] : memref<10112x64xf32, #tpu.memory_space<vmem_shared>> -> memref<316x64xf32, #tpu.memory_space<vmem_shared>>
      %dma_wait3A_272 = arith.constant 0 : i32
      %dma_wait3A_273 = tpu.memref_slice %arg25[%add3A_180, %dma_wait3A_272] : memref<10112x64xf32, #tpu.memory_space<vmem_shared>> -> memref<316x64xf32, #tpu.memory_space<vmem_shared>>
      tpu.wait_dma2 semaphore(%run_scoped3A : memref<!tpu.dma_semaphore, #tpu.memory_space<semaphore_mem>>) src(%arg24 : memref<316x64xf32, #tpu.memory_space<vmem>>) dst(%dma_wait3A_273 : memref<316x64xf32, #tpu.memory_space<vmem_shared>>)
      tpu.yield
    }) : () -> ()
    %add3A_181 = arith.constant 316 : i32
    %add3A_182 = arith.addi %mul3A_6, %add3A_181 : i32
    "tpu.region"() ({
      %run_scoped3A = tpu.sem_alloc : memref<!tpu.dma_semaphore, #tpu.memory_space<semaphore_mem>>
      %dma_start3A_266 = arith.constant 0 : i32
      %dma_start3A_267 = tpu.memref_slice %arg25[%add3A_182, %dma_start3A_266] : memref<10112x64xf32, #tpu.memory_space<vmem_shared>> -> memref<316x64xf32, #tpu.memory_space<vmem_shared>>
      %dma_start3A_268 = arith.constant 0 : i32
      %dma_start3A_269 = tpu.memref_slice %arg25[%add3A_182, %dma_start3A_268] : memref<10112x64xf32, #tpu.memory_space<vmem_shared>> -> memref<316x64xf32, #tpu.memory_space<vmem_shared>>
      tpu.enqueue_dma source(%arg24 : memref<316x64xf32, #tpu.memory_space<vmem>>) target(%dma_start3A_269 : memref<316x64xf32, #tpu.memory_space<vmem_shared>>) target_semaphore(%run_scoped3A : memref<!tpu.dma_semaphore, #tpu.memory_space<semaphore_mem>>)
      %dma_wait3A_270 = arith.constant 0 : i32
      %dma_wait3A_271 = tpu.memref_slice %arg25[%add3A_182, %dma_wait3A_270] : memref<10112x64xf32, #tpu.memory_space<vmem_shared>> -> memref<316x64xf32, #tpu.memory_space<vmem_shared>>
      %dma_wait3A_272 = arith.constant 0 : i32
      %dma_wait3A_273 = tpu.memref_slice %arg25[%add3A_182, %dma_wait3A_272] : memref<10112x64xf32, #tpu.memory_space<vmem_shared>> -> memref<316x64xf32, #tpu.memory_space<vmem_shared>>
      tpu.wait_dma2 semaphore(%run_scoped3A : memref<!tpu.dma_semaphore, #tpu.memory_space<semaphore_mem>>) src(%arg24 : memref<316x64xf32, #tpu.memory_space<vmem>>) dst(%dma_wait3A_273 : memref<316x64xf32, #tpu.memory_space<vmem_shared>>)
      tpu.yield
    }) : () -> ()
    %barrier3A_183 = arith.constant 0 : index
    tpu.barrier barrier_id(%barrier3A_183)
    %scan3A_184 = arith.constant 0 : i32
    %scan3A_185 = arith.constant 0 : i32
    %scan3A_186 = arith.constant 31 : i32
    %scan3A_187 = arith.addi %scan3A_185, %scan3A_186 : i32
    %scan3A_188 = arith.constant 1 : i32
    scf.for %scan3A_266 = %scan3A_185 to %scan3A_187 step %scan3A_188  : i32 {
      %mul3A_267 = arith.constant 5 : i32
      %mul3A_268 = arith.muli %scan3A_266, %mul3A_267 : i32
      %add3A_269 = arith.constant 0 : i32
      %add3A_270 = arith.addi %mul3A_268, %add3A_269 : i32
      %mul3A_271 = arith.constant 128 : i32
      %mul3A_272 = arith.muli %add3A_270, %mul3A_271 : i32
      %add3A_273 = arith.addi %mul3A_8, %mul3A_272 : i32
      %dma_start3A_274 = arith.constant 2 : i32
      %dma_start3A_275 = tpu.memref_slice %arg3[%arg0, %dma_start3A_274, %add3A_273] : memref<2x3x320000xi32, #tpu.memory_space<hbm>> -> memref<1x1x128xi32, #tpu.memory_space<hbm>>
      %dma_start3A_276 = tpu.memref_squeeze %dma_start3A_275 : memref<1x1x128xi32, #tpu.memory_space<hbm>> -> memref<128xi32, #tpu.memory_space<hbm>>
      %dma_start3A_277 = tpu.memref_slice %arg3[%arg0, %dma_start3A_274, %add3A_273] : memref<2x3x320000xi32, #tpu.memory_space<hbm>> -> memref<1x1x128xi32, #tpu.memory_space<hbm>>
      %dma_start3A_278 = tpu.memref_squeeze %dma_start3A_277 : memref<1x1x128xi32, #tpu.memory_space<hbm>> -> memref<128xi32, #tpu.memory_space<hbm>>
      tpu.enqueue_dma source(%dma_start3A_278 : memref<128xi32, #tpu.memory_space<hbm>>) target(%arg6 : memref<128xi32, #tpu.memory_space<vmem>>) target_semaphore(%arg26 : memref<!tpu.dma_semaphore, #tpu.memory_space<semaphore_mem>>)
      %dma_start3A_279 = arith.constant 2 : i32
      %dma_start3A_280 = tpu.memref_slice %arg4[%dma_start3A_279, %add3A_273] : memref<3x320000xi32, #tpu.memory_space<hbm>> -> memref<1x128xi32, #tpu.memory_space<hbm>>
      %dma_start3A_281 = tpu.memref_squeeze %dma_start3A_280 : memref<1x128xi32, #tpu.memory_space<hbm>> -> memref<128xi32, #tpu.memory_space<hbm>>
      %dma_start3A_282 = tpu.memref_slice %arg4[%dma_start3A_279, %add3A_273] : memref<3x320000xi32, #tpu.memory_space<hbm>> -> memref<1x128xi32, #tpu.memory_space<hbm>>
      %dma_start3A_283 = tpu.memref_squeeze %dma_start3A_282 : memref<1x128xi32, #tpu.memory_space<hbm>> -> memref<128xi32, #tpu.memory_space<hbm>>
      tpu.enqueue_dma source(%dma_start3A_283 : memref<128xi32, #tpu.memory_space<hbm>>) target(%arg11 : memref<128xi32, #tpu.memory_space<vmem>>) target_semaphore(%arg31 : memref<!tpu.dma_semaphore, #tpu.memory_space<semaphore_mem>>)
      %add3A_284 = arith.constant 1 : i32
      %add3A_285 = arith.addi %mul3A_268, %add3A_284 : i32
      %mul3A_286 = arith.constant 128 : i32
      %mul3A_287 = arith.muli %add3A_285, %mul3A_286 : i32
      %add3A_288 = arith.addi %mul3A_8, %mul3A_287 : i32
      %dma_start3A_289 = arith.constant 2 : i32
      %dma_start3A_290 = tpu.memref_slice %arg3[%arg0, %dma_start3A_289, %add3A_288] : memref<2x3x320000xi32, #tpu.memory_space<hbm>> -> memref<1x1x128xi32, #tpu.memory_space<hbm>>
      %dma_start3A_291 = tpu.memref_squeeze %dma_start3A_290 : memref<1x1x128xi32, #tpu.memory_space<hbm>> -> memref<128xi32, #tpu.memory_space<hbm>>
      %dma_start3A_292 = tpu.memref_slice %arg3[%arg0, %dma_start3A_289, %add3A_288] : memref<2x3x320000xi32, #tpu.memory_space<hbm>> -> memref<1x1x128xi32, #tpu.memory_space<hbm>>
      %dma_start3A_293 = tpu.memref_squeeze %dma_start3A_292 : memref<1x1x128xi32, #tpu.memory_space<hbm>> -> memref<128xi32, #tpu.memory_space<hbm>>
      tpu.enqueue_dma source(%dma_start3A_293 : memref<128xi32, #tpu.memory_space<hbm>>) target(%arg7 : memref<128xi32, #tpu.memory_space<vmem>>) target_semaphore(%arg27 : memref<!tpu.dma_semaphore, #tpu.memory_space<semaphore_mem>>)
      %dma_start3A_294 = arith.constant 2 : i32
      %dma_start3A_295 = tpu.memref_slice %arg4[%dma_start3A_294, %add3A_288] : memref<3x320000xi32, #tpu.memory_space<hbm>> -> memref<1x128xi32, #tpu.memory_space<hbm>>
      %dma_start3A_296 = tpu.memref_squeeze %dma_start3A_295 : memref<1x128xi32, #tpu.memory_space<hbm>> -> memref<128xi32, #tpu.memory_space<hbm>>
      %dma_start3A_297 = tpu.memref_slice %arg4[%dma_start3A_294, %add3A_288] : memref<3x320000xi32, #tpu.memory_space<hbm>> -> memref<1x128xi32, #tpu.memory_space<hbm>>
      %dma_start3A_298 = tpu.memref_squeeze %dma_start3A_297 : memref<1x128xi32, #tpu.memory_space<hbm>> -> memref<128xi32, #tpu.memory_space<hbm>>
      tpu.enqueue_dma source(%dma_start3A_298 : memref<128xi32, #tpu.memory_space<hbm>>) target(%arg12 : memref<128xi32, #tpu.memory_space<vmem>>) target_semaphore(%arg32 : memref<!tpu.dma_semaphore, #tpu.memory_space<semaphore_mem>>)
      %add3A_299 = arith.constant 2 : i32
      %add3A_300 = arith.addi %mul3A_268, %add3A_299 : i32
      %mul3A_301 = arith.constant 128 : i32
      %mul3A_302 = arith.muli %add3A_300, %mul3A_301 : i32
      %add3A_303 = arith.addi %mul3A_8, %mul3A_302 : i32
      %dma_start3A_304 = arith.constant 2 : i32
      %dma_start3A_305 = tpu.memref_slice %arg3[%arg0, %dma_start3A_304, %add3A_303] : memref<2x3x320000xi32, #tpu.memory_space<hbm>> -> memref<1x1x128xi32, #tpu.memory_space<hbm>>
      %dma_start3A_306 = tpu.memref_squeeze %dma_start3A_305 : memref<1x1x128xi32, #tpu.memory_space<hbm>> -> memref<128xi32, #tpu.memory_space<hbm>>
      %dma_start3A_307 = tpu.memref_slice %arg3[%arg0, %dma_start3A_304, %add3A_303] : memref<2x3x320000xi32, #tpu.memory_space<hbm>> -> memref<1x1x128xi32, #tpu.memory_space<hbm>>
      %dma_start3A_308 = tpu.memref_squeeze %dma_start3A_307 : memref<1x1x128xi32, #tpu.memory_space<hbm>> -> memref<128xi32, #tpu.memory_space<hbm>>
      tpu.enqueue_dma source(%dma_start3A_308 : memref<128xi32, #tpu.memory_space<hbm>>) target(%arg8 : memref<128xi32, #tpu.memory_space<vmem>>) target_semaphore(%arg28 : memref<!tpu.dma_semaphore, #tpu.memory_space<semaphore_mem>>)
      %dma_start3A_309 = arith.constant 2 : i32
      %dma_start3A_310 = tpu.memref_slice %arg4[%dma_start3A_309, %add3A_303] : memref<3x320000xi32, #tpu.memory_space<hbm>> -> memref<1x128xi32, #tpu.memory_space<hbm>>
      %dma_start3A_311 = tpu.memref_squeeze %dma_start3A_310 : memref<1x128xi32, #tpu.memory_space<hbm>> -> memref<128xi32, #tpu.memory_space<hbm>>
      %dma_start3A_312 = tpu.memref_slice %arg4[%dma_start3A_309, %add3A_303] : memref<3x320000xi32, #tpu.memory_space<hbm>> -> memref<1x128xi32, #tpu.memory_space<hbm>>
      %dma_start3A_313 = tpu.memref_squeeze %dma_start3A_312 : memref<1x128xi32, #tpu.memory_space<hbm>> -> memref<128xi32, #tpu.memory_space<hbm>>
      tpu.enqueue_dma source(%dma_start3A_313 : memref<128xi32, #tpu.memory_space<hbm>>) target(%arg13 : memref<128xi32, #tpu.memory_space<vmem>>) target_semaphore(%arg33 : memref<!tpu.dma_semaphore, #tpu.memory_space<semaphore_mem>>)
      %add3A_314 = arith.constant 3 : i32
      %add3A_315 = arith.addi %mul3A_268, %add3A_314 : i32
      %mul3A_316 = arith.constant 128 : i32
      %mul3A_317 = arith.muli %add3A_315, %mul3A_316 : i32
      %add3A_318 = arith.addi %mul3A_8, %mul3A_317 : i32
      %dma_start3A_319 = arith.constant 2 : i32
      %dma_start3A_320 = tpu.memref_slice %arg3[%arg0, %dma_start3A_319, %add3A_318] : memref<2x3x320000xi32, #tpu.memory_space<hbm>> -> memref<1x1x128xi32, #tpu.memory_space<hbm>>
      %dma_start3A_321 = tpu.memref_squeeze %dma_start3A_320 : memref<1x1x128xi32, #tpu.memory_space<hbm>> -> memref<128xi32, #tpu.memory_space<hbm>>
      %dma_start3A_322 = tpu.memref_slice %arg3[%arg0, %dma_start3A_319, %add3A_318] : memref<2x3x320000xi32, #tpu.memory_space<hbm>> -> memref<1x1x128xi32, #tpu.memory_space<hbm>>
      %dma_start3A_323 = tpu.memref_squeeze %dma_start3A_322 : memref<1x1x128xi32, #tpu.memory_space<hbm>> -> memref<128xi32, #tpu.memory_space<hbm>>
      tpu.enqueue_dma source(%dma_start3A_323 : memref<128xi32, #tpu.memory_space<hbm>>) target(%arg9 : memref<128xi32, #tpu.memory_space<vmem>>) target_semaphore(%arg29 : memref<!tpu.dma_semaphore, #tpu.memory_space<semaphore_mem>>)
      %dma_start3A_324 = arith.constant 2 : i32
      %dma_start3A_325 = tpu.memref_slice %arg4[%dma_start3A_324, %add3A_318] : memref<3x320000xi32, #tpu.memory_space<hbm>> -> memref<1x128xi32, #tpu.memory_space<hbm>>
      %dma_start3A_326 = tpu.memref_squeeze %dma_start3A_325 : memref<1x128xi32, #tpu.memory_space<hbm>> -> memref<128xi32, #tpu.memory_space<hbm>>
      %dma_start3A_327 = tpu.memref_slice %arg4[%dma_start3A_324, %add3A_318] : memref<3x320000xi32, #tpu.memory_space<hbm>> -> memref<1x128xi32, #tpu.memory_space<hbm>>
      %dma_start3A_328 = tpu.memref_squeeze %dma_start3A_327 : memref<1x128xi32, #tpu.memory_space<hbm>> -> memref<128xi32, #tpu.memory_space<hbm>>
      tpu.enqueue_dma source(%dma_start3A_328 : memref<128xi32, #tpu.memory_space<hbm>>) target(%arg14 : memref<128xi32, #tpu.memory_space<vmem>>) target_semaphore(%arg34 : memref<!tpu.dma_semaphore, #tpu.memory_space<semaphore_mem>>)
      %add3A_329 = arith.constant 4 : i32
      %add3A_330 = arith.addi %mul3A_268, %add3A_329 : i32
      %mul3A_331 = arith.constant 128 : i32
      %mul3A_332 = arith.muli %add3A_330, %mul3A_331 : i32
      %add3A_333 = arith.addi %mul3A_8, %mul3A_332 : i32
      %dma_start3A_334 = arith.constant 2 : i32
      %dma_start3A_335 = tpu.memref_slice %arg3[%arg0, %dma_start3A_334, %add3A_333] : memref<2x3x320000xi32, #tpu.memory_space<hbm>> -> memref<1x1x128xi32, #tpu.memory_space<hbm>>
      %dma_start3A_336 = tpu.memref_squeeze %dma_start3A_335 : memref<1x1x128xi32, #tpu.memory_space<hbm>> -> memref<128xi32, #tpu.memory_space<hbm>>
      %dma_start3A_337 = tpu.memref_slice %arg3[%arg0, %dma_start3A_334, %add3A_333] : memref<2x3x320000xi32, #tpu.memory_space<hbm>> -> memref<1x1x128xi32, #tpu.memory_space<hbm>>
      %dma_start3A_338 = tpu.memref_squeeze %dma_start3A_337 : memref<1x1x128xi32, #tpu.memory_space<hbm>> -> memref<128xi32, #tpu.memory_space<hbm>>
      tpu.enqueue_dma source(%dma_start3A_338 : memref<128xi32, #tpu.memory_space<hbm>>) target(%arg10 : memref<128xi32, #tpu.memory_space<vmem>>) target_semaphore(%arg30 : memref<!tpu.dma_semaphore, #tpu.memory_space<semaphore_mem>>)
      %dma_start3A_339 = arith.constant 2 : i32
      %dma_start3A_340 = tpu.memref_slice %arg4[%dma_start3A_339, %add3A_333] : memref<3x320000xi32, #tpu.memory_space<hbm>> -> memref<1x128xi32, #tpu.memory_space<hbm>>
      %dma_start3A_341 = tpu.memref_squeeze %dma_start3A_340 : memref<1x128xi32, #tpu.memory_space<hbm>> -> memref<128xi32, #tpu.memory_space<hbm>>
      %dma_start3A_342 = tpu.memref_slice %arg4[%dma_start3A_339, %add3A_333] : memref<3x320000xi32, #tpu.memory_space<hbm>> -> memref<1x128xi32, #tpu.memory_space<hbm>>
      %dma_start3A_343 = tpu.memref_squeeze %dma_start3A_342 : memref<1x128xi32, #tpu.memory_space<hbm>> -> memref<128xi32, #tpu.memory_space<hbm>>
      tpu.enqueue_dma source(%dma_start3A_343 : memref<128xi32, #tpu.memory_space<hbm>>) target(%arg15 : memref<128xi32, #tpu.memory_space<vmem>>) target_semaphore(%arg35 : memref<!tpu.dma_semaphore, #tpu.memory_space<semaphore_mem>>)
      %dma_wait3A_344 = arith.constant 2 : i32
      %dma_wait3A_345 = tpu.memref_slice %arg3[%arg0, %dma_wait3A_344, %add3A_273] : memref<2x3x320000xi32, #tpu.memory_space<hbm>> -> memref<1x1x128xi32, #tpu.memory_space<hbm>>
      %dma_wait3A_346 = tpu.memref_squeeze %dma_wait3A_345 : memref<1x1x128xi32, #tpu.memory_space<hbm>> -> memref<128xi32, #tpu.memory_space<hbm>>
      %dma_wait3A_347 = tpu.memref_slice %arg3[%arg0, %dma_wait3A_344, %add3A_273] : memref<2x3x320000xi32, #tpu.memory_space<hbm>> -> memref<1x1x128xi32, #tpu.memory_space<hbm>>
      %dma_wait3A_348 = tpu.memref_squeeze %dma_wait3A_347 : memref<1x1x128xi32, #tpu.memory_space<hbm>> -> memref<128xi32, #tpu.memory_space<hbm>>
      tpu.wait_dma2 semaphore(%arg26 : memref<!tpu.dma_semaphore, #tpu.memory_space<semaphore_mem>>) src(%dma_wait3A_348 : memref<128xi32, #tpu.memory_space<hbm>>) dst(%arg6 : memref<128xi32, #tpu.memory_space<vmem>>)
      %dma_start3A_349 = arith.constant 0 : i32
      %dma_start3A_350 = arith.constant 0 : i32
      %dma_start3A_351 = tpu.memref_slice %arg2[%dma_start3A_349, %dma_start3A_350] : memref<60000x64xf32, #tpu.memory_space<hbm>> -> memref<60000x64xf32, #tpu.memory_space<hbm>>
      tpu.enqueue_indirect_dma source(%dma_start3A_351 : memref<60000x64xf32, #tpu.memory_space<hbm>>) target(%arg16 : memref<128x64xf32, #tpu.memory_space<vmem>>) offsets(%arg6 : memref<128xi32, #tpu.memory_space<vmem>>) semaphore(%arg36 : memref<!tpu.dma_semaphore, #tpu.memory_space<semaphore_mem>>)
      %dma_wait3A_352 = arith.constant 2 : i32
      %dma_wait3A_353 = tpu.memref_slice %arg3[%arg0, %dma_wait3A_352, %add3A_288] : memref<2x3x320000xi32, #tpu.memory_space<hbm>> -> memref<1x1x128xi32, #tpu.memory_space<hbm>>
      %dma_wait3A_354 = tpu.memref_squeeze %dma_wait3A_353 : memref<1x1x128xi32, #tpu.memory_space<hbm>> -> memref<128xi32, #tpu.memory_space<hbm>>
      %dma_wait3A_355 = tpu.memref_slice %arg3[%arg0, %dma_wait3A_352, %add3A_288] : memref<2x3x320000xi32, #tpu.memory_space<hbm>> -> memref<1x1x128xi32, #tpu.memory_space<hbm>>
      %dma_wait3A_356 = tpu.memref_squeeze %dma_wait3A_355 : memref<1x1x128xi32, #tpu.memory_space<hbm>> -> memref<128xi32, #tpu.memory_space<hbm>>
      tpu.wait_dma2 semaphore(%arg27 : memref<!tpu.dma_semaphore, #tpu.memory_space<semaphore_mem>>) src(%dma_wait3A_356 : memref<128xi32, #tpu.memory_space<hbm>>) dst(%arg7 : memref<128xi32, #tpu.memory_space<vmem>>)
      %dma_start3A_357 = arith.constant 0 : i32
      %dma_start3A_358 = arith.constant 0 : i32
      %dma_start3A_359 = tpu.memref_slice %arg2[%dma_start3A_357, %dma_start3A_358] : memref<60000x64xf32, #tpu.memory_space<hbm>> -> memref<60000x64xf32, #tpu.memory_space<hbm>>
      tpu.enqueue_indirect_dma source(%dma_start3A_359 : memref<60000x64xf32, #tpu.memory_space<hbm>>) target(%arg17 : memref<128x64xf32, #tpu.memory_space<vmem>>) offsets(%arg7 : memref<128xi32, #tpu.memory_space<vmem>>) semaphore(%arg37 : memref<!tpu.dma_semaphore, #tpu.memory_space<semaphore_mem>>)
      %dma_wait3A_360 = arith.constant 2 : i32
      %dma_wait3A_361 = tpu.memref_slice %arg3[%arg0, %dma_wait3A_360, %add3A_303] : memref<2x3x320000xi32, #tpu.memory_space<hbm>> -> memref<1x1x128xi32, #tpu.memory_space<hbm>>
      %dma_wait3A_362 = tpu.memref_squeeze %dma_wait3A_361 : memref<1x1x128xi32, #tpu.memory_space<hbm>> -> memref<128xi32, #tpu.memory_space<hbm>>
      %dma_wait3A_363 = tpu.memref_slice %arg3[%arg0, %dma_wait3A_360, %add3A_303] : memref<2x3x320000xi32, #tpu.memory_space<hbm>> -> memref<1x1x128xi32, #tpu.memory_space<hbm>>
      %dma_wait3A_364 = tpu.memref_squeeze %dma_wait3A_363 : memref<1x1x128xi32, #tpu.memory_space<hbm>> -> memref<128xi32, #tpu.memory_space<hbm>>
      tpu.wait_dma2 semaphore(%arg28 : memref<!tpu.dma_semaphore, #tpu.memory_space<semaphore_mem>>) src(%dma_wait3A_364 : memref<128xi32, #tpu.memory_space<hbm>>) dst(%arg8 : memref<128xi32, #tpu.memory_space<vmem>>)
      %dma_start3A_365 = arith.constant 0 : i32
      %dma_start3A_366 = arith.constant 0 : i32
      %dma_start3A_367 = tpu.memref_slice %arg2[%dma_start3A_365, %dma_start3A_366] : memref<60000x64xf32, #tpu.memory_space<hbm>> -> memref<60000x64xf32, #tpu.memory_space<hbm>>
      tpu.enqueue_indirect_dma source(%dma_start3A_367 : memref<60000x64xf32, #tpu.memory_space<hbm>>) target(%arg18 : memref<128x64xf32, #tpu.memory_space<vmem>>) offsets(%arg8 : memref<128xi32, #tpu.memory_space<vmem>>) semaphore(%arg38 : memref<!tpu.dma_semaphore, #tpu.memory_space<semaphore_mem>>)
      %dma_wait3A_368 = arith.constant 2 : i32
      %dma_wait3A_369 = tpu.memref_slice %arg3[%arg0, %dma_wait3A_368, %add3A_318] : memref<2x3x320000xi32, #tpu.memory_space<hbm>> -> memref<1x1x128xi32, #tpu.memory_space<hbm>>
      %dma_wait3A_370 = tpu.memref_squeeze %dma_wait3A_369 : memref<1x1x128xi32, #tpu.memory_space<hbm>> -> memref<128xi32, #tpu.memory_space<hbm>>
      %dma_wait3A_371 = tpu.memref_slice %arg3[%arg0, %dma_wait3A_368, %add3A_318] : memref<2x3x320000xi32, #tpu.memory_space<hbm>> -> memref<1x1x128xi32, #tpu.memory_space<hbm>>
      %dma_wait3A_372 = tpu.memref_squeeze %dma_wait3A_371 : memref<1x1x128xi32, #tpu.memory_space<hbm>> -> memref<128xi32, #tpu.memory_space<hbm>>
      tpu.wait_dma2 semaphore(%arg29 : memref<!tpu.dma_semaphore, #tpu.memory_space<semaphore_mem>>) src(%dma_wait3A_372 : memref<128xi32, #tpu.memory_space<hbm>>) dst(%arg9 : memref<128xi32, #tpu.memory_space<vmem>>)
      %dma_start3A_373 = arith.constant 0 : i32
      %dma_start3A_374 = arith.constant 0 : i32
      %dma_start3A_375 = tpu.memref_slice %arg2[%dma_start3A_373, %dma_start3A_374] : memref<60000x64xf32, #tpu.memory_space<hbm>> -> memref<60000x64xf32, #tpu.memory_space<hbm>>
      tpu.enqueue_indirect_dma source(%dma_start3A_375 : memref<60000x64xf32, #tpu.memory_space<hbm>>) target(%arg19 : memref<128x64xf32, #tpu.memory_space<vmem>>) offsets(%arg9 : memref<128xi32, #tpu.memory_space<vmem>>) semaphore(%arg39 : memref<!tpu.dma_semaphore, #tpu.memory_space<semaphore_mem>>)
      %dma_wait3A_376 = arith.constant 2 : i32
      %dma_wait3A_377 = tpu.memref_slice %arg3[%arg0, %dma_wait3A_376, %add3A_333] : memref<2x3x320000xi32, #tpu.memory_space<hbm>> -> memref<1x1x128xi32, #tpu.memory_space<hbm>>
      %dma_wait3A_378 = tpu.memref_squeeze %dma_wait3A_377 : memref<1x1x128xi32, #tpu.memory_space<hbm>> -> memref<128xi32, #tpu.memory_space<hbm>>
      %dma_wait3A_379 = tpu.memref_slice %arg3[%arg0, %dma_wait3A_376, %add3A_333] : memref<2x3x320000xi32, #tpu.memory_space<hbm>> -> memref<1x1x128xi32, #tpu.memory_space<hbm>>
      %dma_wait3A_380 = tpu.memref_squeeze %dma_wait3A_379 : memref<1x1x128xi32, #tpu.memory_space<hbm>> -> memref<128xi32, #tpu.memory_space<hbm>>
      tpu.wait_dma2 semaphore(%arg30 : memref<!tpu.dma_semaphore, #tpu.memory_space<semaphore_mem>>) src(%dma_wait3A_380 : memref<128xi32, #tpu.memory_space<hbm>>) dst(%arg10 : memref<128xi32, #tpu.memory_space<vmem>>)
      %dma_start3A_381 = arith.constant 0 : i32
      %dma_start3A_382 = arith.constant 0 : i32
      %dma_start3A_383 = tpu.memref_slice %arg2[%dma_start3A_381, %dma_start3A_382] : memref<60000x64xf32, #tpu.memory_space<hbm>> -> memref<60000x64xf32, #tpu.memory_space<hbm>>
      tpu.enqueue_indirect_dma source(%dma_start3A_383 : memref<60000x64xf32, #tpu.memory_space<hbm>>) target(%arg20 : memref<128x64xf32, #tpu.memory_space<vmem>>) offsets(%arg10 : memref<128xi32, #tpu.memory_space<vmem>>) semaphore(%arg40 : memref<!tpu.dma_semaphore, #tpu.memory_space<semaphore_mem>>)
      %dma_wait3A_384 = arith.constant 0 : i32
      %dma_wait3A_385 = arith.constant 0 : i32
      %dma_wait3A_386 = tpu.memref_slice %arg2[%dma_wait3A_384, %dma_wait3A_385] : memref<60000x64xf32, #tpu.memory_space<hbm>> -> memref<60000x64xf32, #tpu.memory_space<hbm>>
      tpu.wait_indirect_dma semaphore(%arg36 : memref<!tpu.dma_semaphore, #tpu.memory_space<semaphore_mem>>) src(%dma_wait3A_386 : memref<60000x64xf32, #tpu.memory_space<hbm>>) dst(%arg16 : memref<128x64xf32, #tpu.memory_space<vmem>>)
      %dma_wait3A_387 = arith.constant 2 : i32
      %dma_wait3A_388 = tpu.memref_slice %arg4[%dma_wait3A_387, %add3A_273] : memref<3x320000xi32, #tpu.memory_space<hbm>> -> memref<1x128xi32, #tpu.memory_space<hbm>>
      %dma_wait3A_389 = tpu.memref_squeeze %dma_wait3A_388 : memref<1x128xi32, #tpu.memory_space<hbm>> -> memref<128xi32, #tpu.memory_space<hbm>>
      %dma_wait3A_390 = tpu.memref_slice %arg4[%dma_wait3A_387, %add3A_273] : memref<3x320000xi32, #tpu.memory_space<hbm>> -> memref<1x128xi32, #tpu.memory_space<hbm>>
      %dma_wait3A_391 = tpu.memref_squeeze %dma_wait3A_390 : memref<1x128xi32, #tpu.memory_space<hbm>> -> memref<128xi32, #tpu.memory_space<hbm>>
      tpu.wait_dma2 semaphore(%arg31 : memref<!tpu.dma_semaphore, #tpu.memory_space<semaphore_mem>>) src(%dma_wait3A_391 : memref<128xi32, #tpu.memory_space<hbm>>) dst(%arg11 : memref<128xi32, #tpu.memory_space<vmem>>)
      %dma_start3A_392 = arith.constant 0 : i32
      %dma_start3A_393 = arith.constant 0 : i32
      %dma_start3A_394 = tpu.memref_slice %arg25[%dma_start3A_392, %dma_start3A_393] : memref<10112x64xf32, #tpu.memory_space<vmem_shared>> -> memref<10112x64xf32, #tpu.memory_space<vmem_shared>>
      tpu.enqueue_indirect_dma source(%arg16 : memref<128x64xf32, #tpu.memory_space<vmem>>) target(%dma_start3A_394 : memref<10112x64xf32, #tpu.memory_space<vmem_shared>>) offsets(%arg11 : memref<128xi32, #tpu.memory_space<vmem>>) semaphore(%arg41 : memref<!tpu.dma_semaphore, #tpu.memory_space<semaphore_mem>>) {add = true}
      %dma_wait3A_395 = arith.constant 0 : i32
      %dma_wait3A_396 = arith.constant 0 : i32
      %dma_wait3A_397 = tpu.memref_slice %arg2[%dma_wait3A_395, %dma_wait3A_396] : memref<60000x64xf32, #tpu.memory_space<hbm>> -> memref<60000x64xf32, #tpu.memory_space<hbm>>
      tpu.wait_indirect_dma semaphore(%arg37 : memref<!tpu.dma_semaphore, #tpu.memory_space<semaphore_mem>>) src(%dma_wait3A_397 : memref<60000x64xf32, #tpu.memory_space<hbm>>) dst(%arg17 : memref<128x64xf32, #tpu.memory_space<vmem>>)
      %dma_wait3A_398 = arith.constant 2 : i32
      %dma_wait3A_399 = tpu.memref_slice %arg4[%dma_wait3A_398, %add3A_288] : memref<3x320000xi32, #tpu.memory_space<hbm>> -> memref<1x128xi32, #tpu.memory_space<hbm>>
      %dma_wait3A_400 = tpu.memref_squeeze %dma_wait3A_399 : memref<1x128xi32, #tpu.memory_space<hbm>> -> memref<128xi32, #tpu.memory_space<hbm>>
      %dma_wait3A_401 = tpu.memref_slice %arg4[%dma_wait3A_398, %add3A_288] : memref<3x320000xi32, #tpu.memory_space<hbm>> -> memref<1x128xi32, #tpu.memory_space<hbm>>
      %dma_wait3A_402 = tpu.memref_squeeze %dma_wait3A_401 : memref<1x128xi32, #tpu.memory_space<hbm>> -> memref<128xi32, #tpu.memory_space<hbm>>
      tpu.wait_dma2 semaphore(%arg32 : memref<!tpu.dma_semaphore, #tpu.memory_space<semaphore_mem>>) src(%dma_wait3A_402 : memref<128xi32, #tpu.memory_space<hbm>>) dst(%arg12 : memref<128xi32, #tpu.memory_space<vmem>>)
      %dma_start3A_403 = arith.constant 0 : i32
      %dma_start3A_404 = arith.constant 0 : i32
      %dma_start3A_405 = tpu.memref_slice %arg25[%dma_start3A_403, %dma_start3A_404] : memref<10112x64xf32, #tpu.memory_space<vmem_shared>> -> memref<10112x64xf32, #tpu.memory_space<vmem_shared>>
      tpu.enqueue_indirect_dma source(%arg17 : memref<128x64xf32, #tpu.memory_space<vmem>>) target(%dma_start3A_405 : memref<10112x64xf32, #tpu.memory_space<vmem_shared>>) offsets(%arg12 : memref<128xi32, #tpu.memory_space<vmem>>) semaphore(%arg42 : memref<!tpu.dma_semaphore, #tpu.memory_space<semaphore_mem>>) {add = true}
      %dma_wait3A_406 = arith.constant 0 : i32
      %dma_wait3A_407 = arith.constant 0 : i32
      %dma_wait3A_408 = tpu.memref_slice %arg2[%dma_wait3A_406, %dma_wait3A_407] : memref<60000x64xf32, #tpu.memory_space<hbm>> -> memref<60000x64xf32, #tpu.memory_space<hbm>>
      tpu.wait_indirect_dma semaphore(%arg38 : memref<!tpu.dma_semaphore, #tpu.memory_space<semaphore_mem>>) src(%dma_wait3A_408 : memref<60000x64xf32, #tpu.memory_space<hbm>>) dst(%arg18 : memref<128x64xf32, #tpu.memory_space<vmem>>)
      %dma_wait3A_409 = arith.constant 2 : i32
      %dma_wait3A_410 = tpu.memref_slice %arg4[%dma_wait3A_409, %add3A_303] : memref<3x320000xi32, #tpu.memory_space<hbm>> -> memref<1x128xi32, #tpu.memory_space<hbm>>
      %dma_wait3A_411 = tpu.memref_squeeze %dma_wait3A_410 : memref<1x128xi32, #tpu.memory_space<hbm>> -> memref<128xi32, #tpu.memory_space<hbm>>
      %dma_wait3A_412 = tpu.memref_slice %arg4[%dma_wait3A_409, %add3A_303] : memref<3x320000xi32, #tpu.memory_space<hbm>> -> memref<1x128xi32, #tpu.memory_space<hbm>>
      %dma_wait3A_413 = tpu.memref_squeeze %dma_wait3A_412 : memref<1x128xi32, #tpu.memory_space<hbm>> -> memref<128xi32, #tpu.memory_space<hbm>>
      tpu.wait_dma2 semaphore(%arg33 : memref<!tpu.dma_semaphore, #tpu.memory_space<semaphore_mem>>) src(%dma_wait3A_413 : memref<128xi32, #tpu.memory_space<hbm>>) dst(%arg13 : memref<128xi32, #tpu.memory_space<vmem>>)
      %dma_start3A_414 = arith.constant 0 : i32
      %dma_start3A_415 = arith.constant 0 : i32
      %dma_start3A_416 = tpu.memref_slice %arg25[%dma_start3A_414, %dma_start3A_415] : memref<10112x64xf32, #tpu.memory_space<vmem_shared>> -> memref<10112x64xf32, #tpu.memory_space<vmem_shared>>
      tpu.enqueue_indirect_dma source(%arg18 : memref<128x64xf32, #tpu.memory_space<vmem>>) target(%dma_start3A_416 : memref<10112x64xf32, #tpu.memory_space<vmem_shared>>) offsets(%arg13 : memref<128xi32, #tpu.memory_space<vmem>>) semaphore(%arg43 : memref<!tpu.dma_semaphore, #tpu.memory_space<semaphore_mem>>) {add = true}
      %dma_wait3A_417 = arith.constant 0 : i32
      %dma_wait3A_418 = arith.constant 0 : i32
      %dma_wait3A_419 = tpu.memref_slice %arg2[%dma_wait3A_417, %dma_wait3A_418] : memref<60000x64xf32, #tpu.memory_space<hbm>> -> memref<60000x64xf32, #tpu.memory_space<hbm>>
      tpu.wait_indirect_dma semaphore(%arg39 : memref<!tpu.dma_semaphore, #tpu.memory_space<semaphore_mem>>) src(%dma_wait3A_419 : memref<60000x64xf32, #tpu.memory_space<hbm>>) dst(%arg19 : memref<128x64xf32, #tpu.memory_space<vmem>>)
      %dma_wait3A_420 = arith.constant 2 : i32
      %dma_wait3A_421 = tpu.memref_slice %arg4[%dma_wait3A_420, %add3A_318] : memref<3x320000xi32, #tpu.memory_space<hbm>> -> memref<1x128xi32, #tpu.memory_space<hbm>>
      %dma_wait3A_422 = tpu.memref_squeeze %dma_wait3A_421 : memref<1x128xi32, #tpu.memory_space<hbm>> -> memref<128xi32, #tpu.memory_space<hbm>>
      %dma_wait3A_423 = tpu.memref_slice %arg4[%dma_wait3A_420, %add3A_318] : memref<3x320000xi32, #tpu.memory_space<hbm>> -> memref<1x128xi32, #tpu.memory_space<hbm>>
      %dma_wait3A_424 = tpu.memref_squeeze %dma_wait3A_423 : memref<1x128xi32, #tpu.memory_space<hbm>> -> memref<128xi32, #tpu.memory_space<hbm>>
      tpu.wait_dma2 semaphore(%arg34 : memref<!tpu.dma_semaphore, #tpu.memory_space<semaphore_mem>>) src(%dma_wait3A_424 : memref<128xi32, #tpu.memory_space<hbm>>) dst(%arg14 : memref<128xi32, #tpu.memory_space<vmem>>)
      %dma_start3A_425 = arith.constant 0 : i32
      %dma_start3A_426 = arith.constant 0 : i32
      %dma_start3A_427 = tpu.memref_slice %arg25[%dma_start3A_425, %dma_start3A_426] : memref<10112x64xf32, #tpu.memory_space<vmem_shared>> -> memref<10112x64xf32, #tpu.memory_space<vmem_shared>>
      tpu.enqueue_indirect_dma source(%arg19 : memref<128x64xf32, #tpu.memory_space<vmem>>) target(%dma_start3A_427 : memref<10112x64xf32, #tpu.memory_space<vmem_shared>>) offsets(%arg14 : memref<128xi32, #tpu.memory_space<vmem>>) semaphore(%arg44 : memref<!tpu.dma_semaphore, #tpu.memory_space<semaphore_mem>>) {add = true}
      %dma_wait3A_428 = arith.constant 0 : i32
      %dma_wait3A_429 = arith.constant 0 : i32
      %dma_wait3A_430 = tpu.memref_slice %arg2[%dma_wait3A_428, %dma_wait3A_429] : memref<60000x64xf32, #tpu.memory_space<hbm>> -> memref<60000x64xf32, #tpu.memory_space<hbm>>
      tpu.wait_indirect_dma semaphore(%arg40 : memref<!tpu.dma_semaphore, #tpu.memory_space<semaphore_mem>>) src(%dma_wait3A_430 : memref<60000x64xf32, #tpu.memory_space<hbm>>) dst(%arg20 : memref<128x64xf32, #tpu.memory_space<vmem>>)
      %dma_wait3A_431 = arith.constant 2 : i32
      %dma_wait3A_432 = tpu.memref_slice %arg4[%dma_wait3A_431, %add3A_333] : memref<3x320000xi32, #tpu.memory_space<hbm>> -> memref<1x128xi32, #tpu.memory_space<hbm>>
      %dma_wait3A_433 = tpu.memref_squeeze %dma_wait3A_432 : memref<1x128xi32, #tpu.memory_space<hbm>> -> memref<128xi32, #tpu.memory_space<hbm>>
      %dma_wait3A_434 = tpu.memref_slice %arg4[%dma_wait3A_431, %add3A_333] : memref<3x320000xi32, #tpu.memory_space<hbm>> -> memref<1x128xi32, #tpu.memory_space<hbm>>
      %dma_wait3A_435 = tpu.memref_squeeze %dma_wait3A_434 : memref<1x128xi32, #tpu.memory_space<hbm>> -> memref<128xi32, #tpu.memory_space<hbm>>
      tpu.wait_dma2 semaphore(%arg35 : memref<!tpu.dma_semaphore, #tpu.memory_space<semaphore_mem>>) src(%dma_wait3A_435 : memref<128xi32, #tpu.memory_space<hbm>>) dst(%arg15 : memref<128xi32, #tpu.memory_space<vmem>>)
      %dma_start3A_436 = arith.constant 0 : i32
      %dma_start3A_437 = arith.constant 0 : i32
      %dma_start3A_438 = tpu.memref_slice %arg25[%dma_start3A_436, %dma_start3A_437] : memref<10112x64xf32, #tpu.memory_space<vmem_shared>> -> memref<10112x64xf32, #tpu.memory_space<vmem_shared>>
      tpu.enqueue_indirect_dma source(%arg20 : memref<128x64xf32, #tpu.memory_space<vmem>>) target(%dma_start3A_438 : memref<10112x64xf32, #tpu.memory_space<vmem_shared>>) offsets(%arg15 : memref<128xi32, #tpu.memory_space<vmem>>) semaphore(%arg45 : memref<!tpu.dma_semaphore, #tpu.memory_space<semaphore_mem>>) {add = true}
      %dma_wait3A_439 = arith.constant 0 : i32
      %dma_wait3A_440 = arith.constant 0 : i32
      %dma_wait3A_441 = tpu.memref_slice %arg25[%dma_wait3A_439, %dma_wait3A_440] : memref<10112x64xf32, #tpu.memory_space<vmem_shared>> -> memref<10112x64xf32, #tpu.memory_space<vmem_shared>>
      tpu.wait_indirect_dma semaphore(%arg41 : memref<!tpu.dma_semaphore, #tpu.memory_space<semaphore_mem>>) src(%arg16 : memref<128x64xf32, #tpu.memory_space<vmem>>) dst(%dma_wait3A_441 : memref<10112x64xf32, #tpu.memory_space<vmem_shared>>)
      %dma_wait3A_442 = arith.constant 0 : i32
      %dma_wait3A_443 = arith.constant 0 : i32
      %dma_wait3A_444 = tpu.memref_slice %arg25[%dma_wait3A_442, %dma_wait3A_443] : memref<10112x64xf32, #tpu.memory_space<vmem_shared>> -> memref<10112x64xf32, #tpu.memory_space<vmem_shared>>
      tpu.wait_indirect_dma semaphore(%arg42 : memref<!tpu.dma_semaphore, #tpu.memory_space<semaphore_mem>>) src(%arg17 : memref<128x64xf32, #tpu.memory_space<vmem>>) dst(%dma_wait3A_444 : memref<10112x64xf32, #tpu.memory_space<vmem_shared>>)
      %dma_wait3A_445 = arith.constant 0 : i32
      %dma_wait3A_446 = arith.constant 0 : i32
      %dma_wait3A_447 = tpu.memref_slice %arg25[%dma_wait3A_445, %dma_wait3A_446] : memref<10112x64xf32, #tpu.memory_space<vmem_shared>> -> memref<10112x64xf32, #tpu.memory_space<vmem_shared>>
      tpu.wait_indirect_dma semaphore(%arg43 : memref<!tpu.dma_semaphore, #tpu.memory_space<semaphore_mem>>) src(%arg18 : memref<128x64xf32, #tpu.memory_space<vmem>>) dst(%dma_wait3A_447 : memref<10112x64xf32, #tpu.memory_space<vmem_shared>>)
      %dma_wait3A_448 = arith.constant 0 : i32
      %dma_wait3A_449 = arith.constant 0 : i32
      %dma_wait3A_450 = tpu.memref_slice %arg25[%dma_wait3A_448, %dma_wait3A_449] : memref<10112x64xf32, #tpu.memory_space<vmem_shared>> -> memref<10112x64xf32, #tpu.memory_space<vmem_shared>>
      tpu.wait_indirect_dma semaphore(%arg44 : memref<!tpu.dma_semaphore, #tpu.memory_space<semaphore_mem>>) src(%arg19 : memref<128x64xf32, #tpu.memory_space<vmem>>) dst(%dma_wait3A_450 : memref<10112x64xf32, #tpu.memory_space<vmem_shared>>)
      %dma_wait3A_451 = arith.constant 0 : i32
      %dma_wait3A_452 = arith.constant 0 : i32
      %dma_wait3A_453 = tpu.memref_slice %arg25[%dma_wait3A_451, %dma_wait3A_452] : memref<10112x64xf32, #tpu.memory_space<vmem_shared>> -> memref<10112x64xf32, #tpu.memory_space<vmem_shared>>
      tpu.wait_indirect_dma semaphore(%arg45 : memref<!tpu.dma_semaphore, #tpu.memory_space<semaphore_mem>>) src(%arg20 : memref<128x64xf32, #tpu.memory_space<vmem>>) dst(%dma_wait3A_453 : memref<10112x64xf32, #tpu.memory_space<vmem_shared>>)
    }
    %scan3A_189 = arith.constant 31 : i32
    %add3A_190 = arith.constant 19840 : i32
    %add3A_191 = arith.addi %mul3A_8, %add3A_190 : i32
    %dma_start3A_192 = arith.constant 2 : i32
    %dma_start3A_193 = tpu.memref_slice %arg3[%arg0, %dma_start3A_192, %add3A_191] : memref<2x3x320000xi32, #tpu.memory_space<hbm>> -> memref<1x1x128xi32, #tpu.memory_space<hbm>>
    %dma_start3A_194 = tpu.memref_squeeze %dma_start3A_193 : memref<1x1x128xi32, #tpu.memory_space<hbm>> -> memref<128xi32, #tpu.memory_space<hbm>>
    %dma_start3A_195 = tpu.memref_slice %arg3[%arg0, %dma_start3A_192, %add3A_191] : memref<2x3x320000xi32, #tpu.memory_space<hbm>> -> memref<1x1x128xi32, #tpu.memory_space<hbm>>
    %dma_start3A_196 = tpu.memref_squeeze %dma_start3A_195 : memref<1x1x128xi32, #tpu.memory_space<hbm>> -> memref<128xi32, #tpu.memory_space<hbm>>
    tpu.enqueue_dma source(%dma_start3A_196 : memref<128xi32, #tpu.memory_space<hbm>>) target(%arg6 : memref<128xi32, #tpu.memory_space<vmem>>) target_semaphore(%arg26 : memref<!tpu.dma_semaphore, #tpu.memory_space<semaphore_mem>>)
    %dma_start3A_197 = arith.constant 2 : i32
    %dma_start3A_198 = tpu.memref_slice %arg4[%dma_start3A_197, %add3A_191] : memref<3x320000xi32, #tpu.memory_space<hbm>> -> memref<1x128xi32, #tpu.memory_space<hbm>>
    %dma_start3A_199 = tpu.memref_squeeze %dma_start3A_198 : memref<1x128xi32, #tpu.memory_space<hbm>> -> memref<128xi32, #tpu.memory_space<hbm>>
    %dma_start3A_200 = tpu.memref_slice %arg4[%dma_start3A_197, %add3A_191] : memref<3x320000xi32, #tpu.memory_space<hbm>> -> memref<1x128xi32, #tpu.memory_space<hbm>>
    %dma_start3A_201 = tpu.memref_squeeze %dma_start3A_200 : memref<1x128xi32, #tpu.memory_space<hbm>> -> memref<128xi32, #tpu.memory_space<hbm>>
    tpu.enqueue_dma source(%dma_start3A_201 : memref<128xi32, #tpu.memory_space<hbm>>) target(%arg11 : memref<128xi32, #tpu.memory_space<vmem>>) target_semaphore(%arg31 : memref<!tpu.dma_semaphore, #tpu.memory_space<semaphore_mem>>)
    %add3A_202 = arith.constant 19968 : i32
    %add3A_203 = arith.addi %mul3A_8, %add3A_202 : i32
    %dma_start3A_204 = arith.constant 2 : i32
    %dma_start3A_205 = tpu.memref_slice %arg3[%arg0, %dma_start3A_204, %add3A_203] : memref<2x3x320000xi32, #tpu.memory_space<hbm>> -> memref<1x1x32xi32, #tpu.memory_space<hbm>>
    %dma_start3A_206 = tpu.memref_squeeze %dma_start3A_205 : memref<1x1x32xi32, #tpu.memory_space<hbm>> -> memref<32xi32, #tpu.memory_space<hbm>>
    %dma_start3A_207 = tpu.memref_slice %arg3[%arg0, %dma_start3A_204, %add3A_203] : memref<2x3x320000xi32, #tpu.memory_space<hbm>> -> memref<1x1x32xi32, #tpu.memory_space<hbm>>
    %dma_start3A_208 = tpu.memref_squeeze %dma_start3A_207 : memref<1x1x32xi32, #tpu.memory_space<hbm>> -> memref<32xi32, #tpu.memory_space<hbm>>
    tpu.enqueue_dma source(%dma_start3A_208 : memref<32xi32, #tpu.memory_space<hbm>>) target(%arg22 : memref<32xi32, #tpu.memory_space<vmem>>) target_semaphore(%arg30 : memref<!tpu.dma_semaphore, #tpu.memory_space<semaphore_mem>>)
    %dma_start3A_209 = arith.constant 2 : i32
    %dma_start3A_210 = tpu.memref_slice %arg4[%dma_start3A_209, %add3A_203] : memref<3x320000xi32, #tpu.memory_space<hbm>> -> memref<1x32xi32, #tpu.memory_space<hbm>>
    %dma_start3A_211 = tpu.memref_squeeze %dma_start3A_210 : memref<1x32xi32, #tpu.memory_space<hbm>> -> memref<32xi32, #tpu.memory_space<hbm>>
    %dma_start3A_212 = tpu.memref_slice %arg4[%dma_start3A_209, %add3A_203] : memref<3x320000xi32, #tpu.memory_space<hbm>> -> memref<1x32xi32, #tpu.memory_space<hbm>>
    %dma_start3A_213 = tpu.memref_squeeze %dma_start3A_212 : memref<1x32xi32, #tpu.memory_space<hbm>> -> memref<32xi32, #tpu.memory_space<hbm>>
    tpu.enqueue_dma source(%dma_start3A_213 : memref<32xi32, #tpu.memory_space<hbm>>) target(%arg23 : memref<32xi32, #tpu.memory_space<vmem>>) target_semaphore(%arg35 : memref<!tpu.dma_semaphore, #tpu.memory_space<semaphore_mem>>)
    %dma_wait3A_214 = arith.constant 2 : i32
    %dma_wait3A_215 = tpu.memref_slice %arg3[%arg0, %dma_wait3A_214, %add3A_191] : memref<2x3x320000xi32, #tpu.memory_space<hbm>> -> memref<1x1x128xi32, #tpu.memory_space<hbm>>
    %dma_wait3A_216 = tpu.memref_squeeze %dma_wait3A_215 : memref<1x1x128xi32, #tpu.memory_space<hbm>> -> memref<128xi32, #tpu.memory_space<hbm>>
    %dma_wait3A_217 = tpu.memref_slice %arg3[%arg0, %dma_wait3A_214, %add3A_191] : memref<2x3x320000xi32, #tpu.memory_space<hbm>> -> memref<1x1x128xi32, #tpu.memory_space<hbm>>
    %dma_wait3A_218 = tpu.memref_squeeze %dma_wait3A_217 : memref<1x1x128xi32, #tpu.memory_space<hbm>> -> memref<128xi32, #tpu.memory_space<hbm>>
    tpu.wait_dma2 semaphore(%arg26 : memref<!tpu.dma_semaphore, #tpu.memory_space<semaphore_mem>>) src(%dma_wait3A_218 : memref<128xi32, #tpu.memory_space<hbm>>) dst(%arg6 : memref<128xi32, #tpu.memory_space<vmem>>)
    %dma_start3A_219 = arith.constant 0 : i32
    %dma_start3A_220 = arith.constant 0 : i32
    %dma_start3A_221 = tpu.memref_slice %arg2[%dma_start3A_219, %dma_start3A_220] : memref<60000x64xf32, #tpu.memory_space<hbm>> -> memref<60000x64xf32, #tpu.memory_space<hbm>>
    tpu.enqueue_indirect_dma source(%dma_start3A_221 : memref<60000x64xf32, #tpu.memory_space<hbm>>) target(%arg16 : memref<128x64xf32, #tpu.memory_space<vmem>>) offsets(%arg6 : memref<128xi32, #tpu.memory_space<vmem>>) semaphore(%arg36 : memref<!tpu.dma_semaphore, #tpu.memory_space<semaphore_mem>>)
    %dma_wait3A_222 = arith.constant 2 : i32
    %dma_wait3A_223 = tpu.memref_slice %arg3[%arg0, %dma_wait3A_222, %add3A_203] : memref<2x3x320000xi32, #tpu.memory_space<hbm>> -> memref<1x1x32xi32, #tpu.memory_space<hbm>>
    %dma_wait3A_224 = tpu.memref_squeeze %dma_wait3A_223 : memref<1x1x32xi32, #tpu.memory_space<hbm>> -> memref<32xi32, #tpu.memory_space<hbm>>
    %dma_wait3A_225 = tpu.memref_slice %arg3[%arg0, %dma_wait3A_222, %add3A_203] : memref<2x3x320000xi32, #tpu.memory_space<hbm>> -> memref<1x1x32xi32, #tpu.memory_space<hbm>>
    %dma_wait3A_226 = tpu.memref_squeeze %dma_wait3A_225 : memref<1x1x32xi32, #tpu.memory_space<hbm>> -> memref<32xi32, #tpu.memory_space<hbm>>
    tpu.wait_dma2 semaphore(%arg30 : memref<!tpu.dma_semaphore, #tpu.memory_space<semaphore_mem>>) src(%dma_wait3A_226 : memref<32xi32, #tpu.memory_space<hbm>>) dst(%arg22 : memref<32xi32, #tpu.memory_space<vmem>>)
    %dma_start3A_227 = arith.constant 0 : i32
    %dma_start3A_228 = arith.constant 0 : i32
    %dma_start3A_229 = tpu.memref_slice %arg2[%dma_start3A_227, %dma_start3A_228] : memref<60000x64xf32, #tpu.memory_space<hbm>> -> memref<60000x64xf32, #tpu.memory_space<hbm>>
    tpu.enqueue_indirect_dma source(%dma_start3A_229 : memref<60000x64xf32, #tpu.memory_space<hbm>>) target(%arg21 : memref<32x64xf32, #tpu.memory_space<vmem>>) offsets(%arg22 : memref<32xi32, #tpu.memory_space<vmem>>) semaphore(%arg40 : memref<!tpu.dma_semaphore, #tpu.memory_space<semaphore_mem>>)
    %dma_wait3A_230 = arith.constant 0 : i32
    %dma_wait3A_231 = arith.constant 0 : i32
    %dma_wait3A_232 = tpu.memref_slice %arg2[%dma_wait3A_230, %dma_wait3A_231] : memref<60000x64xf32, #tpu.memory_space<hbm>> -> memref<60000x64xf32, #tpu.memory_space<hbm>>
    tpu.wait_indirect_dma semaphore(%arg36 : memref<!tpu.dma_semaphore, #tpu.memory_space<semaphore_mem>>) src(%dma_wait3A_232 : memref<60000x64xf32, #tpu.memory_space<hbm>>) dst(%arg16 : memref<128x64xf32, #tpu.memory_space<vmem>>)
    %dma_wait3A_233 = arith.constant 2 : i32
    %dma_wait3A_234 = tpu.memref_slice %arg4[%dma_wait3A_233, %add3A_191] : memref<3x320000xi32, #tpu.memory_space<hbm>> -> memref<1x128xi32, #tpu.memory_space<hbm>>
    %dma_wait3A_235 = tpu.memref_squeeze %dma_wait3A_234 : memref<1x128xi32, #tpu.memory_space<hbm>> -> memref<128xi32, #tpu.memory_space<hbm>>
    %dma_wait3A_236 = tpu.memref_slice %arg4[%dma_wait3A_233, %add3A_191] : memref<3x320000xi32, #tpu.memory_space<hbm>> -> memref<1x128xi32, #tpu.memory_space<hbm>>
    %dma_wait3A_237 = tpu.memref_squeeze %dma_wait3A_236 : memref<1x128xi32, #tpu.memory_space<hbm>> -> memref<128xi32, #tpu.memory_space<hbm>>
    tpu.wait_dma2 semaphore(%arg31 : memref<!tpu.dma_semaphore, #tpu.memory_space<semaphore_mem>>) src(%dma_wait3A_237 : memref<128xi32, #tpu.memory_space<hbm>>) dst(%arg11 : memref<128xi32, #tpu.memory_space<vmem>>)
    %dma_start3A_238 = arith.constant 0 : i32
    %dma_start3A_239 = arith.constant 0 : i32
    %dma_start3A_240 = tpu.memref_slice %arg25[%dma_start3A_238, %dma_start3A_239] : memref<10112x64xf32, #tpu.memory_space<vmem_shared>> -> memref<10112x64xf32, #tpu.memory_space<vmem_shared>>
    tpu.enqueue_indirect_dma source(%arg16 : memref<128x64xf32, #tpu.memory_space<vmem>>) target(%dma_start3A_240 : memref<10112x64xf32, #tpu.memory_space<vmem_shared>>) offsets(%arg11 : memref<128xi32, #tpu.memory_space<vmem>>) semaphore(%arg41 : memref<!tpu.dma_semaphore, #tpu.memory_space<semaphore_mem>>) {add = true}
    %dma_wait3A_241 = arith.constant 0 : i32
    %dma_wait3A_242 = arith.constant 0 : i32
    %dma_wait3A_243 = tpu.memref_slice %arg2[%dma_wait3A_241, %dma_wait3A_242] : memref<60000x64xf32, #tpu.memory_space<hbm>> -> memref<60000x64xf32, #tpu.memory_space<hbm>>
    tpu.wait_indirect_dma semaphore(%arg40 : memref<!tpu.dma_semaphore, #tpu.memory_space<semaphore_mem>>) src(%dma_wait3A_243 : memref<60000x64xf32, #tpu.memory_space<hbm>>) dst(%arg21 : memref<32x64xf32, #tpu.memory_space<vmem>>)
    %dma_wait3A_244 = arith.constant 2 : i32
    %dma_wait3A_245 = tpu.memref_slice %arg4[%dma_wait3A_244, %add3A_203] : memref<3x320000xi32, #tpu.memory_space<hbm>> -> memref<1x32xi32, #tpu.memory_space<hbm>>
    %dma_wait3A_246 = tpu.memref_squeeze %dma_wait3A_245 : memref<1x32xi32, #tpu.memory_space<hbm>> -> memref<32xi32, #tpu.memory_space<hbm>>
    %dma_wait3A_247 = tpu.memref_slice %arg4[%dma_wait3A_244, %add3A_203] : memref<3x320000xi32, #tpu.memory_space<hbm>> -> memref<1x32xi32, #tpu.memory_space<hbm>>
    %dma_wait3A_248 = tpu.memref_squeeze %dma_wait3A_247 : memref<1x32xi32, #tpu.memory_space<hbm>> -> memref<32xi32, #tpu.memory_space<hbm>>
    tpu.wait_dma2 semaphore(%arg35 : memref<!tpu.dma_semaphore, #tpu.memory_space<semaphore_mem>>) src(%dma_wait3A_248 : memref<32xi32, #tpu.memory_space<hbm>>) dst(%arg23 : memref<32xi32, #tpu.memory_space<vmem>>)
    %dma_start3A_249 = arith.constant 0 : i32
    %dma_start3A_250 = arith.constant 0 : i32
    %dma_start3A_251 = tpu.memref_slice %arg25[%dma_start3A_249, %dma_start3A_250] : memref<10112x64xf32, #tpu.memory_space<vmem_shared>> -> memref<10112x64xf32, #tpu.memory_space<vmem_shared>>
    tpu.enqueue_indirect_dma source(%arg21 : memref<32x64xf32, #tpu.memory_space<vmem>>) target(%dma_start3A_251 : memref<10112x64xf32, #tpu.memory_space<vmem_shared>>) offsets(%arg23 : memref<32xi32, #tpu.memory_space<vmem>>) semaphore(%arg42 : memref<!tpu.dma_semaphore, #tpu.memory_space<semaphore_mem>>) {add = true}
    %dma_wait3A_252 = arith.constant 0 : i32
    %dma_wait3A_253 = arith.constant 0 : i32
    %dma_wait3A_254 = tpu.memref_slice %arg25[%dma_wait3A_252, %dma_wait3A_253] : memref<10112x64xf32, #tpu.memory_space<vmem_shared>> -> memref<10112x64xf32, #tpu.memory_space<vmem_shared>>
    tpu.wait_indirect_dma semaphore(%arg41 : memref<!tpu.dma_semaphore, #tpu.memory_space<semaphore_mem>>) src(%arg16 : memref<128x64xf32, #tpu.memory_space<vmem>>) dst(%dma_wait3A_254 : memref<10112x64xf32, #tpu.memory_space<vmem_shared>>)
    %dma_wait3A_255 = arith.constant 0 : i32
    %dma_wait3A_256 = arith.constant 0 : i32
    %dma_wait3A_257 = tpu.memref_slice %arg25[%dma_wait3A_255, %dma_wait3A_256] : memref<10112x64xf32, #tpu.memory_space<vmem_shared>> -> memref<10112x64xf32, #tpu.memory_space<vmem_shared>>
    tpu.wait_indirect_dma semaphore(%arg42 : memref<!tpu.dma_semaphore, #tpu.memory_space<semaphore_mem>>) src(%arg21 : memref<32x64xf32, #tpu.memory_space<vmem>>) dst(%dma_wait3A_257 : memref<10112x64xf32, #tpu.memory_space<vmem_shared>>)
    %barrier3A_258 = arith.constant 0 : index
    tpu.barrier barrier_id(%barrier3A_258)
    %mul3A_259 = arith.constant 3 : i32
    %mul3A_260 = arith.muli %arg0, %mul3A_259 : i32
    %add3A_261 = arith.constant 2 : i32
    %add3A_262 = arith.addi %mul3A_260, %add3A_261 : i32
    %mul3A_263 = arith.constant 10112 : i32
    %mul3A_264 = arith.muli %add3A_262, %mul3A_263 : i32
    %add3A_265 = arith.addi %mul3A_264, %mul3A_6 : i32
    "tpu.region"() ({
      %run_scoped3A = tpu.sem_alloc : memref<!tpu.dma_semaphore, #tpu.memory_space<semaphore_mem>>
      %dma_start3A_266 = arith.constant 0 : i32
      %dma_start3A_267 = tpu.memref_slice %arg5[%add3A_265, %dma_start3A_266] : memref<60672x64xf32, #tpu.memory_space<hbm>> -> memref<632x64xf32, #tpu.memory_space<hbm>>
      %dma_start3A_268 = arith.constant 0 : i32
      %dma_start3A_269 = tpu.memref_slice %arg25[%mul3A_6, %dma_start3A_268] : memref<10112x64xf32, #tpu.memory_space<vmem_shared>> -> memref<632x64xf32, #tpu.memory_space<vmem_shared>>
      tpu.enqueue_dma source(%dma_start3A_269 : memref<632x64xf32, #tpu.memory_space<vmem_shared>>) target(%dma_start3A_267 : memref<632x64xf32, #tpu.memory_space<hbm>>) target_semaphore(%run_scoped3A : memref<!tpu.dma_semaphore, #tpu.memory_space<semaphore_mem>>)
      %dma_wait3A_270 = arith.constant 0 : i32
      %dma_wait3A_271 = tpu.memref_slice %arg5[%add3A_265, %dma_wait3A_270] : memref<60672x64xf32, #tpu.memory_space<hbm>> -> memref<632x64xf32, #tpu.memory_space<hbm>>
      %dma_wait3A_272 = arith.constant 0 : i32
      %dma_wait3A_273 = tpu.memref_slice %arg25[%mul3A_6, %dma_wait3A_272] : memref<10112x64xf32, #tpu.memory_space<vmem_shared>> -> memref<632x64xf32, #tpu.memory_space<vmem_shared>>
      tpu.wait_dma2 semaphore(%run_scoped3A : memref<!tpu.dma_semaphore, #tpu.memory_space<semaphore_mem>>) src(%dma_wait3A_273 : memref<632x64xf32, #tpu.memory_space<vmem_shared>>) dst(%dma_wait3A_271 : memref<632x64xf32, #tpu.memory_space<hbm>>)
      tpu.yield
    }) : () -> ()
    return
  }
}

module attributes {stable_mosaic.version = 14 : i64} {
  func.func @_mm_body(%arg0: i32, %arg1: i32, %arg2: memref<2000x128xf32, #tpu.memory_space<vmem>>, %arg3: memref<1x128x128xf32, #tpu.memory_space<vmem>>, %arg4: memref<1x2000x128xf32, #tpu.memory_space<vmem>>) attributes {dimension_semantics = [#tpu.dimension_semantics<arbitrary>, #tpu.dimension_semantics<arbitrary>], iteration_bounds = array<i64: 5, 3>, scalar_prefetch = 0 : i64, scratch_operands = 0 : i64, tpu.core_type = #tpu.core_type<tc>, window_params = [{transform_indices = @transform_0, window_bounds = array<i64: 2000, 128>}, {transform_indices = @transform_1, window_bounds = array<i64: 1, 128, 128>}, {transform_indices = @transform_2, window_bounds = array<i64: 1, 2000, 128>}]} {
    %get3A = arith.constant 0 : index
    %get3A_0 = arith.constant 0 : index
    %get3A_1 = vector.load %arg2[%get3A, %get3A_0] : memref<2000x128xf32, #tpu.memory_space<vmem>>, vector<2000x128xf32>
    %get3A_2 = arith.constant 0 : index
    %get3A_3 = arith.constant 0 : index
    %get3A_4 = arith.constant 0 : index
    %get3A_5 = vector.load %arg3[%get3A_2, %get3A_3, %get3A_4] : memref<1x128x128xf32, #tpu.memory_space<vmem>>, vector<1x128x128xf32>
    %get3A_6 = vector.shape_cast %get3A_5 : vector<1x128x128xf32> to vector<128x128xf32>
    %dot_general3A = arith.constant dense<0.000000e+00> : vector<2000x128xf32>
    %dot_general3A_7 = tpu.matmul %get3A_1, %get3A_6, %dot_general3A {dimension_numbers = #tpu.dot_dimension_numbers<[1], [0], [0], [1], [0, 0, 1, 1], [], []>, transpose_lhs_hint = false} : vector<2000x128xf32>, vector<128x128xf32>, vector<2000x128xf32> -> vector<2000x128xf32>
    %swap3A = arith.constant 0 : index
    %swap3A_8 = arith.constant 0 : index
    %swap3A_9 = arith.constant 0 : index
    %swap3A_10 = vector.load %arg4[%swap3A, %swap3A_8, %swap3A_9] : memref<1x2000x128xf32, #tpu.memory_space<vmem>>, vector<1x2000x128xf32>
    %swap3A_11 = vector.shape_cast %swap3A_10 : vector<1x2000x128xf32> to vector<2000x128xf32>
    %swap3A_12 = vector.shape_cast %dot_general3A_7 : vector<2000x128xf32> to vector<1x2000x128xf32>
    tpu.vector_store %arg4[%swap3A, %swap3A_8, %swap3A_9], %swap3A_12 {strides = array<i32>} : memref<1x2000x128xf32, #tpu.memory_space<vmem>>, vector<1x2000x128xf32>,
    return
  }
  func.func @transform_0(%arg0: i32, %arg1: i32) -> (i32, i32) {
    %c0_i32 = arith.constant 0 : i32
    %c0_i32_0 = arith.constant 0 : i32
    return %arg0, %c0_i32 : i32, i32
  }
  func.func @transform_1(%arg0: i32, %arg1: i32) -> (i32, i32, i32) {
    %c0_i32 = arith.constant 0 : i32
    %c0_i32_0 = arith.constant 0 : i32
    %c0_i32_1 = arith.constant 0 : i32
    return %arg1, %c0_i32, %c0_i32_0 : i32, i32, i32
  }
  func.func @transform_2(%arg0: i32, %arg1: i32) -> (i32, i32, i32) {
    %c0_i32 = arith.constant 0 : i32
    %c0_i32_0 = arith.constant 0 : i32
    return %arg1, %arg0, %c0_i32 : i32, i32, i32
  }
}

module attributes {stable_mosaic.version = 14 : i64} {
  func.func @_fc_body(%arg0: i32, %arg1: memref<2x3x2000x64xf32, #tpu.memory_space<vmem>>, %arg2: memref<3x3xf32, #tpu.memory_space<smem>>, %arg3: memref<3xf32, #tpu.memory_space<smem>>, %arg4: memref<3x3xf32, #tpu.memory_space<smem>>, %arg5: memref<3xf32, #tpu.memory_space<smem>>, %arg6: memref<3x1xf32, #tpu.memory_space<smem>>, %arg7: memref<1xf32, #tpu.memory_space<smem>>, %arg8: memref<2000x128xf32, #tpu.memory_space<vmem>>) attributes {dimension_semantics = [#tpu.dimension_semantics<arbitrary>], iteration_bounds = array<i64: 5>, scalar_prefetch = 0 : i64, scratch_operands = 0 : i64, tpu.core_type = #tpu.core_type<tc>, window_params = [{transform_indices = @transform_0, window_bounds = array<i64: 2, 3, 2000, 64>}, {transform_indices = @transform_1, window_bounds = array<i64: 3, 3>}, {transform_indices = @transform_2, window_bounds = array<i64: 3>}, {transform_indices = @transform_3, window_bounds = array<i64: 3, 3>}, {transform_indices = @transform_4, window_bounds = array<i64: 3>}, {transform_indices = @transform_5, window_bounds = array<i64: 3, 1>}, {transform_indices = @transform_6, window_bounds = array<i64: 1>}, {transform_indices = @transform_7, window_bounds = array<i64: 2000, 128>}]} {
    %get3A = arith.constant 0 : index
    %get3A_0 = arith.constant 0 : index
    %get3A_1 = arith.constant 0 : index
    %get3A_2 = arith.constant 0 : index
    %get3A_3 = vector.load %arg1[%get3A, %get3A_0, %get3A_1, %get3A_2] : memref<2x3x2000x64xf32, #tpu.memory_space<vmem>>, vector<2x3x2000x64xf32>
    %slice3A = vector.extract_strided_slice %get3A_3 {offsets = [0, 0, 0, 0], sizes = [1, 1, 2000, 64], strides = [1, 1, 1, 1]} : vector<2x3x2000x64xf32> to vector<1x1x2000x64xf32>
    %squeeze3A = vector.shape_cast %slice3A : vector<1x1x2000x64xf32> to vector<2000x64xf32>
    %max3A = arith.constant 0.000000e+00 : f32
    %max3A_4 = vector.broadcast %max3A : f32 to vector<2000x64xf32>
    %max3A_5 = arith.maximumf %squeeze3A, %max3A_4 : vector<2000x64xf32>
    %slice3A_6 = vector.extract_strided_slice %get3A_3 {offsets = [0, 1, 0, 0], sizes = [1, 1, 2000, 64], strides = [1, 1, 1, 1]} : vector<2x3x2000x64xf32> to vector<1x1x2000x64xf32>
    %squeeze3A_7 = vector.shape_cast %slice3A_6 : vector<1x1x2000x64xf32> to vector<2000x64xf32>
    %max3A_8 = arith.constant 0.000000e+00 : f32
    %max3A_9 = vector.broadcast %max3A_8 : f32 to vector<2000x64xf32>
    %max3A_10 = arith.maximumf %squeeze3A_7, %max3A_9 : vector<2000x64xf32>
    %slice3A_11 = vector.extract_strided_slice %get3A_3 {offsets = [0, 2, 0, 0], sizes = [1, 1, 2000, 64], strides = [1, 1, 1, 1]} : vector<2x3x2000x64xf32> to vector<1x1x2000x64xf32>
    %squeeze3A_12 = vector.shape_cast %slice3A_11 : vector<1x1x2000x64xf32> to vector<2000x64xf32>
    %max3A_13 = arith.constant 0.000000e+00 : f32
    %max3A_14 = vector.broadcast %max3A_13 : f32 to vector<2000x64xf32>
    %max3A_15 = arith.maximumf %squeeze3A_12, %max3A_14 : vector<2000x64xf32>
    %get3A_16 = arith.constant 0 : index
    %get3A_17 = arith.constant 0 : index
    %get3A_18 = memref.load %arg2[%get3A_16, %get3A_17] : memref<3x3xf32, #tpu.memory_space<smem>>
    %mul3A = vector.broadcast %get3A_18 : f32 to vector<2000x64xf32>
    %mul3A_19 = arith.mulf %max3A_5, %mul3A : vector<2000x64xf32>
    %add3A = arith.constant 0.000000e+00 : f32
    %add3A_20 = vector.broadcast %add3A : f32 to vector<2000x64xf32>
    %add3A_21 = arith.addf %add3A_20, %mul3A_19 : vector<2000x64xf32>
    %get3A_22 = arith.constant 1 : index
    %get3A_23 = arith.constant 0 : index
    %get3A_24 = memref.load %arg2[%get3A_22, %get3A_23] : memref<3x3xf32, #tpu.memory_space<smem>>
    %mul3A_25 = vector.broadcast %get3A_24 : f32 to vector<2000x64xf32>
    %mul3A_26 = arith.mulf %max3A_10, %mul3A_25 : vector<2000x64xf32>
    %add3A_27 = arith.addf %add3A_21, %mul3A_26 : vector<2000x64xf32>
    %get3A_28 = arith.constant 2 : index
    %get3A_29 = arith.constant 0 : index
    %get3A_30 = memref.load %arg2[%get3A_28, %get3A_29] : memref<3x3xf32, #tpu.memory_space<smem>>
    %mul3A_31 = vector.broadcast %get3A_30 : f32 to vector<2000x64xf32>
    %mul3A_32 = arith.mulf %max3A_15, %mul3A_31 : vector<2000x64xf32>
    %add3A_33 = arith.addf %add3A_27, %mul3A_32 : vector<2000x64xf32>
    %get3A_34 = arith.constant 0 : index
    %get3A_35 = memref.load %arg3[%get3A_34] : memref<3xf32, #tpu.memory_space<smem>>
    %add3A_36 = vector.broadcast %get3A_35 : f32 to vector<2000x64xf32>
    %add3A_37 = arith.addf %add3A_33, %add3A_36 : vector<2000x64xf32>
    %max3A_38 = arith.constant 0.000000e+00 : f32
    %max3A_39 = vector.broadcast %max3A_38 : f32 to vector<2000x64xf32>
    %max3A_40 = arith.maximumf %add3A_37, %max3A_39 : vector<2000x64xf32>
    %get3A_41 = arith.constant 0 : index
    %get3A_42 = arith.constant 1 : index
    %get3A_43 = memref.load %arg2[%get3A_41, %get3A_42] : memref<3x3xf32, #tpu.memory_space<smem>>
    %mul3A_44 = vector.broadcast %get3A_43 : f32 to vector<2000x64xf32>
    %mul3A_45 = arith.mulf %max3A_5, %mul3A_44 : vector<2000x64xf32>
    %add3A_46 = arith.constant 0.000000e+00 : f32
    %add3A_47 = vector.broadcast %add3A_46 : f32 to vector<2000x64xf32>
    %add3A_48 = arith.addf %add3A_47, %mul3A_45 : vector<2000x64xf32>
    %get3A_49 = arith.constant 1 : index
    %get3A_50 = arith.constant 1 : index
    %get3A_51 = memref.load %arg2[%get3A_49, %get3A_50] : memref<3x3xf32, #tpu.memory_space<smem>>
    %mul3A_52 = vector.broadcast %get3A_51 : f32 to vector<2000x64xf32>
    %mul3A_53 = arith.mulf %max3A_10, %mul3A_52 : vector<2000x64xf32>
    %add3A_54 = arith.addf %add3A_48, %mul3A_53 : vector<2000x64xf32>
    %get3A_55 = arith.constant 2 : index
    %get3A_56 = arith.constant 1 : index
    %get3A_57 = memref.load %arg2[%get3A_55, %get3A_56] : memref<3x3xf32, #tpu.memory_space<smem>>
    %mul3A_58 = vector.broadcast %get3A_57 : f32 to vector<2000x64xf32>
    %mul3A_59 = arith.mulf %max3A_15, %mul3A_58 : vector<2000x64xf32>
    %add3A_60 = arith.addf %add3A_54, %mul3A_59 : vector<2000x64xf32>
    %get3A_61 = arith.constant 1 : index
    %get3A_62 = memref.load %arg3[%get3A_61] : memref<3xf32, #tpu.memory_space<smem>>
    %add3A_63 = vector.broadcast %get3A_62 : f32 to vector<2000x64xf32>
    %add3A_64 = arith.addf %add3A_60, %add3A_63 : vector<2000x64xf32>
    %max3A_65 = arith.constant 0.000000e+00 : f32
    %max3A_66 = vector.broadcast %max3A_65 : f32 to vector<2000x64xf32>
    %max3A_67 = arith.maximumf %add3A_64, %max3A_66 : vector<2000x64xf32>
    %get3A_68 = arith.constant 0 : index
    %get3A_69 = arith.constant 2 : index
    %get3A_70 = memref.load %arg2[%get3A_68, %get3A_69] : memref<3x3xf32, #tpu.memory_space<smem>>
    %mul3A_71 = vector.broadcast %get3A_70 : f32 to vector<2000x64xf32>
    %mul3A_72 = arith.mulf %max3A_5, %mul3A_71 : vector<2000x64xf32>
    %add3A_73 = arith.constant 0.000000e+00 : f32
    %add3A_74 = vector.broadcast %add3A_73 : f32 to vector<2000x64xf32>
    %add3A_75 = arith.addf %add3A_74, %mul3A_72 : vector<2000x64xf32>
    %get3A_76 = arith.constant 1 : index
    %get3A_77 = arith.constant 2 : index
    %get3A_78 = memref.load %arg2[%get3A_76, %get3A_77] : memref<3x3xf32, #tpu.memory_space<smem>>
    %mul3A_79 = vector.broadcast %get3A_78 : f32 to vector<2000x64xf32>
    %mul3A_80 = arith.mulf %max3A_10, %mul3A_79 : vector<2000x64xf32>
    %add3A_81 = arith.addf %add3A_75, %mul3A_80 : vector<2000x64xf32>
    %get3A_82 = arith.constant 2 : index
    %get3A_83 = arith.constant 2 : index
    %get3A_84 = memref.load %arg2[%get3A_82, %get3A_83] : memref<3x3xf32, #tpu.memory_space<smem>>
    %mul3A_85 = vector.broadcast %get3A_84 : f32 to vector<2000x64xf32>
    %mul3A_86 = arith.mulf %max3A_15, %mul3A_85 : vector<2000x64xf32>
    %add3A_87 = arith.addf %add3A_81, %mul3A_86 : vector<2000x64xf32>
    %get3A_88 = arith.constant 2 : index
    %get3A_89 = memref.load %arg3[%get3A_88] : memref<3xf32, #tpu.memory_space<smem>>
    %add3A_90 = vector.broadcast %get3A_89 : f32 to vector<2000x64xf32>
    %add3A_91 = arith.addf %add3A_87, %add3A_90 : vector<2000x64xf32>
    %max3A_92 = arith.constant 0.000000e+00 : f32
    %max3A_93 = vector.broadcast %max3A_92 : f32 to vector<2000x64xf32>
    %max3A_94 = arith.maximumf %add3A_91, %max3A_93 : vector<2000x64xf32>
    %get3A_95 = arith.constant 0 : index
    %get3A_96 = arith.constant 0 : index
    %get3A_97 = memref.load %arg4[%get3A_95, %get3A_96] : memref<3x3xf32, #tpu.memory_space<smem>>
    %mul3A_98 = vector.broadcast %get3A_97 : f32 to vector<2000x64xf32>
    %mul3A_99 = arith.mulf %max3A_40, %mul3A_98 : vector<2000x64xf32>
    %add3A_100 = arith.constant 0.000000e+00 : f32
    %add3A_101 = vector.broadcast %add3A_100 : f32 to vector<2000x64xf32>
    %add3A_102 = arith.addf %add3A_101, %mul3A_99 : vector<2000x64xf32>
    %get3A_103 = arith.constant 1 : index
    %get3A_104 = arith.constant 0 : index
    %get3A_105 = memref.load %arg4[%get3A_103, %get3A_104] : memref<3x3xf32, #tpu.memory_space<smem>>
    %mul3A_106 = vector.broadcast %get3A_105 : f32 to vector<2000x64xf32>
    %mul3A_107 = arith.mulf %max3A_67, %mul3A_106 : vector<2000x64xf32>
    %add3A_108 = arith.addf %add3A_102, %mul3A_107 : vector<2000x64xf32>
    %get3A_109 = arith.constant 2 : index
    %get3A_110 = arith.constant 0 : index
    %get3A_111 = memref.load %arg4[%get3A_109, %get3A_110] : memref<3x3xf32, #tpu.memory_space<smem>>
    %mul3A_112 = vector.broadcast %get3A_111 : f32 to vector<2000x64xf32>
    %mul3A_113 = arith.mulf %max3A_94, %mul3A_112 : vector<2000x64xf32>
    %add3A_114 = arith.addf %add3A_108, %mul3A_113 : vector<2000x64xf32>
    %get3A_115 = arith.constant 0 : index
    %get3A_116 = memref.load %arg5[%get3A_115] : memref<3xf32, #tpu.memory_space<smem>>
    %add3A_117 = vector.broadcast %get3A_116 : f32 to vector<2000x64xf32>
    %add3A_118 = arith.addf %add3A_114, %add3A_117 : vector<2000x64xf32>
    %max3A_119 = arith.constant 0.000000e+00 : f32
    %max3A_120 = vector.broadcast %max3A_119 : f32 to vector<2000x64xf32>
    %max3A_121 = arith.maximumf %add3A_118, %max3A_120 : vector<2000x64xf32>
    %get3A_122 = arith.constant 0 : index
    %get3A_123 = arith.constant 1 : index
    %get3A_124 = memref.load %arg4[%get3A_122, %get3A_123] : memref<3x3xf32, #tpu.memory_space<smem>>
    %mul3A_125 = vector.broadcast %get3A_124 : f32 to vector<2000x64xf32>
    %mul3A_126 = arith.mulf %max3A_40, %mul3A_125 : vector<2000x64xf32>
    %add3A_127 = arith.constant 0.000000e+00 : f32
    %add3A_128 = vector.broadcast %add3A_127 : f32 to vector<2000x64xf32>
    %add3A_129 = arith.addf %add3A_128, %mul3A_126 : vector<2000x64xf32>
    %get3A_130 = arith.constant 1 : index
    %get3A_131 = arith.constant 1 : index
    %get3A_132 = memref.load %arg4[%get3A_130, %get3A_131] : memref<3x3xf32, #tpu.memory_space<smem>>
    %mul3A_133 = vector.broadcast %get3A_132 : f32 to vector<2000x64xf32>
    %mul3A_134 = arith.mulf %max3A_67, %mul3A_133 : vector<2000x64xf32>
    %add3A_135 = arith.addf %add3A_129, %mul3A_134 : vector<2000x64xf32>
    %get3A_136 = arith.constant 2 : index
    %get3A_137 = arith.constant 1 : index
    %get3A_138 = memref.load %arg4[%get3A_136, %get3A_137] : memref<3x3xf32, #tpu.memory_space<smem>>
    %mul3A_139 = vector.broadcast %get3A_138 : f32 to vector<2000x64xf32>
    %mul3A_140 = arith.mulf %max3A_94, %mul3A_139 : vector<2000x64xf32>
    %add3A_141 = arith.addf %add3A_135, %mul3A_140 : vector<2000x64xf32>
    %get3A_142 = arith.constant 1 : index
    %get3A_143 = memref.load %arg5[%get3A_142] : memref<3xf32, #tpu.memory_space<smem>>
    %add3A_144 = vector.broadcast %get3A_143 : f32 to vector<2000x64xf32>
    %add3A_145 = arith.addf %add3A_141, %add3A_144 : vector<2000x64xf32>
    %max3A_146 = arith.constant 0.000000e+00 : f32
    %max3A_147 = vector.broadcast %max3A_146 : f32 to vector<2000x64xf32>
    %max3A_148 = arith.maximumf %add3A_145, %max3A_147 : vector<2000x64xf32>
    %get3A_149 = arith.constant 0 : index
    %get3A_150 = arith.constant 2 : index
    %get3A_151 = memref.load %arg4[%get3A_149, %get3A_150] : memref<3x3xf32, #tpu.memory_space<smem>>
    %mul3A_152 = vector.broadcast %get3A_151 : f32 to vector<2000x64xf32>
    %mul3A_153 = arith.mulf %max3A_40, %mul3A_152 : vector<2000x64xf32>
    %add3A_154 = arith.constant 0.000000e+00 : f32
    %add3A_155 = vector.broadcast %add3A_154 : f32 to vector<2000x64xf32>
    %add3A_156 = arith.addf %add3A_155, %mul3A_153 : vector<2000x64xf32>
    %get3A_157 = arith.constant 1 : index
    %get3A_158 = arith.constant 2 : index
    %get3A_159 = memref.load %arg4[%get3A_157, %get3A_158] : memref<3x3xf32, #tpu.memory_space<smem>>
    %mul3A_160 = vector.broadcast %get3A_159 : f32 to vector<2000x64xf32>
    %mul3A_161 = arith.mulf %max3A_67, %mul3A_160 : vector<2000x64xf32>
    %add3A_162 = arith.addf %add3A_156, %mul3A_161 : vector<2000x64xf32>
    %get3A_163 = arith.constant 2 : index
    %get3A_164 = arith.constant 2 : index
    %get3A_165 = memref.load %arg4[%get3A_163, %get3A_164] : memref<3x3xf32, #tpu.memory_space<smem>>
    %mul3A_166 = vector.broadcast %get3A_165 : f32 to vector<2000x64xf32>
    %mul3A_167 = arith.mulf %max3A_94, %mul3A_166 : vector<2000x64xf32>
    %add3A_168 = arith.addf %add3A_162, %mul3A_167 : vector<2000x64xf32>
    %get3A_169 = arith.constant 2 : index
    %get3A_170 = memref.load %arg5[%get3A_169] : memref<3xf32, #tpu.memory_space<smem>>
    %add3A_171 = vector.broadcast %get3A_170 : f32 to vector<2000x64xf32>
    %add3A_172 = arith.addf %add3A_168, %add3A_171 : vector<2000x64xf32>
    %max3A_173 = arith.constant 0.000000e+00 : f32
    %max3A_174 = vector.broadcast %max3A_173 : f32 to vector<2000x64xf32>
    %max3A_175 = arith.maximumf %add3A_172, %max3A_174 : vector<2000x64xf32>
    %get3A_176 = arith.constant 0 : index
    %get3A_177 = arith.constant 0 : index
    %get3A_178 = memref.load %arg6[%get3A_176, %get3A_177] : memref<3x1xf32, #tpu.memory_space<smem>>
    %mul3A_179 = vector.broadcast %get3A_178 : f32 to vector<2000x64xf32>
    %mul3A_180 = arith.mulf %max3A_121, %mul3A_179 : vector<2000x64xf32>
    %add3A_181 = arith.constant 0.000000e+00 : f32
    %add3A_182 = vector.broadcast %add3A_181 : f32 to vector<2000x64xf32>
    %add3A_183 = arith.addf %add3A_182, %mul3A_180 : vector<2000x64xf32>
    %get3A_184 = arith.constant 1 : index
    %get3A_185 = arith.constant 0 : index
    %get3A_186 = memref.load %arg6[%get3A_184, %get3A_185] : memref<3x1xf32, #tpu.memory_space<smem>>
    %mul3A_187 = vector.broadcast %get3A_186 : f32 to vector<2000x64xf32>
    %mul3A_188 = arith.mulf %max3A_148, %mul3A_187 : vector<2000x64xf32>
    %add3A_189 = arith.addf %add3A_183, %mul3A_188 : vector<2000x64xf32>
    %get3A_190 = arith.constant 2 : index
    %get3A_191 = arith.constant 0 : index
    %get3A_192 = memref.load %arg6[%get3A_190, %get3A_191] : memref<3x1xf32, #tpu.memory_space<smem>>
    %mul3A_193 = vector.broadcast %get3A_192 : f32 to vector<2000x64xf32>
    %mul3A_194 = arith.mulf %max3A_175, %mul3A_193 : vector<2000x64xf32>
    %add3A_195 = arith.addf %add3A_189, %mul3A_194 : vector<2000x64xf32>
    %get3A_196 = arith.constant 0 : index
    %get3A_197 = memref.load %arg7[%get3A_196] : memref<1xf32, #tpu.memory_space<smem>>
    %add3A_198 = vector.broadcast %get3A_197 : f32 to vector<2000x64xf32>
    %add3A_199 = arith.addf %add3A_195, %add3A_198 : vector<2000x64xf32>
    %slice3A_200 = vector.extract_strided_slice %get3A_3 {offsets = [1, 0, 0, 0], sizes = [1, 1, 2000, 64], strides = [1, 1, 1, 1]} : vector<2x3x2000x64xf32> to vector<1x1x2000x64xf32>
    %squeeze3A_201 = vector.shape_cast %slice3A_200 : vector<1x1x2000x64xf32> to vector<2000x64xf32>
    %max3A_202 = arith.constant 0.000000e+00 : f32
    %max3A_203 = vector.broadcast %max3A_202 : f32 to vector<2000x64xf32>
    %max3A_204 = arith.maximumf %squeeze3A_201, %max3A_203 : vector<2000x64xf32>
    %slice3A_205 = vector.extract_strided_slice %get3A_3 {offsets = [1, 1, 0, 0], sizes = [1, 1, 2000, 64], strides = [1, 1, 1, 1]} : vector<2x3x2000x64xf32> to vector<1x1x2000x64xf32>
    %squeeze3A_206 = vector.shape_cast %slice3A_205 : vector<1x1x2000x64xf32> to vector<2000x64xf32>
    %max3A_207 = arith.constant 0.000000e+00 : f32
    %max3A_208 = vector.broadcast %max3A_207 : f32 to vector<2000x64xf32>
    %max3A_209 = arith.maximumf %squeeze3A_206, %max3A_208 : vector<2000x64xf32>
    %slice3A_210 = vector.extract_strided_slice %get3A_3 {offsets = [1, 2, 0, 0], sizes = [1, 1, 2000, 64], strides = [1, 1, 1, 1]} : vector<2x3x2000x64xf32> to vector<1x1x2000x64xf32>
    %squeeze3A_211 = vector.shape_cast %slice3A_210 : vector<1x1x2000x64xf32> to vector<2000x64xf32>
    %max3A_212 = arith.constant 0.000000e+00 : f32
    %max3A_213 = vector.broadcast %max3A_212 : f32 to vector<2000x64xf32>
    %max3A_214 = arith.maximumf %squeeze3A_211, %max3A_213 : vector<2000x64xf32>
    %get3A_215 = arith.constant 0 : index
    %get3A_216 = arith.constant 0 : index
    %get3A_217 = memref.load %arg2[%get3A_215, %get3A_216] : memref<3x3xf32, #tpu.memory_space<smem>>
    %mul3A_218 = vector.broadcast %get3A_217 : f32 to vector<2000x64xf32>
    %mul3A_219 = arith.mulf %max3A_204, %mul3A_218 : vector<2000x64xf32>
    %add3A_220 = arith.constant 0.000000e+00 : f32
    %add3A_221 = vector.broadcast %add3A_220 : f32 to vector<2000x64xf32>
    %add3A_222 = arith.addf %add3A_221, %mul3A_219 : vector<2000x64xf32>
    %get3A_223 = arith.constant 1 : index
    %get3A_224 = arith.constant 0 : index
    %get3A_225 = memref.load %arg2[%get3A_223, %get3A_224] : memref<3x3xf32, #tpu.memory_space<smem>>
    %mul3A_226 = vector.broadcast %get3A_225 : f32 to vector<2000x64xf32>
    %mul3A_227 = arith.mulf %max3A_209, %mul3A_226 : vector<2000x64xf32>
    %add3A_228 = arith.addf %add3A_222, %mul3A_227 : vector<2000x64xf32>
    %get3A_229 = arith.constant 2 : index
    %get3A_230 = arith.constant 0 : index
    %get3A_231 = memref.load %arg2[%get3A_229, %get3A_230] : memref<3x3xf32, #tpu.memory_space<smem>>
    %mul3A_232 = vector.broadcast %get3A_231 : f32 to vector<2000x64xf32>
    %mul3A_233 = arith.mulf %max3A_214, %mul3A_232 : vector<2000x64xf32>
    %add3A_234 = arith.addf %add3A_228, %mul3A_233 : vector<2000x64xf32>
    %get3A_235 = arith.constant 0 : index
    %get3A_236 = memref.load %arg3[%get3A_235] : memref<3xf32, #tpu.memory_space<smem>>
    %add3A_237 = vector.broadcast %get3A_236 : f32 to vector<2000x64xf32>
    %add3A_238 = arith.addf %add3A_234, %add3A_237 : vector<2000x64xf32>
    %max3A_239 = arith.constant 0.000000e+00 : f32
    %max3A_240 = vector.broadcast %max3A_239 : f32 to vector<2000x64xf32>
    %max3A_241 = arith.maximumf %add3A_238, %max3A_240 : vector<2000x64xf32>
    %get3A_242 = arith.constant 0 : index
    %get3A_243 = arith.constant 1 : index
    %get3A_244 = memref.load %arg2[%get3A_242, %get3A_243] : memref<3x3xf32, #tpu.memory_space<smem>>
    %mul3A_245 = vector.broadcast %get3A_244 : f32 to vector<2000x64xf32>
    %mul3A_246 = arith.mulf %max3A_204, %mul3A_245 : vector<2000x64xf32>
    %add3A_247 = arith.constant 0.000000e+00 : f32
    %add3A_248 = vector.broadcast %add3A_247 : f32 to vector<2000x64xf32>
    %add3A_249 = arith.addf %add3A_248, %mul3A_246 : vector<2000x64xf32>
    %get3A_250 = arith.constant 1 : index
    %get3A_251 = arith.constant 1 : index
    %get3A_252 = memref.load %arg2[%get3A_250, %get3A_251] : memref<3x3xf32, #tpu.memory_space<smem>>
    %mul3A_253 = vector.broadcast %get3A_252 : f32 to vector<2000x64xf32>
    %mul3A_254 = arith.mulf %max3A_209, %mul3A_253 : vector<2000x64xf32>
    %add3A_255 = arith.addf %add3A_249, %mul3A_254 : vector<2000x64xf32>
    %get3A_256 = arith.constant 2 : index
    %get3A_257 = arith.constant 1 : index
    %get3A_258 = memref.load %arg2[%get3A_256, %get3A_257] : memref<3x3xf32, #tpu.memory_space<smem>>
    %mul3A_259 = vector.broadcast %get3A_258 : f32 to vector<2000x64xf32>
    %mul3A_260 = arith.mulf %max3A_214, %mul3A_259 : vector<2000x64xf32>
    %add3A_261 = arith.addf %add3A_255, %mul3A_260 : vector<2000x64xf32>
    %get3A_262 = arith.constant 1 : index
    %get3A_263 = memref.load %arg3[%get3A_262] : memref<3xf32, #tpu.memory_space<smem>>
    %add3A_264 = vector.broadcast %get3A_263 : f32 to vector<2000x64xf32>
    %add3A_265 = arith.addf %add3A_261, %add3A_264 : vector<2000x64xf32>
    %max3A_266 = arith.constant 0.000000e+00 : f32
    %max3A_267 = vector.broadcast %max3A_266 : f32 to vector<2000x64xf32>
    %max3A_268 = arith.maximumf %add3A_265, %max3A_267 : vector<2000x64xf32>
    %get3A_269 = arith.constant 0 : index
    %get3A_270 = arith.constant 2 : index
    %get3A_271 = memref.load %arg2[%get3A_269, %get3A_270] : memref<3x3xf32, #tpu.memory_space<smem>>
    %mul3A_272 = vector.broadcast %get3A_271 : f32 to vector<2000x64xf32>
    %mul3A_273 = arith.mulf %max3A_204, %mul3A_272 : vector<2000x64xf32>
    %add3A_274 = arith.constant 0.000000e+00 : f32
    %add3A_275 = vector.broadcast %add3A_274 : f32 to vector<2000x64xf32>
    %add3A_276 = arith.addf %add3A_275, %mul3A_273 : vector<2000x64xf32>
    %get3A_277 = arith.constant 1 : index
    %get3A_278 = arith.constant 2 : index
    %get3A_279 = memref.load %arg2[%get3A_277, %get3A_278] : memref<3x3xf32, #tpu.memory_space<smem>>
    %mul3A_280 = vector.broadcast %get3A_279 : f32 to vector<2000x64xf32>
    %mul3A_281 = arith.mulf %max3A_209, %mul3A_280 : vector<2000x64xf32>
    %add3A_282 = arith.addf %add3A_276, %mul3A_281 : vector<2000x64xf32>
    %get3A_283 = arith.constant 2 : index
    %get3A_284 = arith.constant 2 : index
    %get3A_285 = memref.load %arg2[%get3A_283, %get3A_284] : memref<3x3xf32, #tpu.memory_space<smem>>
    %mul3A_286 = vector.broadcast %get3A_285 : f32 to vector<2000x64xf32>
    %mul3A_287 = arith.mulf %max3A_214, %mul3A_286 : vector<2000x64xf32>
    %add3A_288 = arith.addf %add3A_282, %mul3A_287 : vector<2000x64xf32>
    %get3A_289 = arith.constant 2 : index
    %get3A_290 = memref.load %arg3[%get3A_289] : memref<3xf32, #tpu.memory_space<smem>>
    %add3A_291 = vector.broadcast %get3A_290 : f32 to vector<2000x64xf32>
    %add3A_292 = arith.addf %add3A_288, %add3A_291 : vector<2000x64xf32>
    %max3A_293 = arith.constant 0.000000e+00 : f32
    %max3A_294 = vector.broadcast %max3A_293 : f32 to vector<2000x64xf32>
    %max3A_295 = arith.maximumf %add3A_292, %max3A_294 : vector<2000x64xf32>
    %get3A_296 = arith.constant 0 : index
    %get3A_297 = arith.constant 0 : index
    %get3A_298 = memref.load %arg4[%get3A_296, %get3A_297] : memref<3x3xf32, #tpu.memory_space<smem>>
    %mul3A_299 = vector.broadcast %get3A_298 : f32 to vector<2000x64xf32>
    %mul3A_300 = arith.mulf %max3A_241, %mul3A_299 : vector<2000x64xf32>
    %add3A_301 = arith.constant 0.000000e+00 : f32
    %add3A_302 = vector.broadcast %add3A_301 : f32 to vector<2000x64xf32>
    %add3A_303 = arith.addf %add3A_302, %mul3A_300 : vector<2000x64xf32>
    %get3A_304 = arith.constant 1 : index
    %get3A_305 = arith.constant 0 : index
    %get3A_306 = memref.load %arg4[%get3A_304, %get3A_305] : memref<3x3xf32, #tpu.memory_space<smem>>
    %mul3A_307 = vector.broadcast %get3A_306 : f32 to vector<2000x64xf32>
    %mul3A_308 = arith.mulf %max3A_268, %mul3A_307 : vector<2000x64xf32>
    %add3A_309 = arith.addf %add3A_303, %mul3A_308 : vector<2000x64xf32>
    %get3A_310 = arith.constant 2 : index
    %get3A_311 = arith.constant 0 : index
    %get3A_312 = memref.load %arg4[%get3A_310, %get3A_311] : memref<3x3xf32, #tpu.memory_space<smem>>
    %mul3A_313 = vector.broadcast %get3A_312 : f32 to vector<2000x64xf32>
    %mul3A_314 = arith.mulf %max3A_295, %mul3A_313 : vector<2000x64xf32>
    %add3A_315 = arith.addf %add3A_309, %mul3A_314 : vector<2000x64xf32>
    %get3A_316 = arith.constant 0 : index
    %get3A_317 = memref.load %arg5[%get3A_316] : memref<3xf32, #tpu.memory_space<smem>>
    %add3A_318 = vector.broadcast %get3A_317 : f32 to vector<2000x64xf32>
    %add3A_319 = arith.addf %add3A_315, %add3A_318 : vector<2000x64xf32>
    %max3A_320 = arith.constant 0.000000e+00 : f32
    %max3A_321 = vector.broadcast %max3A_320 : f32 to vector<2000x64xf32>
    %max3A_322 = arith.maximumf %add3A_319, %max3A_321 : vector<2000x64xf32>
    %get3A_323 = arith.constant 0 : index
    %get3A_324 = arith.constant 1 : index
    %get3A_325 = memref.load %arg4[%get3A_323, %get3A_324] : memref<3x3xf32, #tpu.memory_space<smem>>
    %mul3A_326 = vector.broadcast %get3A_325 : f32 to vector<2000x64xf32>
    %mul3A_327 = arith.mulf %max3A_241, %mul3A_326 : vector<2000x64xf32>
    %add3A_328 = arith.constant 0.000000e+00 : f32
    %add3A_329 = vector.broadcast %add3A_328 : f32 to vector<2000x64xf32>
    %add3A_330 = arith.addf %add3A_329, %mul3A_327 : vector<2000x64xf32>
    %get3A_331 = arith.constant 1 : index
    %get3A_332 = arith.constant 1 : index
    %get3A_333 = memref.load %arg4[%get3A_331, %get3A_332] : memref<3x3xf32, #tpu.memory_space<smem>>
    %mul3A_334 = vector.broadcast %get3A_333 : f32 to vector<2000x64xf32>
    %mul3A_335 = arith.mulf %max3A_268, %mul3A_334 : vector<2000x64xf32>
    %add3A_336 = arith.addf %add3A_330, %mul3A_335 : vector<2000x64xf32>
    %get3A_337 = arith.constant 2 : index
    %get3A_338 = arith.constant 1 : index
    %get3A_339 = memref.load %arg4[%get3A_337, %get3A_338] : memref<3x3xf32, #tpu.memory_space<smem>>
    %mul3A_340 = vector.broadcast %get3A_339 : f32 to vector<2000x64xf32>
    %mul3A_341 = arith.mulf %max3A_295, %mul3A_340 : vector<2000x64xf32>
    %add3A_342 = arith.addf %add3A_336, %mul3A_341 : vector<2000x64xf32>
    %get3A_343 = arith.constant 1 : index
    %get3A_344 = memref.load %arg5[%get3A_343] : memref<3xf32, #tpu.memory_space<smem>>
    %add3A_345 = vector.broadcast %get3A_344 : f32 to vector<2000x64xf32>
    %add3A_346 = arith.addf %add3A_342, %add3A_345 : vector<2000x64xf32>
    %max3A_347 = arith.constant 0.000000e+00 : f32
    %max3A_348 = vector.broadcast %max3A_347 : f32 to vector<2000x64xf32>
    %max3A_349 = arith.maximumf %add3A_346, %max3A_348 : vector<2000x64xf32>
    %get3A_350 = arith.constant 0 : index
    %get3A_351 = arith.constant 2 : index
    %get3A_352 = memref.load %arg4[%get3A_350, %get3A_351] : memref<3x3xf32, #tpu.memory_space<smem>>
    %mul3A_353 = vector.broadcast %get3A_352 : f32 to vector<2000x64xf32>
    %mul3A_354 = arith.mulf %max3A_241, %mul3A_353 : vector<2000x64xf32>
    %add3A_355 = arith.constant 0.000000e+00 : f32
    %add3A_356 = vector.broadcast %add3A_355 : f32 to vector<2000x64xf32>
    %add3A_357 = arith.addf %add3A_356, %mul3A_354 : vector<2000x64xf32>
    %get3A_358 = arith.constant 1 : index
    %get3A_359 = arith.constant 2 : index
    %get3A_360 = memref.load %arg4[%get3A_358, %get3A_359] : memref<3x3xf32, #tpu.memory_space<smem>>
    %mul3A_361 = vector.broadcast %get3A_360 : f32 to vector<2000x64xf32>
    %mul3A_362 = arith.mulf %max3A_268, %mul3A_361 : vector<2000x64xf32>
    %add3A_363 = arith.addf %add3A_357, %mul3A_362 : vector<2000x64xf32>
    %get3A_364 = arith.constant 2 : index
    %get3A_365 = arith.constant 2 : index
    %get3A_366 = memref.load %arg4[%get3A_364, %get3A_365] : memref<3x3xf32, #tpu.memory_space<smem>>
    %mul3A_367 = vector.broadcast %get3A_366 : f32 to vector<2000x64xf32>
    %mul3A_368 = arith.mulf %max3A_295, %mul3A_367 : vector<2000x64xf32>
    %add3A_369 = arith.addf %add3A_363, %mul3A_368 : vector<2000x64xf32>
    %get3A_370 = arith.constant 2 : index
    %get3A_371 = memref.load %arg5[%get3A_370] : memref<3xf32, #tpu.memory_space<smem>>
    %add3A_372 = vector.broadcast %get3A_371 : f32 to vector<2000x64xf32>
    %add3A_373 = arith.addf %add3A_369, %add3A_372 : vector<2000x64xf32>
    %max3A_374 = arith.constant 0.000000e+00 : f32
    %max3A_375 = vector.broadcast %max3A_374 : f32 to vector<2000x64xf32>
    %max3A_376 = arith.maximumf %add3A_373, %max3A_375 : vector<2000x64xf32>
    %get3A_377 = arith.constant 0 : index
    %get3A_378 = arith.constant 0 : index
    %get3A_379 = memref.load %arg6[%get3A_377, %get3A_378] : memref<3x1xf32, #tpu.memory_space<smem>>
    %mul3A_380 = vector.broadcast %get3A_379 : f32 to vector<2000x64xf32>
    %mul3A_381 = arith.mulf %max3A_322, %mul3A_380 : vector<2000x64xf32>
    %add3A_382 = arith.constant 0.000000e+00 : f32
    %add3A_383 = vector.broadcast %add3A_382 : f32 to vector<2000x64xf32>
    %add3A_384 = arith.addf %add3A_383, %mul3A_381 : vector<2000x64xf32>
    %get3A_385 = arith.constant 1 : index
    %get3A_386 = arith.constant 0 : index
    %get3A_387 = memref.load %arg6[%get3A_385, %get3A_386] : memref<3x1xf32, #tpu.memory_space<smem>>
    %mul3A_388 = vector.broadcast %get3A_387 : f32 to vector<2000x64xf32>
    %mul3A_389 = arith.mulf %max3A_349, %mul3A_388 : vector<2000x64xf32>
    %add3A_390 = arith.addf %add3A_384, %mul3A_389 : vector<2000x64xf32>
    %get3A_391 = arith.constant 2 : index
    %get3A_392 = arith.constant 0 : index
    %get3A_393 = memref.load %arg6[%get3A_391, %get3A_392] : memref<3x1xf32, #tpu.memory_space<smem>>
    %mul3A_394 = vector.broadcast %get3A_393 : f32 to vector<2000x64xf32>
    %mul3A_395 = arith.mulf %max3A_376, %mul3A_394 : vector<2000x64xf32>
    %add3A_396 = arith.addf %add3A_390, %mul3A_395 : vector<2000x64xf32>
    %get3A_397 = arith.constant 0 : index
    %get3A_398 = memref.load %arg7[%get3A_397] : memref<1xf32, #tpu.memory_space<smem>>
    %add3A_399 = vector.broadcast %get3A_398 : f32 to vector<2000x64xf32>
    %add3A_400 = arith.addf %add3A_396, %add3A_399 : vector<2000x64xf32>
    %concatenate3A = tpu.concatenate %add3A_199, %add3A_400 in 1 : vector<2000x64xf32>, vector<2000x64xf32> -> vector<2000x128xf32>
    %swap3A = arith.constant 0 : index
    %swap3A_401 = arith.constant 0 : index
    %swap3A_402 = vector.load %arg8[%swap3A, %swap3A_401] : memref<2000x128xf32, #tpu.memory_space<vmem>>, vector<2000x128xf32>
    tpu.vector_store %arg8[%swap3A, %swap3A_401], %concatenate3A {strides = array<i32>} : memref<2000x128xf32, #tpu.memory_space<vmem>>, vector<2000x128xf32>,
    return
  }
  func.func @transform_0(%arg0: i32) -> (i32, i32, i32, i32) {
    %c0_i32 = arith.constant 0 : i32
    %c0_i32_0 = arith.constant 0 : i32
    %c0_i32_1 = arith.constant 0 : i32
    %c0_i32_2 = arith.constant 0 : i32
    return %c0_i32, %c0_i32_0, %arg0, %c0_i32_1 : i32, i32, i32, i32
  }
  func.func @transform_1(%arg0: i32) -> (i32, i32) {
    %c0_i32 = arith.constant 0 : i32
    %c0_i32_0 = arith.constant 0 : i32
    %c0_i32_1 = arith.constant 0 : i32
    return %c0_i32, %c0_i32_0 : i32, i32
  }
  func.func @transform_2(%arg0: i32) -> i32 {
    %c0_i32 = arith.constant 0 : i32
    %c0_i32_0 = arith.constant 0 : i32
    return %c0_i32 : i32
  }
  func.func @transform_3(%arg0: i32) -> (i32, i32) {
    %c0_i32 = arith.constant 0 : i32
    %c0_i32_0 = arith.constant 0 : i32
    %c0_i32_1 = arith.constant 0 : i32
    return %c0_i32, %c0_i32_0 : i32, i32
  }
  func.func @transform_4(%arg0: i32) -> i32 {
    %c0_i32 = arith.constant 0 : i32
    %c0_i32_0 = arith.constant 0 : i32
    return %c0_i32 : i32
  }
  func.func @transform_5(%arg0: i32) -> (i32, i32) {
    %c0_i32 = arith.constant 0 : i32
    %c0_i32_0 = arith.constant 0 : i32
    %c0_i32_1 = arith.constant 0 : i32
    return %c0_i32, %c0_i32_0 : i32, i32
  }
  func.func @transform_6(%arg0: i32) -> i32 {
    %c0_i32 = arith.constant 0 : i32
    %c0_i32_0 = arith.constant 0 : i32
    return %c0_i32 : i32
  }
  func.func @transform_7(%arg0: i32) -> (i32, i32) {
    %c0_i32 = arith.constant 0 : i32
    %c0_i32_0 = arith.constant 0 : i32
    return %arg0, %c0_i32 : i32, i32
  }
}

</mosaic_0001>

<sc_bundles>
// kernel: kernel.5.cloned.1.call-start
scs
__scs_entry_jumppad:
0x0: {  	(pc) =	sbr.rel $0x88, $3  }
0x1: {  	(tag) =	ssettag $0x0;
	lr =	simm.s32 $0x1  }
0x2: {  	[smem:$0x3F98] =	sst lr;
	_ =	strace $0xD0000000  }
0x3: {  	_ = 	snop  }
0x4: {  	_ = 	snop  }
0x5: {  	_ = 	snop  }
0x6: {  	_ = 	snop  }
0x7: {  	_ = 	snop  }
__scs_overlays_trampoline_lowered:
0x8: {  	[smem:$0x3FA7] =	sst s0  }
0x9: {  	[smem:$0x3FA8] =	sst s1  }
0xa: {  	[smem:$0x3FA9] =	sst s2  }
0xb: {  	[smem:$0x3FAA] =	sst s3  }
0xc: {  	[smem:$0x3FAB] =	sst s4  }
0xd: {  	[smem:$0x3FAC] =	sst s5  }
0xe: {  	[smem:$0x3FAD] =	sst s6  }
0xf: {  	[smem:$0x3FAE] =	sst s7  }
0x10: {  	[smem:$0x3FAF] =	sst s8  }
0x11: {  	[smem:$0x3FB0] =	sst s9;
	s0 =	simm.s32 @!p0 $0x0  }
0x12: {  	s1 =	sld [smem:$0x3F96];
	s0 =	simm.s32 @p0 $0x1  }
0x13: {  	[smem:$0x3FB1] =	sst s0;
	s0 =	simm.s32 @!p1 $0x0  }
0x14: {  	s2 =	sld [smem:$0x3F95];
	s0 =	simm.s32 @p1 $0x1  }
0x15: {  	[smem:$0x3FB2] =	sst s0;
	s0 =	simm.s32 @!p2 $0x0  }
0x16: {  	s3 =	sld [smem:$0x3FDB];
	s0 =	simm.s32 @p2 $0x1  }
0x17: {  	s4 =	simm.s32 $0x1BF5;
	[smem:$0x3FB4] =	sst s0  }
0x18: {  	s0 =	sld [smem:$0x3F97];
	_ =	swait.ge [sflag:s4], $0x0  }
0x19: {  	s7 =	sld [smem:$0x3F98]  }
0x1a: {  	s8 =	sadd.s32 $0xFFFFE003, lr  }
0x1b: {  	s9 =	sadd.s32 $0xFFFFFEF7, lr;
	s5 =	simm.s32 $0xFFFFFFFF;
	p2 =	slt.u32 s8, $0xFFFFF086  }
0x1c: {  	p1 =	slt.u32 s9, $0xF7A;
	s5 =	simm.s32 @!p2 $0x0  }
0x1d: {  	s5 =	simm.s32 @p1 $0x1;
	p0 =	seq.s32 s7, s2  }
0x1e: {  	s7 =	smul.u32 @!p0 $0xF7A, s2;
	p2 =	seq.s32 @!p0 s5, $0x0  }
0x1f: {  	s9 =	smul.u32 $0xF7A, s1;
	s8 =	simm.s32 @!p0 $0x1BF5;
	p2 =	por !p2, p0  }
0x20: {  	[sflag:s8] =	ssyncset.s32 @!p0 $0xFFFFF086;
	s6 =	sadd.s32 @!p0 s3, s7;
	s7 =	simm.s32 @!p0 $0x108  }
0x21: {  	s3 =	sadd.s32 s3, s9;
	s6 =	sadd.s32 @!p0 $0x88, s6;
	s7 =	simm.s32 @p2 $0x1082  }
0x22: {  	[simem:s7], [sflag:s8] =	dma.local @!p0 [hbm:s6], $0xF7A  }
0x23: {  	s9 =	sor.u32 $0xD0000000, s2;
	s6 =	simm.s32 $0x108;
	_ =	swait.ge @!p0 [sflag:s8], $0x0  }
0x24: {  	s3 =	sadd.s32 $0x88, s3;
	s6 =	simm.s32 @!p1 $0x1082;
	[sflag:s4] =	ssyncset.s32 $0xFFFFF086  }
0x25: {  	[simem:s6], [sflag:s4] =	dma.local [hbm:s3], $0xF7A  }
0x26: {  	[smem:$0x3F98] =	sst s1;
	(tag) =	ssettag s2;
	_ =	strace s9  }
0x27: {  	s1 =	sld [smem:$0x3FA8]  }
0x28: {  	s2 =	sld [smem:$0x3FA9]  }
0x29: {  	s4 =	sld [smem:$0x3FAB]  }
0x2a: {  	p0 =	seq.s32 s5, $0x0;
	s5 =	sld [smem:$0x3FAC]  }
0x2b: {  	s6 =	sld [smem:$0x3FAD]  }
0x2c: {  	s7 =	sld [smem:$0x3FAE]  }
0x2d: {  	s3 =	simm.s32 $0x108;
	s8 =	sld [smem:$0x3FAF]  }
0x2e: {  	s3 =	simm.s32 @!p0 $0x1082;
	s9 =	sld [smem:$0x3FB0]  }
0x2f: {  	lr =	sadd.s32 s0, s3;
	s0 =	sld [smem:$0x3FA7]  }
0x30: {  	s3 =	sld [smem:$0x3FAA]  }
0x31: {  	[smem:$0x3FB3] =	sst s10  }
0x32: {  	s10 =	sld [smem:$0x3FB1];
	_ =	sdelay $0x3  }
0x33: {  	p0 =	seq.s32 s10, $0x1;
	s10 =	sld [smem:$0x3FB3];
	_ =	sdelay $0x3  }
0x34: {  	[smem:$0x3FB3] =	sst s10  }
0x35: {  	s10 =	sld [smem:$0x3FB2];
	_ =	sdelay $0x3  }
0x36: {  	p1 =	seq.s32 s10, $0x1;
	s10 =	sld [smem:$0x3FB3];
	_ =	sdelay $0x3  }
0x37: {  	[smem:$0x3FB3] =	sst s10  }
0x38: {  	s10 =	sld [smem:$0x3FB4]  }
0x39: {  	_ = 	snop;
	(pc) =	sbr.ind lr, $3  }
0x3a: {  	_ = 	snop  }
0x3b: {  	_ = 	snop  }
0x3c: {  	p2 =	seq.s32 s10, $0x1;
	s10 =	sld [smem:$0x3FB3]  }
0x3d: {  	_ =	shalt  }
0x3e: {  	_ =	shalt  }
0x3f: {  	_ =	shalt  }
0x40: {  	_ =	shalt  }
0x41: {  	_ =	shalt  }
0x42: {  	_ =	shalt  }
0x43: {  	_ =	shalt  }
0x44: {  	_ =	shalt  }
0x45: {  	_ =	shalt  }
0x46: {  	_ =	shalt  }
0x47: {  	_ =	shalt  }
0x48: {  	_ =	shalt  }
0x49: {  	_ =	shalt  }
0x4a: {  	_ =	shalt  }
0x4b: {  	_ =	shalt  }
0x4c: {  	_ =	shalt  }
0x4d: {  	_ =	shalt  }
0x4e: {  	_ =	shalt  }
0x4f: {  	_ =	shalt  }
0x50: {  	_ =	shalt  }
0x51: {  	_ =	shalt  }
0x52: {  	_ =	shalt  }
0x53: {  	_ =	shalt  }
0x54: {  	_ =	shalt  }
0x55: {  	_ =	shalt  }
0x56: {  	_ =	shalt  }
0x57: {  	_ =	shalt  }
0x58: {  	_ =	shalt  }
0x59: {  	_ =	shalt  }
0x5a: {  	_ =	shalt  }
0x5b: {  	_ =	shalt  }
0x5c: {  	_ =	shalt  }
0x5d: {  	_ =	shalt  }
0x5e: {  	_ =	shalt  }
0x5f: {  	_ =	shalt  }
0x60: {  	_ =	shalt  }
0x61: {  	_ =	shalt  }
0x62: {  	_ =	shalt  }
0x63: {  	_ =	shalt  }
0x64: {  	_ =	shalt  }
0x65: {  	_ =	shalt  }
0x66: {  	_ =	shalt  }
0x67: {  	_ =	shalt  }
0x68: {  	_ =	shalt  }
0x69: {  	_ =	shalt  }
0x6a: {  	_ =	shalt  }
0x6b: {  	_ =	shalt  }
0x6c: {  	_ =	shalt  }
0x6d: {  	_ =	shalt  }
0x6e: {  	_ =	shalt  }
0x6f: {  	_ =	shalt  }
0x70: {  	_ =	shalt  }
0x71: {  	_ =	shalt  }
0x72: {  	_ =	shalt  }
0x73: {  	_ =	shalt  }
0x74: {  	_ =	shalt  }
0x75: {  	_ =	shalt  }
0x76: {  	_ =	shalt  }
0x77: {  	_ =	shalt  }
0x78: {  	_ =	shalt  }
0x79: {  	_ =	shalt  }
0x7a: {  	_ =	shalt  }
0x7b: {  	_ =	shalt  }
0x7c: {  	_ =	shalt  }
0x7d: {  	_ =	shalt  }
0x7e: {  	_ =	shalt  }
0x7f: {  	_ =	shalt  }
0x80: {  	_ =	shalt  }
0x81: {  	_ =	shalt  }
0x82: {  	_ =	shalt  }
0x83: {  	_ =	shalt  }
0x84: {  	_ =	shalt  }
0x85: {  	_ =	shalt  }
0x86: {  	_ =	shalt  }
0x87: {  	_ =	shalt  }
.Lfunc_end0:
.L_simem_size_0:
called_computation_lowered:
.L_overlay_start_0:
0x88: {  	s2 =	sld [smem:$0x3FD9]  }
0x89: {  	s3 =	sld [smem:$0x3FFE];
	_ =	sdelay $0x1  }
0x8a: {  	s1 =	srdreg.scid  }
0x8b: {  	s0 =	sand.u32 $0x1, s1  }
0x8c: {  	s17 =	sshll.u32 s0, $0xA;
	s2 =	sadd.s32 s3, s2  }
0x8d: {  	s2 =	sadd.s32 s2, s17  }
0x8e: {  	[smem:$0x3FBF] =	sst s2  }
0x8f: {  	_ = 	snop  }
0x90: {  	s2 =	sld [smem:$0x3FD0];
	(tm) =	ssettm $0x1  }
0x91: {  	s18 =	sld [smem:$0x3FFB];
	_ =	sdelay $0x3  }
0x92: {  	_ =	strace s18  }
0x93: {  	s3 =	sld [smem:$0x3FFC];
	_ =	sdelay $0x3  }
0x94: {  	_ =	strace s3  }
0x95: {  	s3 =	sld [smem:$0x3FFD];
	_ =	sdelay $0x3  }
0x96: {  	_ =	strace s3  }
0x97: {  	_ =	strace $0x8FFFFFFF  }
0x98: {  	s19 =	sld [smem:$0x3FDB];
	_ =	sdelay $0x1  }
0x99: {  	s4 =	simm.s32 $_scs_section_size  }
0x9a: {  	s5 =	simm.s32 $_size__tile_overlayer_lowered;
	s6 =	simm.s32 $_tile_overlayer_lowered  }
0x9b: {  	s22 =	simm.s32 $0x1BFF;
	s21 =	sshll.u32 s6, $0x1;
	s3 =	sadd.s32 s4, s19  }
0x9c: {  	s7 =	simm.s32 $0x0;
	s20 =	sshll.u32 s5, $0x1;
	s5 =	sadd.s32 s21, s3  }
0x9d: {  	[timem:s7], [sflag:s22] =	dma.local [hbm:s5], s20  }
0x9e: {  	_ =	swait.ge [sflag:s22], s20  }
0x9f: {  	s4 =	ssub.s32 $0x0, s20;
	[sflag:s22] =	ssyncset.done $0x0  }
0xa0: {  	[sflag:s22] =	ssyncadd.s32 s4;
	_ =	sdelay $0x1  }
0xa1: {  	s23 =	simm.s32 $0x1B8B  }
0xa2: {  	_ =	swait.ge [sflag:s23], $0x1  }
0xa3: {  	[sflag:s23] =	ssyncset.done $0x0  }
0xa4: {  	s25 =	simm.s32 $0x1B8E;
	s24 =	sld [smem:$0x3FFE];
	[sflag:s23] =	ssyncadd.s32 $0xFFFFFFFF  }
0xa5: {  	s26 =	simm.s32 $execute0_lowered;
	[smem:$0x3FD2] =	sst s25  }
0xa6: {  	s5 =	sshll.u32 s26, $0x1;
	_ =	strace $0x80000046;
	[dreg:$0x1] =	wrdreg $0xFFFFFFFF  }
0xa7: {  	s28 =	simm.s32 $_size_execute0_lowered;
	s3 =	sadd.s32 s3, s5;
	[dreg:$0x0] =	wrdreg $0x0  }
0xa8: {  	s5 =	sshll.u32 s28, $0x1;
	[dreg:$0x2] =	wrdreg s3  }
0xa9: {  	[dreg:$0x3] =	wrdreg s5  }
0xaa: {  	[dreg:$0x4] =	wrdreg $0xC0  }
0xab: {  	_ =	task [dreg:s7], $0x5FFFF  }
0xac: {  	[dreg:$0x1] =	wrdreg $0xFFFFFFFF  }
0xad: {  	[dreg:$0x0] =	wrdreg $0x60  }
0xae: {  	[dreg:$0x2] =	wrdreg s24  }
0xaf: {  	[dreg:$0x3] =	wrdreg s2  }
0xb0: {  	[dreg:$0x4] =	wrdreg $0xFC400  }
0xb1: {  	[dreg:$0x5] =	wrdreg $0x9  }
0xb2: {  	_ =	task.clear_ibuf [dreg:s7], $0x6FFFF;
	_ =	strace $0x90000046  }
0xb3: {  	s29 =	simm.s32 $0x9;
	_ =	strace $0x80000048  }
0xb4: {  	_ =	swait.ge [sflag:s29], $0x1  }
0xb5: {  	[sflag:s29] =	ssyncadd.s32 $0xFFFFFFFF  }
0xb6: {  	_ =	strace $0x90000048  }
0xb7: {  	_ =	sfence  }
0xb8: {  	s30 =	sld [smem:$0x0];
	_ =	sdelay $0x2  }
0xb9: {  	s31 =	sshll.u32 s1, $0xD;
	s1 =	sshrl.u32 s1, $0x2  }
0xba: {  	s3 =	sand.u32 $0x4000, s31;
	s1 =	sadd.s32 s1, s30  }
0xbb: {  	s0 =	sor.u32 s3, s0;
	s1 =	sshll.u32 s1, $0x11  }
0xbc: {  	s0 =	sor.u32 s1, s0  }
0xbd: {  	s0 =	sadd.s32 $0x8F2B, s0  }
0xbe: {  	[sflag:s0] =	ssyncadd.remote.s32 $0x1  }
0xbf: {  	_ =	sfence.sel $0xFFFF  }
0xc0: {  	[dreg:$0x0] =	wrdreg $0xFFFFFFFF;
	(pc) =	sbr.abs _section_cstart, $3  }
0xc1: {  	[dreg:$0x1] =	wrdreg $0xFFFFFFFF  }
0xc2: {  	_ =	task.clear_ibuf [dreg:s7], $0x2FFFF;
	_ =	strace $0x9FFFFFFF  }
0xc3: {  	(tm) =	ssettm $0x7FFFFFFF  }
tec
execute0_lowered:
.L_overlay_start_1:
0x0: {  	(tag) =	ssettag $0x1  }
0x1: {  	s1 =	rddreg [dreg:$0x0]  }
0x2: {  	s8 =	rddreg [dreg:$0x1];
	s0 =	srdreg.scid  }
0x3: {  	s13 =	stileid.u32;
	s2 =	rddreg [dreg:$0x2]  }
0x4: {  	s3 =	simm.s32 $0x0;
	s28 =	simm.s32 $0x80;
	s22 =	smul.u32 $0x278, s13  }
0x5: {  	s29 =	simm.s32 $0x10;
	s30 =	simm.s32 $0x11;
	s7 =	smul.u32 $0x27800, s13  }
0x6: {  	s5 =	sand.u32 $0x1, s0;
	[smem:$0x7FF] =	sst s3;
	s9 =	smul.u32 $0x4E20, s13  }
0x7: {  	s4 =	sadd.s32 $0x3C600, s1;
	s0 =	sadd.s32 $0x1C00, s1;
	s19 =	smul.u32 $0x9C4, s13  }
0x8: {  	s6 =	smul.u32 $0x7680, s5;
	_ =	strace $0x80000047;
	s23 =	ssub.s32 $0x2, s5  }
0x9: {  	s11 =	smul.u32 $0xEA600, s5;
	s7 =	sshrl.u32 s7, $0x2;
	s24 =	sadd.s32 $0x4D80, s9  }
0xa: {  	s26 =	sadd.s32 $0x4E00, s9;
	s6 =	sadd.s32 s22, s6;
	s7 =	sadd.s32 s7, s2  }
0xb: {  	s12 =	sadd.s32 s11, s26;
	s6 =	sshll.u32 s6, $0x3;
	[dreg:$0x13] =	wrdreg s7  }
0xc: {  	s7 =	sadd.s32 $0x4F00, s7;
	s31 =	sshrl.u32 s12, $0x3;
	s1 =	sadd.s32 s6, s1  }
0xd: {  	[dreg:$0x14] =	wrdreg s7;
	s6 =	sshrl.u32 s24, $0x3;
	s12 =	sadd.s32 s0, s31  }
0xe: {  	s10 =	sshrl.u32 s23, $0x1;
	s6 =	sadd.s32 s8, s6;
	[dreg:$0x17] =	wrdreg s12  }
0xf: {  	s19 =	sadd.s32 s19, s8;
	s15 =	sadd.s32 $0xB1A00, s1;
	[dreg:$0x16] =	wrdreg s6  }
0x10: {  	s25 =	sadd.s32 s11, s24;
	s18 =	sadd.s32 $0x9C40, s12;
	[dreg:$0x19] =	wrdreg s15  }
0x11: {  	s7 =	sshrl.u32 s25, $0x3;
	s22 =	sadd.s32 $0xC5600, s1;
	[dreg:$0x1c] =	wrdreg s18  }
0x12: {  	s5 =	ssub.s32 s23, s10;
	s14 =	sadd.s32 s0, s7;
	[dreg:$0x1e] =	wrdreg s22  }
0x13: {  	s7 =	sshrl.u32 s26, $0x3;
	s1 =	sadd.s32 $0xD9200, s1;
	[dreg:$0x15] =	wrdreg s14  }
0x14: {  	s10 =	sshrl.u32 s9, $0x3;
	s6 =	sadd.s32 s8, s7;
	[smem:$0x7FC] =	sst s1  }
0x15: {  	s16 =	sadd.s32 $0x9C40, s14;
	s7 =	sadd.s32 s9, s11;
	[dreg:$0x18] =	wrdreg s6  }
0x16: {  	s6 =	sadd.s32 s8, s10;
	[dreg:$0x1a] =	wrdreg s16;
	s20 =	sadd.s32 $0x200, s7  }
0x17: {  	s24 =	sadd.s32 $0x180, s7;
	s26 =	sadd.s32 $0x100, s7;
	s31 =	sadd.s32 $0x80, s7  }
0x18: {  	s13 =	sshrl.u32 s7, $0x3;
	s16 =	sadd.s32 $0x4E400, s7;
	s18 =	sadd.s32 $0x4E380, s7  }
0x19: {  	s17 =	sadd.s32 $0xA5F0, s6;
	s21 =	sadd.s32 $0xA600, s6;
	s10 =	sshrl.u32 s20, $0x3  }
0x1a: {  	s25 =	sshrl.u32 s24, $0x3;
	s9 =	sshrl.u32 s26, $0x3;
	s15 =	sadd.s32 s13, s0  }
0x1b: {  	s20 =	sadd.s32 $0x4E300, s7;
	s24 =	sadd.s32 $0x4E280, s7;
	[dreg:$0x1b] =	wrdreg s17  }
0x1c: {  	s26 =	sadd.s32 $0x4E200, s7;
	[dreg:$0x1d] =	wrdreg s21;
	s23 =	sadd.s32 s10, s0  }
0x1d: {  	s8 =	sadd.s32 s25, s0;
	s9 =	sadd.s32 s9, s0;
	s10 =	sshrl.u32 s31, $0x3  }
0x1e: {  	[dreg:$0x8] =	wrdreg s15;
	s17 =	sshrl.u32 s16, $0x3;
	s22 =	sshrl.u32 s20, $0x3  }
0x1f: {  	s25 =	sshrl.u32 s24, $0x3;
	s31 =	sadd.s32 $0x9C600, s7;
	[dreg:$0x4] =	wrdreg s23  }
0x20: {  	s15 =	sadd.s32 $0x9C580, s7;
	s24 =	sadd.s32 $0x14230, s6;
	[dreg:$0x5] =	wrdreg s8  }
0x21: {  	s6 =	sadd.s32 $0x14240, s6;
	[dreg:$0x6] =	wrdreg s9;
	s11 =	sadd.s32 s10, s0  }
0x22: {  	s8 =	sadd.s32 s17, s0;
	s9 =	sshrl.u32 s18, $0x3;
	[smem:$0x7F9] =	sst s24  }
0x23: {  	s23 =	sadd.s32 s22, s0;
	s16 =	sshrl.u32 s15, $0x3;
	[smem:$0x7FB] =	sst s6  }
0x24: {  	s17 =	sadd.s32 $0x9C500, s7;
	s18 =	sadd.s32 $0x9C480, s7;
	[dreg:$0x7] =	wrdreg s11  }
0x25: {  	s22 =	sadd.s32 $0x13880, s14;
	s7 =	sadd.s32 $0x9C400, s7;
	[dreg:$0x9] =	wrdreg s8  }
0x26: {  	s14 =	simm.s32 $0x300;
	s24 =	simm.s32 $0xD;
	[dreg:$0xb] =	wrdreg s23  }
0x27: {  	s21 =	sadd.s32 s9, s0;
	s8 =	sadd.s32 s25, s0;
	[dreg:$0x1f] =	wrdreg s22  }
0x28: {  	s9 =	sshrl.u32 s26, $0x3;
	s11 =	sshrl.u32 s31, $0x3;
	[dreg:$0xa] =	wrdreg s21  }
0x29: {  	s25 =	sadd.s32 $0x13880, s12;
	s26 =	sshrl.u32 s7, $0x3;
	[dreg:$0xc] =	wrdreg s8  }
0x2a: {  	s31 =	smax.u32 s5, $0x1;
	s12 =	simm.s32 $0x0;
	[smem:$0x7FA] =	sst s25  }
0x2b: {  	s9 =	sadd.s32 s9, s0;
	s13 =	sadd.s32 s11, s0;
	[smem:$0x7FD] =	sst s31  }
0x2c: {  	s8 =	sadd.s32 s16, s0;
	s21 =	sshrl.u32 s18, $0x3;
	[dreg:$0xd] =	wrdreg s9  }
0x2d: {  	s16 =	simm.s32 $0x100;
	s25 =	simm.s32 $0xE;
	[dreg:$0xe] =	wrdreg s13  }
0x2e: {  	s9 =	sshrl.u32 s17, $0x3;
	[dreg:$0xf] =	wrdreg s8;
	s23 =	sadd.s32 s21, s0  }
0x2f: {  	s21 =	simm.s32 $0x380;
	s20 =	sadd.s32 s9, s0;
	[dreg:$0x11] =	wrdreg s23  }
0x30: {  	s0 =	sadd.s32 s26, s0;
	s26 =	simm.s32 $0xA;
	[dreg:$0x10] =	wrdreg s20  }
0x31: {  	v0 =	vimm.f32 $0.0e+00;
	[dreg:$0x12] =	wrdreg s0;
	s0 =	simm.s32 $0x14;
	s20 =	simm.s32 $0x4  }
.LBB2_1:
0x32: {  	[smem:$0x7F8] =	sst s12;
	s10 =	simm.s32 $0x100;
	s8 =	simm.s32 $0x0  }
.LBB2_2:
0x33: {  	p0 =	sne.s32 s10, $0x13B00;
	[tilespmem:s8+$0xAD70] =	vst v0;
	s12 =	smov.u32 s10;
	s10 =	sadd.s32 $0x100, s10  }
.Ltmp0:
0x34: {  	[tilespmem:s8+$0xAD60] =	vst v0;
	(pc) =	sbr.rel @p0 .LBB2_2-.Ltmp0, $3  }
0x35: {  	[tilespmem:s8+$0xAD40] =	vst v0  }
0x36: {  	[tilespmem:s8+$0xAD50] =	vst v0;
	_ =	sdelay $0x1  }
0x37: {  	s8 =	sshra.s32 s12, $0x2  }
0x38: {  	[tilespmem:s8+$0xAD70] =	vst v0  }
0x39: {  	[tilespmem:s8+$0xAD60] =	vst v0  }
0x3a: {  	[tilespmem:s8+$0xAD40] =	vst v0  }
0x3b: {  	[tilespmem:s8+$0xAD50] =	vst v0;
	s12 =	rddreg [dreg:$0x13];
	s10 =	simm.s32 $0xAD40  }
0x3c: {  	[spmem:s12] =	stream.linear.scatter [tilespmem:s10], [sflag:$0x15], $0x4F00, $0x38;
	[tilespmem:$0x19A40] =	vst v63  }
0x3d: {  	s12 =	simm.s32 $0x15  }
0x3e: {  	_ =	swait.ge [sflag:s12], $0x4F00  }
0x3f: {  	[sflag:s12] =	ssyncset.done $0x0  }
0x40: {  	s13 =	rddreg [dreg:$0x14];
	[sflag:s12] =	ssyncadd.s32 $0xFFFFB100  }
0x41: {  	[spmem:s13] =	stream.linear.scatter [tilespmem:s10], [sflag:$0x15], $0x4F00, $0x38;
	[tilespmem:$0x19A40] =	vst v63  }
0x42: {  	_ =	swait.ge [sflag:s12], $0x4F00  }
0x43: {  	[sflag:s12] =	ssyncset.done $0x0  }
0x44: {  	[sflag:s12] =	ssyncadd.s32 $0xFFFFB100  }
0x45: {  	[bflag:$0x0] =	sbarrier.arrive $0xFFFF  }
0x46: {  	s15 =	rddreg [dreg:$0x8]  }
0x47: {  	s8 =	sadd.s32 $0x0, s15  }
0x48: {  	[tilespmem:s3], [sflag:$0x1] =	stream.linear.gather [hbm4b:s8+s3], $0x80, $0x38;
	[tilespmem:$0x19A40] =	vst v63  }
0x49: {  	s18 =	sadd.s32 $0x0, s19;
	s11 =	simm.s32 $0x280;
	s17 =	rddreg [dreg:$0x7]  }
0x4a: {  	[tilespmem:s11], [sflag:$0x6] =	stream.linear.gather [hbm4b:s18+s3], $0x80, $0x38;
	[tilespmem:$0x19A40] =	vst v63  }
0x4b: {  	s10 =	sadd.s32 $0x0, s17  }
0x4c: {  	[tilespmem:s28], [sflag:$0x2] =	stream.linear.gather [hbm4b:s10+s3], $0x80, $0x38;
	[tilespmem:$0x19A40] =	vst v63  }
0x4d: {  	s23 =	sadd.s32 $0x10, s18;
	s22 =	rddreg [dreg:$0x6]  }
0x4e: {  	[tilespmem:s14], [sflag:$0x7] =	stream.linear.gather [hbm4b:s23+s3], $0x80, $0x38;
	[tilespmem:$0x19A40] =	vst v63  }
0x4f: {  	s31 =	sadd.s32 $0x0, s22  }
0x50: {  	[tilespmem:s16], [sflag:$0x3] =	stream.linear.gather [hbm4b:s31+s3], $0x80, $0x38;
	[tilespmem:$0x19A40] =	vst v63  }
0x51: {  	s5 =	sadd.s32 $0x20, s18;
	s1 =	rddreg [dreg:$0x5]  }
0x52: {  	[tilespmem:s21], [sflag:$0x8] =	stream.linear.gather [hbm4b:s5+s3], $0x80, $0x38;
	[tilespmem:$0x19A40] =	vst v63  }
0x53: {  	s6 =	sadd.s32 $0x0, s1;
	s1 =	simm.s32 $0x180  }
0x54: {  	[tilespmem:s1], [sflag:$0x4] =	stream.linear.gather [hbm4b:s6+s3], $0x80, $0x38;
	[tilespmem:$0x19A40] =	vst v63  }
0x55: {  	s9 =	sadd.s32 $0x30, s18;
	s7 =	rddreg [dreg:$0x4];
	s23 =	simm.s32 $0x400  }
0x56: {  	[tilespmem:s23], [sflag:$0x9] =	stream.linear.gather [hbm4b:s9+s3], $0x80, $0x38;
	[tilespmem:$0x19A40] =	vst v63  }
0x57: {  	s12 =	sadd.s32 $0x0, s7;
	s5 =	simm.s32 $0x200  }
0x58: {  	[tilespmem:s5], [sflag:$0x5] =	stream.linear.gather [hbm4b:s12+s3], $0x80, $0x38;
	[tilespmem:$0x19A40] =	vst v63  }
0x59: {  	s13 =	simm.s32 $0x480;
	s8 =	sadd.s32 $0x40, s18;
	s6 =	simm.s32 $0x1  }
0x5a: {  	[tilespmem:s13], [sflag:$0xA] =	stream.linear.gather [hbm4b:s8+s3], $0x80, $0x38;
	[tilespmem:$0x19A40] =	vst v63  }
0x5b: {  	_ =	swait.ge [sflag:s6], $0x80  }
0x5c: {  	[sflag:s6] =	ssyncset.done $0x0  }
0x5d: {  	s15 =	simm.s32 $0x500;
	s22 =	simm.s32 $0x2;
	[sflag:s6] =	ssyncadd.s32 $0xFFFFFF80  }
0x5e: {  	[tilespmem:s15], [sflag:$0xB] =	stream.indirect.gather [hbm4b:s4+s28], $0x40, s3, s28, $0xb8;
	[tilespmem:$0x19A40] =	vst v63  }
0x5f: {  	_ =	swait.ge [sflag:s22], $0x80  }
0x60: {  	[sflag:s22] =	ssyncset.done $0x0  }
0x61: {  	s17 =	simm.s32 $0x2500;
	s18 =	simm.s32 $0x3;
	[sflag:s22] =	ssyncadd.s32 $0xFFFFFF80  }
0x62: {  	[tilespmem:s17], [sflag:$0xC] =	stream.indirect.gather [hbm4b:s4+s28], $0x40, s28, s28, $0xb8;
	[tilespmem:$0x19A40] =	vst v63  }
0x63: {  	_ =	swait.ge [sflag:s18], $0x80  }
0x64: {  	[sflag:s18] =	ssyncset.done $0x0  }
0x65: {  	s12 =	simm.s32 $0x4500;
	[sflag:s18] =	ssyncadd.s32 $0xFFFFFF80  }
0x66: {  	[tilespmem:s12], [sflag:$0xD] =	stream.indirect.gather [hbm4b:s4+s28], $0x40, s16, s28, $0xb8;
	[tilespmem:$0x19A40] =	vst v63  }
0x67: {  	_ =	swait.ge [sflag:s20], $0x80  }
0x68: {  	[sflag:s20] =	ssyncset.done $0x0  }
0x69: {  	s7 =	simm.s32 $0x6500;
	s22 =	simm.s32 $0x5;
	[sflag:s20] =	ssyncadd.s32 $0xFFFFFF80  }
0x6a: {  	[tilespmem:s7], [sflag:$0xE] =	stream.indirect.gather [hbm4b:s4+s28], $0x40, s1, s28, $0xb8;
	[tilespmem:$0x19A40] =	vst v63  }
0x6b: {  	_ =	swait.ge [sflag:s22], $0x80  }
0x6c: {  	[sflag:s22] =	ssyncset.done $0x0  }
0x6d: {  	s31 =	simm.s32 $0x8500;
	s9 =	simm.s32 $0xB;
	[sflag:s22] =	ssyncadd.s32 $0xFFFFFF80  }
0x6e: {  	[tilespmem:s31], [sflag:$0xF] =	stream.indirect.gather [hbm4b:s4+s28], $0x40, s5, s28, $0xb8;
	[tilespmem:$0x19A40] =	vst v63  }
0x6f: {  	_ =	swait.ge [sflag:s9], $0x2000  }
0x70: {  	[sflag:s9] =	ssyncset.done $0x0  }
0x71: {  	s13 =	simm.s32 $0x6;
	[sflag:s9] =	ssyncadd.s32 $0xFFFFE000  }
0x72: {  	_ =	swait.ge [sflag:s13], $0x80  }
0x73: {  	[sflag:s13] =	ssyncset.done $0x0  }
0x74: {  	[sflag:s13] =	ssyncadd.s32 $0xFFFFFF80  }
0x75: {  	[spmem:s2] =	stream.indirect.scatter.add.f32 [tilespmem:s15], [sflag:$0x10], $0x40, s11, s28, $0xb8;
	[tilespmem:$0x19A40] =	vst v63  }
0x76: {  	s15 =	simm.s32 $0xC  }
0x77: {  	_ =	swait.ge [sflag:s15], $0x2000  }
0x78: {  	[sflag:s15] =	ssyncset.done $0x0  }
0x79: {  	s16 =	simm.s32 $0x7;
	[sflag:s15] =	ssyncadd.s32 $0xFFFFE000  }
0x7a: {  	_ =	swait.ge [sflag:s16], $0x80  }
0x7b: {  	[sflag:s16] =	ssyncset.done $0x0  }
0x7c: {  	[sflag:s16] =	ssyncadd.s32 $0xFFFFFF80  }
0x7d: {  	[spmem:s2] =	stream.indirect.scatter.add.f32 [tilespmem:s17], [sflag:$0x11], $0x40, s14, s28, $0xb8;
	[tilespmem:$0x19A40] =	vst v63  }
0x7e: {  	_ =	swait.ge [sflag:s24], $0x2000  }
0x7f: {  	[sflag:s24] =	ssyncset.done $0x0  }
0x80: {  	s9 =	simm.s32 $0x8;
	[sflag:s24] =	ssyncadd.s32 $0xFFFFE000  }
0x81: {  	_ =	swait.ge [sflag:s9], $0x80  }
0x82: {  	[sflag:s9] =	ssyncset.done $0x0  }
0x83: {  	[sflag:s9] =	ssyncadd.s32 $0xFFFFFF80  }
0x84: {  	[spmem:s2] =	stream.indirect.scatter.add.f32 [tilespmem:s12], [sflag:$0x12], $0x40, s21, s28, $0xb8;
	[tilespmem:$0x19A40] =	vst v63  }
0x85: {  	_ =	swait.ge [sflag:s25], $0x2000  }
0x86: {  	[sflag:s25] =	ssyncset.done $0x0  }
0x87: {  	s17 =	simm.s32 $0x9;
	[sflag:s25] =	ssyncadd.s32 $0xFFFFE000  }
0x88: {  	_ =	swait.ge [sflag:s17], $0x80  }
0x89: {  	[sflag:s17] =	ssyncset.done $0x0  }
0x8a: {  	s21 =	simm.s32 $0xF;
	[sflag:s17] =	ssyncadd.s32 $0xFFFFFF80  }
0x8b: {  	[spmem:s2] =	stream.indirect.scatter.add.f32 [tilespmem:s7], [sflag:$0x13], $0x40, s23, s28, $0xb8;
	[tilespmem:$0x19A40] =	vst v63  }
0x8c: {  	_ =	swait.ge [sflag:s21], $0x2000  }
0x8d: {  	[sflag:s21] =	ssyncset.done $0x0  }
0x8e: {  	[sflag:s21] =	ssyncadd.s32 $0xFFFFE000  }
0x8f: {  	_ =	swait.ge [sflag:s26], $0x80  }
0x90: {  	[sflag:s26] =	ssyncset.done $0x0  }
0x91: {  	s8 =	simm.s32 $0x480;
	[sflag:s26] =	ssyncadd.s32 $0xFFFFFF80  }
0x92: {  	[spmem:s2] =	stream.indirect.scatter.add.f32 [tilespmem:s31], [sflag:$0x14], $0x40, s8, s28, $0xb8;
	[tilespmem:$0x19A40] =	vst v63  }
0x93: {  	_ =	swait.ge [sflag:s29], $0x2000  }
0x94: {  	[sflag:s29] =	ssyncset.done $0x0  }
0x95: {  	[sflag:s29] =	ssyncadd.s32 $0xFFFFE000  }
0x96: {  	_ =	swait.ge [sflag:s30], $0x2000  }
0x97: {  	[sflag:s30] =	ssyncset.done $0x0  }
0x98: {  	s23 =	simm.s32 $0x12;
	[sflag:s30] =	ssyncadd.s32 $0xFFFFE000  }
0x99: {  	_ =	swait.ge [sflag:s23], $0x2000  }
0x9a: {  	[sflag:s23] =	ssyncset.done $0x0  }
0x9b: {  	s31 =	simm.s32 $0x13;
	[sflag:s23] =	ssyncadd.s32 $0xFFFFE000  }
0x9c: {  	_ =	swait.ge [sflag:s31], $0x2000  }
0x9d: {  	[sflag:s31] =	ssyncset.done $0x0  }
0x9e: {  	s10 =	simm.s32 $0xA0;
	[sflag:s31] =	ssyncadd.s32 $0xFFFFE000  }
0x9f: {  	s5 =	simm.s32 $0x180;
	s7 =	simm.s32 $0xB;
	_ =	swait.ge [sflag:s0], $0x2000  }
0xa0: {  	s8 =	simm.s32 $0x50;
	s12 =	rddreg [dreg:$0x8];
	[sflag:s0] =	ssyncset.done $0x0  }
.LBB2_4:
0xa1: {  	[sflag:s0] =	ssyncadd.s32 $0xFFFFE000;
	s12 =	sadd.s32 s8, s12  }
0xa2: {  	[tilespmem:s3], [sflag:$0x1] =	stream.linear.gather [hbm4b:s12+s3], $0x80, $0x38;
	[tilespmem:$0x19A40] =	vst v63  }
0xa3: {  	s16 =	rddreg [dreg:$0x7];
	s11 =	simm.s32 $0x280;
	s12 =	sadd.s32 s8, s19  }
0xa4: {  	[tilespmem:s11], [sflag:$0x6] =	stream.linear.gather [hbm4b:s12+s3], $0x80, $0x38;
	[tilespmem:$0x19A40] =	vst v63  }
0xa5: {  	s16 =	sadd.s32 s8, s16  }
0xa6: {  	[tilespmem:s28], [sflag:$0x2] =	stream.linear.gather [hbm4b:s16+s3], $0x80, $0x38;
	[tilespmem:$0x19A40] =	vst v63  }
0xa7: {  	s9 =	rddreg [dreg:$0x6];
	s15 =	simm.s32 $0x300;
	s13 =	sadd.s32 $0x10, s12  }
0xa8: {  	[tilespmem:s15], [sflag:$0x7] =	stream.linear.gather [hbm4b:s13+s3], $0x80, $0x38;
	[tilespmem:$0x19A40] =	vst v63  }
0xa9: {  	s21 =	smov.u32 s19;
	s1 =	simm.s32 $0x100;
	s19 =	sadd.s32 s8, s9  }
0xaa: {  	[tilespmem:s1], [sflag:$0x3] =	stream.linear.gather [hbm4b:s19+s3], $0x80, $0x38;
	[tilespmem:$0x19A40] =	vst v63  }
0xab: {  	s23 =	rddreg [dreg:$0x5];
	s6 =	simm.s32 $0x380;
	s31 =	sadd.s32 $0x20, s12  }
0xac: {  	[tilespmem:s6], [sflag:$0x8] =	stream.linear.gather [hbm4b:s31+s3], $0x80, $0x38;
	[tilespmem:$0x19A40] =	vst v63  }
0xad: {  	s9 =	sadd.s32 s8, s23  }
0xae: {  	[tilespmem:s5], [sflag:$0x4] =	stream.linear.gather [hbm4b:s9+s3], $0x80, $0x38;
	[tilespmem:$0x19A40] =	vst v63  }
0xaf: {  	s23 =	simm.s32 $0x400;
	s13 =	rddreg [dreg:$0x4];
	s31 =	sadd.s32 $0x30, s12  }
0xb0: {  	[tilespmem:s23], [sflag:$0x9] =	stream.linear.gather [hbm4b:s31+s3], $0x80, $0x38;
	[tilespmem:$0x19A40] =	vst v63  }
0xb1: {  	s9 =	sadd.s32 s8, s13;
	s13 =	simm.s32 $0x200  }
0xb2: {  	[tilespmem:s13], [sflag:$0x5] =	stream.linear.gather [hbm4b:s9+s3], $0x80, $0x38;
	[tilespmem:$0x19A40] =	vst v63  }
0xb3: {  	s16 =	simm.s32 $0x480;
	s12 =	sadd.s32 $0x40, s12;
	s9 =	simm.s32 $0x1  }
0xb4: {  	[tilespmem:s16], [sflag:$0xA] =	stream.linear.gather [hbm4b:s12+s3], $0x80, $0x38;
	[tilespmem:$0x19A40] =	vst v63  }
0xb5: {  	_ =	swait.ge [sflag:s9], $0x80  }
0xb6: {  	[sflag:s9] =	ssyncset.done $0x0  }
0xb7: {  	s31 =	simm.s32 $0x2;
	s12 =	simm.s32 $0x500;
	[sflag:s9] =	ssyncadd.s32 $0xFFFFFF80  }
0xb8: {  	[tilespmem:s12], [sflag:$0xB] =	stream.indirect.gather [hbm4b:s4+s28], $0x40, s3, s28, $0xb8;
	[tilespmem:$0x19A40] =	vst v63  }
0xb9: {  	_ =	swait.ge [sflag:s31], $0x80  }
0xba: {  	[sflag:s31] =	ssyncset.done $0x0  }
0xbb: {  	s9 =	simm.s32 $0x2500;
	[sflag:s31] =	ssyncadd.s32 $0xFFFFFF80  }
0xbc: {  	[tilespmem:s9], [sflag:$0xC] =	stream.indirect.gather [hbm4b:s4+s28], $0x40, s28, s28, $0xb8;
	[tilespmem:$0x19A40] =	vst v63  }
0xbd: {  	_ =	swait.ge [sflag:s18], $0x80  }
0xbe: {  	[sflag:s18] =	ssyncset.done $0x0  }
0xbf: {  	s31 =	simm.s32 $0x4500;
	[sflag:s18] =	ssyncadd.s32 $0xFFFFFF80  }
0xc0: {  	[tilespmem:s31], [sflag:$0xD] =	stream.indirect.gather [hbm4b:s4+s28], $0x40, s1, s28, $0xb8;
	[tilespmem:$0x19A40] =	vst v63  }
0xc1: {  	_ =	swait.ge [sflag:s20], $0x80  }
0xc2: {  	[sflag:s20] =	ssyncset.done $0x0  }
0xc3: {  	s1 =	simm.s32 $0x6500;
	[sflag:s20] =	ssyncadd.s32 $0xFFFFFF80  }
0xc4: {  	[tilespmem:s1], [sflag:$0xE] =	stream.indirect.gather [hbm4b:s4+s28], $0x40, s5, s28, $0xb8;
	[tilespmem:$0x19A40] =	vst v63  }
0xc5: {  	_ =	swait.ge [sflag:s22], $0x80  }
0xc6: {  	s14 =	smov.u32 s10;
	[sflag:s22] =	ssyncset.done $0x0  }
0xc7: {  	s8 =	smov.u32 s14;
	s14 =	simm.s32 $0x8500;
	[sflag:s22] =	ssyncadd.s32 $0xFFFFFF80  }
0xc8: {  	[tilespmem:s14], [sflag:$0xF] =	stream.indirect.gather [hbm4b:s4+s28], $0x40, s13, s28, $0xb8;
	[tilespmem:$0x19A40] =	vst v63  }
0xc9: {  	_ =	swait.ge [sflag:s7], $0x2000  }
0xca: {  	[sflag:s7] =	ssyncset.done $0x0  }
0xcb: {  	s13 =	simm.s32 $0x6;
	[sflag:s7] =	ssyncadd.s32 $0xFFFFE000  }
0xcc: {  	_ =	swait.ge [sflag:s13], $0x80  }
0xcd: {  	[sflag:s13] =	ssyncset.done $0x0  }
0xce: {  	[sflag:s13] =	ssyncadd.s32 $0xFFFFFF80  }
0xcf: {  	[spmem:s2] =	stream.indirect.scatter.add.f32 [tilespmem:s12], [sflag:$0x10], $0x40, s11, s28, $0xb8;
	[tilespmem:$0x19A40] =	vst v63  }
0xd0: {  	s11 =	simm.s32 $0xC  }
0xd1: {  	_ =	swait.ge [sflag:s11], $0x2000  }
0xd2: {  	[sflag:s11] =	ssyncset.done $0x0  }
0xd3: {  	s13 =	simm.s32 $0x7;
	[sflag:s11] =	ssyncadd.s32 $0xFFFFE000  }
0xd4: {  	_ =	swait.ge [sflag:s13], $0x80  }
0xd5: {  	[sflag:s13] =	ssyncset.done $0x0  }
0xd6: {  	[sflag:s13] =	ssyncadd.s32 $0xFFFFFF80  }
0xd7: {  	[spmem:s2] =	stream.indirect.scatter.add.f32 [tilespmem:s9], [sflag:$0x11], $0x40, s15, s28, $0xb8;
	[tilespmem:$0x19A40] =	vst v63  }
0xd8: {  	_ =	swait.ge [sflag:s24], $0x2000  }
0xd9: {  	[sflag:s24] =	ssyncset.done $0x0  }
0xda: {  	s13 =	simm.s32 $0x8;
	[sflag:s24] =	ssyncadd.s32 $0xFFFFE000  }
0xdb: {  	_ =	swait.ge [sflag:s13], $0x80  }
0xdc: {  	[sflag:s13] =	ssyncset.done $0x0  }
0xdd: {  	[sflag:s13] =	ssyncadd.s32 $0xFFFFFF80  }
0xde: {  	[spmem:s2] =	stream.indirect.scatter.add.f32 [tilespmem:s31], [sflag:$0x12], $0x40, s6, s28, $0xb8;
	[tilespmem:$0x19A40] =	vst v63  }
0xdf: {  	_ =	swait.ge [sflag:s25], $0x2000  }
0xe0: {  	[sflag:s25] =	ssyncset.done $0x0  }
0xe1: {  	[sflag:s25] =	ssyncadd.s32 $0xFFFFE000  }
0xe2: {  	_ =	swait.ge [sflag:s17], $0x80  }
0xe3: {  	[sflag:s17] =	ssyncset.done $0x0  }
0xe4: {  	[sflag:s17] =	ssyncadd.s32 $0xFFFFFF80  }
0xe5: {  	[spmem:s2] =	stream.indirect.scatter.add.f32 [tilespmem:s1], [sflag:$0x13], $0x40, s23, s28, $0xb8;
	[tilespmem:$0x19A40] =	vst v63  }
0xe6: {  	s23 =	simm.s32 $0xF  }
0xe7: {  	_ =	swait.ge [sflag:s23], $0x2000  }
0xe8: {  	[sflag:s23] =	ssyncset.done $0x0  }
0xe9: {  	[sflag:s23] =	ssyncadd.s32 $0xFFFFE000  }
0xea: {  	_ =	swait.ge [sflag:s26], $0x80  }
0xeb: {  	[sflag:s26] =	ssyncset.done $0x0  }
0xec: {  	[sflag:s26] =	ssyncadd.s32 $0xFFFFFF80  }
0xed: {  	[spmem:s2] =	stream.indirect.scatter.add.f32 [tilespmem:s14], [sflag:$0x14], $0x40, s16, s28, $0xb8;
	[tilespmem:$0x19A40] =	vst v63  }
0xee: {  	_ =	swait.ge [sflag:s29], $0x2000  }
0xef: {  	[sflag:s29] =	ssyncset.done $0x0  }
0xf0: {  	[sflag:s29] =	ssyncadd.s32 $0xFFFFE000  }
0xf1: {  	_ =	swait.ge [sflag:s30], $0x2000  }
0xf2: {  	[sflag:s30] =	ssyncset.done $0x0  }
0xf3: {  	s15 =	simm.s32 $0x12;
	[sflag:s30] =	ssyncadd.s32 $0xFFFFE000  }
0xf4: {  	_ =	swait.ge [sflag:s15], $0x2000  }
0xf5: {  	[sflag:s15] =	ssyncset.done $0x0  }
0xf6: {  	p0 =	sne.s32 s10, $0x960;
	s31 =	simm.s32 $0x13;
	[sflag:s15] =	ssyncadd.s32 $0xFFFFE000  }
.Ltmp1:
0xf7: {  	_ =	swait.ge [sflag:s31], $0x2000;
	(pc) =	sbr.rel @p0 .LBB2_4-.Ltmp1, $4  }
0xf8: {  	[sflag:s31] =	ssyncset.done $0x0  }
0xf9: {  	[sflag:s31] =	ssyncadd.s32 $0xFFFFE000  }
0xfa: {  	s10 =	sadd.s32 $0x50, s10;
	_ =	swait.ge [sflag:s0], $0x2000  }
0xfb: {  	s19 =	smov.u32 s21;
	s12 =	rddreg [dreg:$0x8];
	[sflag:s0] =	ssyncset.done $0x0  }
0xfc: {  	[sflag:s0] =	ssyncadd.s32 $0xFFFFE000;
	s10 =	sadd.s32 s8, s12  }
0xfd: {  	[tilespmem:s3], [sflag:$0x1] =	stream.linear.gather [hbm4b:s10+s3], $0x80, $0x38;
	[tilespmem:$0x19A40] =	vst v63  }
0xfe: {  	s14 =	rddreg [dreg:$0x7];
	s1 =	simm.s32 $0x280;
	s10 =	sadd.s32 s8, s19  }
0xff: {  	[tilespmem:s1], [sflag:$0x6] =	stream.linear.gather [hbm4b:s10+s3], $0x80, $0x38;
	[tilespmem:$0x19A40] =	vst v63  }
0x100: {  	s12 =	sadd.s32 s8, s14  }
0x101: {  	[tilespmem:s28], [sflag:$0x2] =	stream.linear.gather [hbm4b:s12+s3], $0x80, $0x38;
	[tilespmem:$0x19A40] =	vst v63  }
0x102: {  	s31 =	simm.s32 $0x300;
	s14 =	rddreg [dreg:$0x6];
	s15 =	sadd.s32 $0x10, s10  }
0x103: {  	[tilespmem:s31], [sflag:$0x7] =	stream.linear.gather [hbm4b:s15+s3], $0x80, $0x38;
	[tilespmem:$0x19A40] =	vst v63  }
0x104: {  	s13 =	simm.s32 $0x100;
	s6 =	sadd.s32 s8, s14  }
0x105: {  	[tilespmem:s13], [sflag:$0x3] =	stream.linear.gather [hbm4b:s6+s3], $0x80, $0x38;
	[tilespmem:$0x19A40] =	vst v63  }
0x106: {  	s9 =	rddreg [dreg:$0x5];
	s15 =	sadd.s32 $0x20, s10;
	s31 =	simm.s32 $0x380  }
0x107: {  	[tilespmem:s31], [sflag:$0x8] =	stream.linear.gather [hbm4b:s15+s3], $0x80, $0x38;
	[tilespmem:$0x19A40] =	vst v63  }
0x108: {  	s6 =	sadd.s32 s8, s9  }
0x109: {  	[tilespmem:s5], [sflag:$0x4] =	stream.linear.gather [hbm4b:s6+s3], $0x80, $0x38;
	[tilespmem:$0x19A40] =	vst v63  }
0x10a: {  	s9 =	rddreg [dreg:$0x4];
	s15 =	sadd.s32 $0x30, s10;
	s31 =	simm.s32 $0x400  }
0x10b: {  	[tilespmem:s31], [sflag:$0x9] =	stream.linear.gather [hbm4b:s15+s3], $0x80, $0x38;
	[tilespmem:$0x19A40] =	vst v63  }
0x10c: {  	s6 =	sadd.s32 s8, s9;
	s9 =	simm.s32 $0x200  }
0x10d: {  	[tilespmem:s9], [sflag:$0x5] =	stream.linear.gather [hbm4b:s6+s3], $0x80, $0x38;
	[tilespmem:$0x19A40] =	vst v63  }
0x10e: {  	s10 =	sadd.s32 $0x40, s10;
	s9 =	simm.s32 $0x1  }
0x10f: {  	[tilespmem:s16], [sflag:$0xA] =	stream.linear.gather [hbm4b:s10+s3], $0x80, $0x38;
	[tilespmem:$0x19A40] =	vst v63  }
0x110: {  	_ =	swait.ge [sflag:s9], $0x80  }
0x111: {  	[sflag:s9] =	ssyncset.done $0x0  }
0x112: {  	s12 =	simm.s32 $0x2;
	s6 =	simm.s32 $0x500;
	[sflag:s9] =	ssyncadd.s32 $0xFFFFFF80  }
0x113: {  	[tilespmem:s6], [sflag:$0xB] =	stream.indirect.gather [hbm4b:s4+s28], $0x40, s3, s28, $0xb8;
	[tilespmem:$0x19A40] =	vst v63  }
0x114: {  	_ =	swait.ge [sflag:s12], $0x80  }
0x115: {  	[sflag:s12] =	ssyncset.done $0x0  }
0x116: {  	s14 =	simm.s32 $0x2500;
	[sflag:s12] =	ssyncadd.s32 $0xFFFFFF80  }
0x117: {  	[tilespmem:s14], [sflag:$0xC] =	stream.indirect.gather [hbm4b:s4+s28], $0x40, s28, s28, $0xb8;
	[tilespmem:$0x19A40] =	vst v63  }
0x118: {  	_ =	swait.ge [sflag:s18], $0x80  }
0x119: {  	[sflag:s18] =	ssyncset.done $0x0  }
0x11a: {  	s13 =	simm.s32 $0x100;
	s15 =	simm.s32 $0x4500;
	[sflag:s18] =	ssyncadd.s32 $0xFFFFFF80  }
0x11b: {  	[tilespmem:s15], [sflag:$0xD] =	stream.indirect.gather [hbm4b:s4+s28], $0x40, s13, s28, $0xb8;
	[tilespmem:$0x19A40] =	vst v63  }
0x11c: {  	_ =	swait.ge [sflag:s20], $0x80  }
0x11d: {  	[sflag:s20] =	ssyncset.done $0x0  }
0x11e: {  	s10 =	simm.s32 $0x6500;
	[sflag:s20] =	ssyncadd.s32 $0xFFFFFF80  }
0x11f: {  	[tilespmem:s10], [sflag:$0xE] =	stream.indirect.gather [hbm4b:s4+s28], $0x40, s5, s28, $0xb8;
	[tilespmem:$0x19A40] =	vst v63  }
0x120: {  	_ =	swait.ge [sflag:s22], $0x80  }
0x121: {  	[sflag:s22] =	ssyncset.done $0x0  }
0x122: {  	s1 =	simm.s32 $0x200;
	s12 =	simm.s32 $0x8500;
	[sflag:s22] =	ssyncadd.s32 $0xFFFFFF80  }
0x123: {  	[tilespmem:s12], [sflag:$0xF] =	stream.indirect.gather [hbm4b:s4+s28], $0x40, s1, s28, $0xb8;
	[tilespmem:$0x19A40] =	vst v63  }
0x124: {  	_ =	swait.ge [sflag:s7], $0x2000  }
0x125: {  	[sflag:s7] =	ssyncset.done $0x0  }
0x126: {  	s15 =	simm.s32 $0x6;
	[sflag:s7] =	ssyncadd.s32 $0xFFFFE000  }
0x127: {  	_ =	swait.ge [sflag:s15], $0x80  }
0x128: {  	[sflag:s15] =	ssyncset.done $0x0  }
0x129: {  	s31 =	simm.s32 $0x500;
	s12 =	simm.s32 $0x280;
	[sflag:s15] =	ssyncadd.s32 $0xFFFFFF80  }
0x12a: {  	[spmem:s2] =	stream.indirect.scatter.add.f32 [tilespmem:s31], [sflag:$0x10], $0x40, s12, s28, $0xb8;
	[tilespmem:$0x19A40] =	vst v63  }
0x12b: {  	_ =	swait.ge [sflag:s11], $0x2000  }
0x12c: {  	[sflag:s11] =	ssyncset.done $0x0  }
0x12d: {  	s31 =	simm.s32 $0x7;
	[sflag:s11] =	ssyncadd.s32 $0xFFFFE000  }
0x12e: {  	_ =	swait.ge [sflag:s31], $0x80  }
0x12f: {  	[sflag:s31] =	ssyncset.done $0x0  }
0x130: {  	s8 =	simm.s32 $0x2500;
	s13 =	simm.s32 $0x300;
	[sflag:s31] =	ssyncadd.s32 $0xFFFFFF80  }
0x131: {  	[spmem:s2] =	stream.indirect.scatter.add.f32 [tilespmem:s8], [sflag:$0x11], $0x40, s13, s28, $0xb8;
	[tilespmem:$0x19A40] =	vst v63  }
0x132: {  	_ =	swait.ge [sflag:s24], $0x2000  }
0x133: {  	[sflag:s24] =	ssyncset.done $0x0  }
0x134: {  	s6 =	simm.s32 $0x8;
	[sflag:s24] =	ssyncadd.s32 $0xFFFFE000  }
0x135: {  	_ =	swait.ge [sflag:s6], $0x80  }
0x136: {  	[sflag:s6] =	ssyncset.done $0x0  }
0x137: {  	s14 =	simm.s32 $0x4500;
	s13 =	simm.s32 $0x380;
	[sflag:s6] =	ssyncadd.s32 $0xFFFFFF80  }
0x138: {  	[spmem:s2] =	stream.indirect.scatter.add.f32 [tilespmem:s14], [sflag:$0x12], $0x40, s13, s28, $0xb8;
	[tilespmem:$0x19A40] =	vst v63  }
0x139: {  	_ =	swait.ge [sflag:s25], $0x2000  }
0x13a: {  	[sflag:s25] =	ssyncset.done $0x0  }
0x13b: {  	[sflag:s25] =	ssyncadd.s32 $0xFFFFE000  }
0x13c: {  	_ =	swait.ge [sflag:s17], $0x80  }
0x13d: {  	[sflag:s17] =	ssyncset.done $0x0  }
0x13e: {  	s10 =	simm.s32 $0x6500;
	s14 =	simm.s32 $0x400;
	[sflag:s17] =	ssyncadd.s32 $0xFFFFFF80  }
0x13f: {  	[spmem:s2] =	stream.indirect.scatter.add.f32 [tilespmem:s10], [sflag:$0x13], $0x40, s14, s28, $0xb8;
	[tilespmem:$0x19A40] =	vst v63  }
0x140: {  	_ =	swait.ge [sflag:s23], $0x2000  }
0x141: {  	[sflag:s23] =	ssyncset.done $0x0  }
0x142: {  	[sflag:s23] =	ssyncadd.s32 $0xFFFFE000  }
0x143: {  	_ =	swait.ge [sflag:s26], $0x80  }
0x144: {  	[sflag:s26] =	ssyncset.done $0x0  }
0x145: {  	s1 =	simm.s32 $0x8500;
	[sflag:s26] =	ssyncadd.s32 $0xFFFFFF80  }
0x146: {  	[spmem:s2] =	stream.indirect.scatter.add.f32 [tilespmem:s1], [sflag:$0x14], $0x40, s16, s28, $0xb8;
	[tilespmem:$0x19A40] =	vst v63  }
0x147: {  	_ =	swait.ge [sflag:s29], $0x2000  }
0x148: {  	[sflag:s29] =	ssyncset.done $0x0  }
0x149: {  	[sflag:s29] =	ssyncadd.s32 $0xFFFFE000  }
0x14a: {  	_ =	swait.ge [sflag:s30], $0x2000  }
0x14b: {  	[sflag:s30] =	ssyncset.done $0x0  }
0x14c: {  	s8 =	simm.s32 $0x12;
	[sflag:s30] =	ssyncadd.s32 $0xFFFFE000  }
0x14d: {  	_ =	swait.ge [sflag:s8], $0x2000  }
0x14e: {  	[sflag:s8] =	ssyncset.done $0x0  }
0x14f: {  	s10 =	simm.s32 $0x13;
	[sflag:s8] =	ssyncadd.s32 $0xFFFFE000  }
0x150: {  	_ =	swait.ge [sflag:s10], $0x2000  }
0x151: {  	[sflag:s10] =	ssyncset.done $0x0  }
0x152: {  	[sflag:s10] =	ssyncadd.s32 $0xFFFFE000  }
0x153: {  	_ =	swait.ge [sflag:s0], $0x2000  }
0x154: {  	[sflag:s0] =	ssyncset.done $0x0  }
0x155: {  	s8 =	simm.s32 $0x0;
	s13 =	rddreg [dreg:$0x15];
	[sflag:s0] =	ssyncadd.s32 $0xFFFFE000  }
0x156: {  	[tilespmem:s8], [sflag:$0x1] =	stream.linear.gather [hbm4b:s13+s8], $0x80, $0x38;
	[tilespmem:$0x19A40] =	vst v63  }
0x157: {  	s14 =	rddreg [dreg:$0x16]  }
0x158: {  	[tilespmem:s12], [sflag:$0x6] =	stream.linear.gather [hbm4b:s14+s8], $0x80, $0x38;
	[tilespmem:$0x19A40] =	vst v63  }
0x159: {  	s1 =	rddreg [dreg:$0x17];
	s12 =	simm.s32 $0xAD00  }
0x15a: {  	[tilespmem:s12], [sflag:$0x5] =	stream.linear.gather [hbm4b:s1+s8], $0x20, $0x38;
	[tilespmem:$0x19A40] =	vst v63  }
0x15b: {  	s6 =	rddreg [dreg:$0x18];
	s14 =	simm.s32 $0xAD20  }
0x15c: {  	[tilespmem:s14], [sflag:$0xA] =	stream.linear.gather [hbm4b:s6+s8], $0x20, $0x38;
	[tilespmem:$0x19A40] =	vst v63  }
0x15d: {  	_ =	swait.ge [sflag:s9], $0x80  }
0x15e: {  	[sflag:s9] =	ssyncset.done $0x0  }
0x15f: {  	s1 =	simm.s32 $0x500;
	[sflag:s9] =	ssyncadd.s32 $0xFFFFFF80  }
0x160: {  	[tilespmem:s1], [sflag:$0xB] =	stream.indirect.gather [hbm4b:s4+s28], $0x40, s8, s28, $0xb8;
	[tilespmem:$0x19A40] =	vst v63  }
0x161: {  	_ =	swait.ge [sflag:s22], $0x20  }
0x162: {  	[sflag:s22] =	ssyncset.done $0x0  }
0x163: {  	s10 =	simm.s32 $0x20;
	s6 =	simm.s32 $0xA500;
	[sflag:s22] =	ssyncadd.s32 $0xFFFFFFE0  }
0x164: {  	[tilespmem:s6], [sflag:$0xF] =	stream.indirect.gather [hbm4b:s4+s10], $0x40, s12, s10, $0xb8;
	[tilespmem:$0x19A40] =	vst v63  }
0x165: {  	_ =	swait.ge [sflag:s7], $0x2000  }
0x166: {  	[sflag:s7] =	ssyncset.done $0x0  }
0x167: {  	[sflag:s7] =	ssyncadd.s32 $0xFFFFE000  }
0x168: {  	_ =	swait.ge [sflag:s15], $0x80  }
0x169: {  	[sflag:s15] =	ssyncset.done $0x0  }
0x16a: {  	s13 =	simm.s32 $0x280;
	[sflag:s15] =	ssyncadd.s32 $0xFFFFFF80  }
0x16b: {  	[spmem:s2] =	stream.indirect.scatter.add.f32 [tilespmem:s1], [sflag:$0x10], $0x40, s13, s28, $0xb8;
	[tilespmem:$0x19A40] =	vst v63  }
0x16c: {  	_ =	swait.ge [sflag:s23], $0x800  }
0x16d: {  	[sflag:s23] =	ssyncset.done $0x0  }
0x16e: {  	[sflag:s23] =	ssyncadd.s32 $0xFFFFF800  }
0x16f: {  	_ =	swait.ge [sflag:s26], $0x20  }
0x170: {  	[sflag:s26] =	ssyncset.done $0x0  }
0x171: {  	[sflag:s26] =	ssyncadd.s32 $0xFFFFFFE0  }
0x172: {  	[spmem:s2] =	stream.indirect.scatter.add.f32 [tilespmem:s6], [sflag:$0x11], $0x40, s14, s10, $0xb8;
	[tilespmem:$0x19A40] =	vst v63  }
0x173: {  	_ =	swait.ge [sflag:s29], $0x2000  }
0x174: {  	[sflag:s29] =	ssyncset.done $0x0  }
0x175: {  	[sflag:s29] =	ssyncadd.s32 $0xFFFFE000  }
0x176: {  	_ =	swait.ge [sflag:s30], $0x800  }
0x177: {  	[sflag:s30] =	ssyncset.done $0x0  }
0x178: {  	s6 =	stileid.u32;
	[sflag:s30] =	ssyncadd.s32 $0xFFFFF800  }
0x179: {  	s8 =	sshll.u32 s6, $0x6;
	[bflag:$0x0] =	sbarrier.arrive $0xFFFF  }
0x17a: {  	s10 =	sor.u32 $0x1C15, s8;
	s8 =	rddreg [dreg:$0x13]  }
0x17b: {  	s6 =	rddreg [dreg:$0x19]  }
0x17c: {  	[smem:$0x7F6] =	sst s10;
	s13 =	sshrl.u32 s8, $0x3  }
0x17d: {  	[smem:$0x7F7] =	sst s13  }
0x17e: {  	[hbm:s6], [sflag:s10] =	dma.local [spmem:s13], $0x13C0  }
0x17f: {  	s13 =	simm.s32 $0x15  }
0x180: {  	_ =	swait.ge [sflag:s13], $0x13C0  }
0x181: {  	[sflag:s13] =	ssyncset.done $0x0  }
0x182: {  	s14 =	simm.s32 $0xAD40;
	[sflag:s13] =	ssyncadd.s32 $0xFFFFEC40  }
0x183: {  	[spmem:s8] =	stream.linear.scatter [tilespmem:s14], [sflag:$0x15], $0x4F00, $0x38;
	[tilespmem:$0x19A40] =	vst v63  }
0x184: {  	_ =	swait.ge [sflag:s13], $0x4F00  }
0x185: {  	[sflag:s13] =	ssyncset.done $0x0  }
0x186: {  	s6 =	rddreg [dreg:$0x14];
	[sflag:s13] =	ssyncadd.s32 $0xFFFFB100  }
0x187: {  	[spmem:s6] =	stream.linear.scatter [tilespmem:s14], [sflag:$0x15], $0x4F00, $0x38;
	[tilespmem:$0x19A40] =	vst v63  }
0x188: {  	_ =	swait.ge [sflag:s13], $0x4F00  }
0x189: {  	[sflag:s13] =	ssyncset.done $0x0  }
0x18a: {  	[sflag:s13] =	ssyncadd.s32 $0xFFFFB100  }
0x18b: {  	[bflag:$0x0] =	sbarrier.arrive $0xFFFF  }
0x18c: {  	s13 =	rddreg [dreg:$0xd]  }
0x18d: {  	s10 =	sadd.s32 $0x0, s19;
	s8 =	sadd.s32 $0x0, s13  }
0x18e: {  	[tilespmem:s3], [sflag:$0x1] =	stream.linear.gather [hbm4b:s8+s3], $0x80, $0x38;
	[tilespmem:$0x19A40] =	vst v63  }
0x18f: {  	s1 =	simm.s32 $0x280;
	s6 =	sadd.s32 $0x9C40, s10;
	s14 =	rddreg [dreg:$0xc]  }
0x190: {  	[tilespmem:s1], [sflag:$0x6] =	stream.linear.gather [hbm4b:s6+s3], $0x80, $0x38;
	[tilespmem:$0x19A40] =	vst v63  }
0x191: {  	s12 =	sadd.s32 $0x0, s14  }
0x192: {  	[tilespmem:s28], [sflag:$0x2] =	stream.linear.gather [hbm4b:s12+s3], $0x80, $0x38;
	[tilespmem:$0x19A40] =	vst v63  }
0x193: {  	s13 =	rddreg [dreg:$0xb];
	s14 =	simm.s32 $0x300;
	s1 =	sadd.s32 $0x9C50, s10  }
0x194: {  	[tilespmem:s14], [sflag:$0x7] =	stream.linear.gather [hbm4b:s1+s3], $0x80, $0x38;
	[tilespmem:$0x19A40] =	vst v63  }
0x195: {  	s6 =	sadd.s32 $0x0, s13;
	s1 =	simm.s32 $0x100  }
0x196: {  	[tilespmem:s1], [sflag:$0x3] =	stream.linear.gather [hbm4b:s6+s3], $0x80, $0x38;
	[tilespmem:$0x19A40] =	vst v63  }
0x197: {  	s13 =	sadd.s32 $0x9C60, s10;
	s12 =	rddreg [dreg:$0xa];
	s6 =	simm.s32 $0x380  }
0x198: {  	[tilespmem:s6], [sflag:$0x8] =	stream.linear.gather [hbm4b:s13+s3], $0x80, $0x38;
	[tilespmem:$0x19A40] =	vst v63  }
0x199: {  	s6 =	sadd.s32 $0x0, s12  }
0x19a: {  	[tilespmem:s5], [sflag:$0x4] =	stream.linear.gather [hbm4b:s6+s3], $0x80, $0x38;
	[tilespmem:$0x19A40] =	vst v63  }
0x19b: {  	s12 =	rddreg [dreg:$0x9];
	s13 =	sadd.s32 $0x9C70, s10;
	s6 =	simm.s32 $0x400  }
0x19c: {  	[tilespmem:s6], [sflag:$0x9] =	stream.linear.gather [hbm4b:s13+s3], $0x80, $0x38;
	[tilespmem:$0x19A40] =	vst v63  }
0x19d: {  	s6 =	sadd.s32 $0x0, s12;
	s12 =	simm.s32 $0x200  }
0x19e: {  	[tilespmem:s12], [sflag:$0x5] =	stream.linear.gather [hbm4b:s6+s3], $0x80, $0x38;
	[tilespmem:$0x19A40] =	vst v63  }
0x19f: {  	s10 =	sadd.s32 $0x9C80, s10  }
0x1a0: {  	[tilespmem:s16], [sflag:$0xA] =	stream.linear.gather [hbm4b:s10+s3], $0x80, $0x38;
	[tilespmem:$0x19A40] =	vst v63  }
0x1a1: {  	_ =	swait.ge [sflag:s9], $0x80  }
0x1a2: {  	[sflag:s9] =	ssyncset.done $0x0  }
0x1a3: {  	s13 =	simm.s32 $0x2;
	s6 =	simm.s32 $0x500;
	[sflag:s9] =	ssyncadd.s32 $0xFFFFFF80  }
0x1a4: {  	[tilespmem:s6], [sflag:$0xB] =	stream.indirect.gather [hbm4b:s4+s28], $0x40, s3, s28, $0xb8;
	[tilespmem:$0x19A40] =	vst v63  }
0x1a5: {  	_ =	swait.ge [sflag:s13], $0x80  }
0x1a6: {  	[sflag:s13] =	ssyncset.done $0x0  }
0x1a7: {  	s10 =	simm.s32 $0x2500;
	[sflag:s13] =	ssyncadd.s32 $0xFFFFFF80  }
0x1a8: {  	[tilespmem:s10], [sflag:$0xC] =	stream.indirect.gather [hbm4b:s4+s28], $0x40, s28, s28, $0xb8;
	[tilespmem:$0x19A40] =	vst v63  }
0x1a9: {  	_ =	swait.ge [sflag:s18], $0x80  }
0x1aa: {  	[sflag:s18] =	ssyncset.done $0x0  }
0x1ab: {  	s9 =	simm.s32 $0x4500;
	[sflag:s18] =	ssyncadd.s32 $0xFFFFFF80  }
0x1ac: {  	[tilespmem:s9], [sflag:$0xD] =	stream.indirect.gather [hbm4b:s4+s28], $0x40, s1, s28, $0xb8;
	[tilespmem:$0x19A40] =	vst v63  }
0x1ad: {  	_ =	swait.ge [sflag:s20], $0x80  }
0x1ae: {  	[sflag:s20] =	ssyncset.done $0x0  }
0x1af: {  	s8 =	simm.s32 $0x6500;
	[sflag:s20] =	ssyncadd.s32 $0xFFFFFF80  }
0x1b0: {  	[tilespmem:s8], [sflag:$0xE] =	stream.indirect.gather [hbm4b:s4+s28], $0x40, s5, s28, $0xb8;
	[tilespmem:$0x19A40] =	vst v63  }
0x1b1: {  	_ =	swait.ge [sflag:s22], $0x80  }
0x1b2: {  	[sflag:s22] =	ssyncset.done $0x0  }
0x1b3: {  	s13 =	simm.s32 $0x8500;
	[sflag:s22] =	ssyncadd.s32 $0xFFFFFF80  }
0x1b4: {  	[tilespmem:s13], [sflag:$0xF] =	stream.indirect.gather [hbm4b:s4+s28], $0x40, s12, s28, $0xb8;
	[tilespmem:$0x19A40] =	vst v63  }
0x1b5: {  	_ =	swait.ge [sflag:s7], $0x2000  }
0x1b6: {  	[sflag:s7] =	ssyncset.done $0x0  }
0x1b7: {  	[sflag:s7] =	ssyncadd.s32 $0xFFFFE000  }
0x1b8: {  	_ =	swait.ge [sflag:s15], $0x80  }
0x1b9: {  	[sflag:s15] =	ssyncset.done $0x0  }
0x1ba: {  	[sflag:s15] =	ssyncadd.s32 $0xFFFFFF80;
	s15 =	simm.s32 $0x280  }
0x1bb: {  	[spmem:s2] =	stream.indirect.scatter.add.f32 [tilespmem:s6], [sflag:$0x10], $0x40, s15, s28, $0xb8;
	[tilespmem:$0x19A40] =	vst v63  }
0x1bc: {  	_ =	swait.ge [sflag:s11], $0x2000  }
0x1bd: {  	[sflag:s11] =	ssyncset.done $0x0  }
0x1be: {  	[sflag:s11] =	ssyncadd.s32 $0xFFFFE000  }
0x1bf: {  	_ =	swait.ge [sflag:s31], $0x80  }
0x1c0: {  	[sflag:s31] =	ssyncset.done $0x0  }
0x1c1: {  	[sflag:s31] =	ssyncadd.s32 $0xFFFFFF80  }
0x1c2: {  	[spmem:s2] =	stream.indirect.scatter.add.f32 [tilespmem:s10], [sflag:$0x11], $0x40, s14, s28, $0xb8;
	[tilespmem:$0x19A40] =	vst v63  }
0x1c3: {  	_ =	swait.ge [sflag:s24], $0x2000  }
0x1c4: {  	[sflag:s24] =	ssyncset.done $0x0  }
0x1c5: {  	s12 =	simm.s32 $0x8;
	[sflag:s24] =	ssyncadd.s32 $0xFFFFE000  }
0x1c6: {  	_ =	swait.ge [sflag:s12], $0x80  }
0x1c7: {  	[sflag:s12] =	ssyncset.done $0x0  }
0x1c8: {  	s14 =	simm.s32 $0x380;
	[sflag:s12] =	ssyncadd.s32 $0xFFFFFF80  }
0x1c9: {  	[spmem:s2] =	stream.indirect.scatter.add.f32 [tilespmem:s9], [sflag:$0x12], $0x40, s14, s28, $0xb8;
	[tilespmem:$0x19A40] =	vst v63  }
0x1ca: {  	_ =	swait.ge [sflag:s25], $0x2000  }
0x1cb: {  	[sflag:s25] =	ssyncset.done $0x0  }
0x1cc: {  	[sflag:s25] =	ssyncadd.s32 $0xFFFFE000  }
0x1cd: {  	_ =	swait.ge [sflag:s17], $0x80  }
0x1ce: {  	[sflag:s17] =	ssyncset.done $0x0  }
0x1cf: {  	s15 =	simm.s32 $0x400;
	[sflag:s17] =	ssyncadd.s32 $0xFFFFFF80  }
0x1d0: {  	[spmem:s2] =	stream.indirect.scatter.add.f32 [tilespmem:s8], [sflag:$0x13], $0x40, s15, s28, $0xb8;
	[tilespmem:$0x19A40] =	vst v63  }
0x1d1: {  	_ =	swait.ge [sflag:s23], $0x2000  }
0x1d2: {  	[sflag:s23] =	ssyncset.done $0x0  }
0x1d3: {  	[sflag:s23] =	ssyncadd.s32 $0xFFFFE000  }
0x1d4: {  	_ =	swait.ge [sflag:s26], $0x80  }
0x1d5: {  	[sflag:s26] =	ssyncset.done $0x0  }
0x1d6: {  	[sflag:s26] =	ssyncadd.s32 $0xFFFFFF80  }
0x1d7: {  	[spmem:s2] =	stream.indirect.scatter.add.f32 [tilespmem:s13], [sflag:$0x14], $0x40, s16, s28, $0xb8;
	[tilespmem:$0x19A40] =	vst v63  }
0x1d8: {  	_ =	swait.ge [sflag:s29], $0x2000  }
0x1d9: {  	[sflag:s29] =	ssyncset.done $0x0  }
0x1da: {  	[sflag:s29] =	ssyncadd.s32 $0xFFFFE000  }
0x1db: {  	_ =	swait.ge [sflag:s30], $0x2000  }
0x1dc: {  	[sflag:s30] =	ssyncset.done $0x0  }
0x1dd: {  	s23 =	simm.s32 $0x12;
	[sflag:s30] =	ssyncadd.s32 $0xFFFFE000  }
0x1de: {  	_ =	swait.ge [sflag:s23], $0x2000  }
0x1df: {  	[sflag:s23] =	ssyncset.done $0x0  }
0x1e0: {  	s31 =	simm.s32 $0x13;
	[sflag:s23] =	ssyncadd.s32 $0xFFFFE000  }
0x1e1: {  	_ =	swait.ge [sflag:s31], $0x2000  }
0x1e2: {  	[sflag:s31] =	ssyncset.done $0x0  }
0x1e3: {  	[sflag:s31] =	ssyncadd.s32 $0xFFFFE000  }
0x1e4: {  	s10 =	simm.s32 $0xA0;
	_ =	swait.ge [sflag:s0], $0x2000  }
0x1e5: {  	s8 =	simm.s32 $0x50;
	s12 =	rddreg [dreg:$0xd];
	[sflag:s0] =	ssyncset.done $0x0  }
.LBB2_6:
0x1e6: {  	[sflag:s0] =	ssyncadd.s32 $0xFFFFE000;
	s12 =	sadd.s32 s8, s12;
	s16 =	sadd.s32 s8, s19  }
0x1e7: {  	[tilespmem:s3], [sflag:$0x1] =	stream.linear.gather [hbm4b:s12+s3], $0x80, $0x38;
	[tilespmem:$0x19A40] =	vst v63  }
0x1e8: {  	s31 =	rddreg [dreg:$0xc];
	s11 =	simm.s32 $0x280;
	s1 =	sadd.s32 $0x9C40, s16  }
0x1e9: {  	[tilespmem:s11], [sflag:$0x6] =	stream.linear.gather [hbm4b:s1+s3], $0x80, $0x38;
	[tilespmem:$0x19A40] =	vst v63  }
0x1ea: {  	s6 =	sadd.s32 s8, s31  }
0x1eb: {  	[tilespmem:s28], [sflag:$0x2] =	stream.linear.gather [hbm4b:s6+s3], $0x80, $0x38;
	[tilespmem:$0x19A40] =	vst v63  }
0x1ec: {  	s9 =	rddreg [dreg:$0xb];
	s15 =	simm.s32 $0x300;
	s13 =	sadd.s32 $0x9C50, s16  }
0x1ed: {  	[tilespmem:s15], [sflag:$0x7] =	stream.linear.gather [hbm4b:s13+s3], $0x80, $0x38;
	[tilespmem:$0x19A40] =	vst v63  }
0x1ee: {  	s19 =	sadd.s32 s8, s9;
	s1 =	simm.s32 $0x100  }
0x1ef: {  	[tilespmem:s1], [sflag:$0x3] =	stream.linear.gather [hbm4b:s19+s3], $0x80, $0x38;
	[tilespmem:$0x19A40] =	vst v63  }
0x1f0: {  	s23 =	rddreg [dreg:$0xa];
	s31 =	sadd.s32 $0x9C60, s16;
	s6 =	simm.s32 $0x380  }
0x1f1: {  	[tilespmem:s6], [sflag:$0x8] =	stream.linear.gather [hbm4b:s31+s3], $0x80, $0x38;
	[tilespmem:$0x19A40] =	vst v63  }
0x1f2: {  	s14 =	smov.u32 s10;
	s9 =	sadd.s32 s8, s23  }
0x1f3: {  	[tilespmem:s5], [sflag:$0x4] =	stream.linear.gather [hbm4b:s9+s3], $0x80, $0x38;
	[tilespmem:$0x19A40] =	vst v63  }
0x1f4: {  	s23 =	simm.s32 $0x400;
	s13 =	rddreg [dreg:$0x9];
	s31 =	sadd.s32 $0x9C70, s16  }
0x1f5: {  	[tilespmem:s23], [sflag:$0x9] =	stream.linear.gather [hbm4b:s31+s3], $0x80, $0x38;
	[tilespmem:$0x19A40] =	vst v63  }
0x1f6: {  	s9 =	sadd.s32 s8, s13;
	s8 =	smov.u32 s14;
	s13 =	simm.s32 $0x200  }
0x1f7: {  	[tilespmem:s13], [sflag:$0x5] =	stream.linear.gather [hbm4b:s9+s3], $0x80, $0x38;
	[tilespmem:$0x19A40] =	vst v63  }
0x1f8: {  	s14 =	sadd.s32 $0x9C80, s16;
	s16 =	simm.s32 $0x480;
	s9 =	simm.s32 $0x1  }
0x1f9: {  	[tilespmem:s16], [sflag:$0xA] =	stream.linear.gather [hbm4b:s14+s3], $0x80, $0x38;
	[tilespmem:$0x19A40] =	vst v63  }
0x1fa: {  	_ =	swait.ge [sflag:s9], $0x80  }
0x1fb: {  	[sflag:s9] =	ssyncset.done $0x0  }
0x1fc: {  	s12 =	simm.s32 $0x500;
	s31 =	simm.s32 $0x2;
	[sflag:s9] =	ssyncadd.s32 $0xFFFFFF80  }
0x1fd: {  	[tilespmem:s12], [sflag:$0xB] =	stream.indirect.gather [hbm4b:s4+s28], $0x40, s3, s28, $0xb8;
	[tilespmem:$0x19A40] =	vst v63  }
0x1fe: {  	_ =	swait.ge [sflag:s31], $0x80  }
0x1ff: {  	[sflag:s31] =	ssyncset.done $0x0  }
0x200: {  	s9 =	simm.s32 $0x2500;
	[sflag:s31] =	ssyncadd.s32 $0xFFFFFF80  }
0x201: {  	[tilespmem:s9], [sflag:$0xC] =	stream.indirect.gather [hbm4b:s4+s28], $0x40, s28, s28, $0xb8;
	[tilespmem:$0x19A40] =	vst v63  }
0x202: {  	_ =	swait.ge [sflag:s18], $0x80  }
0x203: {  	[sflag:s18] =	ssyncset.done $0x0  }
0x204: {  	s31 =	simm.s32 $0x4500;
	[sflag:s18] =	ssyncadd.s32 $0xFFFFFF80  }
0x205: {  	[tilespmem:s31], [sflag:$0xD] =	stream.indirect.gather [hbm4b:s4+s28], $0x40, s1, s28, $0xb8;
	[tilespmem:$0x19A40] =	vst v63  }
0x206: {  	_ =	swait.ge [sflag:s20], $0x80  }
0x207: {  	[sflag:s20] =	ssyncset.done $0x0  }
0x208: {  	s1 =	simm.s32 $0x6500;
	[sflag:s20] =	ssyncadd.s32 $0xFFFFFF80  }
0x209: {  	[tilespmem:s1], [sflag:$0xE] =	stream.indirect.gather [hbm4b:s4+s28], $0x40, s5, s28, $0xb8;
	[tilespmem:$0x19A40] =	vst v63  }
0x20a: {  	_ =	swait.ge [sflag:s22], $0x80  }
0x20b: {  	[sflag:s22] =	ssyncset.done $0x0  }
0x20c: {  	s14 =	simm.s32 $0x8500;
	[sflag:s22] =	ssyncadd.s32 $0xFFFFFF80  }
0x20d: {  	[tilespmem:s14], [sflag:$0xF] =	stream.indirect.gather [hbm4b:s4+s28], $0x40, s13, s28, $0xb8;
	[tilespmem:$0x19A40] =	vst v63  }
0x20e: {  	_ =	swait.ge [sflag:s7], $0x2000  }
0x20f: {  	[sflag:s7] =	ssyncset.done $0x0  }
0x210: {  	s13 =	simm.s32 $0x6;
	[sflag:s7] =	ssyncadd.s32 $0xFFFFE000  }
0x211: {  	_ =	swait.ge [sflag:s13], $0x80  }
0x212: {  	[sflag:s13] =	ssyncset.done $0x0  }
0x213: {  	[sflag:s13] =	ssyncadd.s32 $0xFFFFFF80  }
0x214: {  	[spmem:s2] =	stream.indirect.scatter.add.f32 [tilespmem:s12], [sflag:$0x10], $0x40, s11, s28, $0xb8;
	[tilespmem:$0x19A40] =	vst v63  }
0x215: {  	s11 =	simm.s32 $0xC  }
0x216: {  	_ =	swait.ge [sflag:s11], $0x2000  }
0x217: {  	[sflag:s11] =	ssyncset.done $0x0  }
0x218: {  	s13 =	simm.s32 $0x7;
	[sflag:s11] =	ssyncadd.s32 $0xFFFFE000  }
0x219: {  	_ =	swait.ge [sflag:s13], $0x80  }
0x21a: {  	[sflag:s13] =	ssyncset.done $0x0  }
0x21b: {  	[sflag:s13] =	ssyncadd.s32 $0xFFFFFF80  }
0x21c: {  	[spmem:s2] =	stream.indirect.scatter.add.f32 [tilespmem:s9], [sflag:$0x11], $0x40, s15, s28, $0xb8;
	[tilespmem:$0x19A40] =	vst v63  }
0x21d: {  	_ =	swait.ge [sflag:s24], $0x2000  }
0x21e: {  	[sflag:s24] =	ssyncset.done $0x0  }
0x21f: {  	s13 =	simm.s32 $0x8;
	[sflag:s24] =	ssyncadd.s32 $0xFFFFE000  }
0x220: {  	_ =	swait.ge [sflag:s13], $0x80  }
0x221: {  	[sflag:s13] =	ssyncset.done $0x0  }
0x222: {  	[sflag:s13] =	ssyncadd.s32 $0xFFFFFF80  }
0x223: {  	[spmem:s2] =	stream.indirect.scatter.add.f32 [tilespmem:s31], [sflag:$0x12], $0x40, s6, s28, $0xb8;
	[tilespmem:$0x19A40] =	vst v63  }
0x224: {  	_ =	swait.ge [sflag:s25], $0x2000  }
0x225: {  	[sflag:s25] =	ssyncset.done $0x0  }
0x226: {  	[sflag:s25] =	ssyncadd.s32 $0xFFFFE000  }
0x227: {  	_ =	swait.ge [sflag:s17], $0x80  }
0x228: {  	[sflag:s17] =	ssyncset.done $0x0  }
0x229: {  	[sflag:s17] =	ssyncadd.s32 $0xFFFFFF80  }
0x22a: {  	[spmem:s2] =	stream.indirect.scatter.add.f32 [tilespmem:s1], [sflag:$0x13], $0x40, s23, s28, $0xb8;
	[tilespmem:$0x19A40] =	vst v63  }
0x22b: {  	s23 =	simm.s32 $0xF  }
0x22c: {  	_ =	swait.ge [sflag:s23], $0x2000  }
0x22d: {  	[sflag:s23] =	ssyncset.done $0x0  }
0x22e: {  	[sflag:s23] =	ssyncadd.s32 $0xFFFFE000  }
0x22f: {  	_ =	swait.ge [sflag:s26], $0x80  }
0x230: {  	[sflag:s26] =	ssyncset.done $0x0  }
0x231: {  	[sflag:s26] =	ssyncadd.s32 $0xFFFFFF80  }
0x232: {  	[spmem:s2] =	stream.indirect.scatter.add.f32 [tilespmem:s14], [sflag:$0x14], $0x40, s16, s28, $0xb8;
	[tilespmem:$0x19A40] =	vst v63  }
0x233: {  	_ =	swait.ge [sflag:s29], $0x2000  }
0x234: {  	[sflag:s29] =	ssyncset.done $0x0  }
0x235: {  	[sflag:s29] =	ssyncadd.s32 $0xFFFFE000  }
0x236: {  	_ =	swait.ge [sflag:s30], $0x2000  }
0x237: {  	[sflag:s30] =	ssyncset.done $0x0  }
0x238: {  	s15 =	simm.s32 $0x12;
	[sflag:s30] =	ssyncadd.s32 $0xFFFFE000  }
0x239: {  	_ =	swait.ge [sflag:s15], $0x2000  }
0x23a: {  	[sflag:s15] =	ssyncset.done $0x0  }
0x23b: {  	p0 =	sne.s32 s10, $0x960;
	s31 =	simm.s32 $0x13;
	[sflag:s15] =	ssyncadd.s32 $0xFFFFE000  }
.Ltmp2:
0x23c: {  	_ =	swait.ge [sflag:s31], $0x2000;
	(pc) =	sbr.rel @p0 .LBB2_6-.Ltmp2, $4  }
0x23d: {  	[sflag:s31] =	ssyncset.done $0x0  }
0x23e: {  	[sflag:s31] =	ssyncadd.s32 $0xFFFFE000  }
0x23f: {  	s10 =	sadd.s32 $0x50, s10;
	_ =	swait.ge [sflag:s0], $0x2000  }
0x240: {  	s19 =	smov.u32 s21;
	s12 =	rddreg [dreg:$0xd];
	[sflag:s0] =	ssyncset.done $0x0  }
0x241: {  	[sflag:s0] =	ssyncadd.s32 $0xFFFFE000;
	s10 =	sadd.s32 s8, s12;
	s12 =	sadd.s32 s8, s19  }
0x242: {  	[tilespmem:s3], [sflag:$0x1] =	stream.linear.gather [hbm4b:s10+s3], $0x80, $0x38;
	[tilespmem:$0x19A40] =	vst v63  }
0x243: {  	s14 =	rddreg [dreg:$0xc];
	s1 =	simm.s32 $0x280;
	s6 =	sadd.s32 $0x9C40, s12  }
0x244: {  	[tilespmem:s1], [sflag:$0x6] =	stream.linear.gather [hbm4b:s6+s3], $0x80, $0x38;
	[tilespmem:$0x19A40] =	vst v63  }
0x245: {  	s9 =	sadd.s32 s8, s14  }
0x246: {  	[tilespmem:s28], [sflag:$0x2] =	stream.linear.gather [hbm4b:s9+s3], $0x80, $0x38;
	[tilespmem:$0x19A40] =	vst v63  }
0x247: {  	s13 =	rddreg [dreg:$0xb];
	s1 =	sadd.s32 $0x9C50, s12;
	s6 =	simm.s32 $0x300  }
0x248: {  	[tilespmem:s6], [sflag:$0x7] =	stream.linear.gather [hbm4b:s1+s3], $0x80, $0x38;
	[tilespmem:$0x19A40] =	vst v63  }
0x249: {  	s9 =	sadd.s32 s8, s13;
	s13 =	simm.s32 $0x100  }
0x24a: {  	[tilespmem:s13], [sflag:$0x3] =	stream.linear.gather [hbm4b:s9+s3], $0x80, $0x38;
	[tilespmem:$0x19A40] =	vst v63  }
0x24b: {  	s14 =	rddreg [dreg:$0xa];
	s6 =	sadd.s32 $0x9C60, s12;
	s9 =	simm.s32 $0x380  }
0x24c: {  	[tilespmem:s9], [sflag:$0x8] =	stream.linear.gather [hbm4b:s6+s3], $0x80, $0x38;
	[tilespmem:$0x19A40] =	vst v63  }
0x24d: {  	s6 =	sadd.s32 s8, s14  }
0x24e: {  	[tilespmem:s5], [sflag:$0x4] =	stream.linear.gather [hbm4b:s6+s3], $0x80, $0x38;
	[tilespmem:$0x19A40] =	vst v63  }
0x24f: {  	s1 =	sadd.s32 $0x9C70, s12;
	s9 =	rddreg [dreg:$0x9];
	s6 =	simm.s32 $0x400  }
0x250: {  	[tilespmem:s6], [sflag:$0x9] =	stream.linear.gather [hbm4b:s1+s3], $0x80, $0x38;
	[tilespmem:$0x19A40] =	vst v63  }
0x251: {  	s10 =	simm.s32 $0x200;
	s9 =	sadd.s32 s8, s9  }
0x252: {  	[tilespmem:s10], [sflag:$0x5] =	stream.linear.gather [hbm4b:s9+s3], $0x80, $0x38;
	[tilespmem:$0x19A40] =	vst v63  }
0x253: {  	s12 =	sadd.s32 $0x9C80, s12;
	s9 =	simm.s32 $0x1  }
0x254: {  	[tilespmem:s16], [sflag:$0xA] =	stream.linear.gather [hbm4b:s12+s3], $0x80, $0x38;
	[tilespmem:$0x19A40] =	vst v63  }
0x255: {  	_ =	swait.ge [sflag:s9], $0x80  }
0x256: {  	[sflag:s9] =	ssyncset.done $0x0  }
0x257: {  	s14 =	simm.s32 $0x2;
	s6 =	simm.s32 $0x500;
	[sflag:s9] =	ssyncadd.s32 $0xFFFFFF80  }
0x258: {  	[tilespmem:s6], [sflag:$0xB] =	stream.indirect.gather [hbm4b:s4+s28], $0x40, s3, s28, $0xb8;
	[tilespmem:$0x19A40] =	vst v63  }
0x259: {  	_ =	swait.ge [sflag:s14], $0x80  }
0x25a: {  	[sflag:s14] =	ssyncset.done $0x0  }
0x25b: {  	s8 =	simm.s32 $0x2500;
	[sflag:s14] =	ssyncadd.s32 $0xFFFFFF80  }
0x25c: {  	[tilespmem:s8], [sflag:$0xC] =	stream.indirect.gather [hbm4b:s4+s28], $0x40, s28, s28, $0xb8;
	[tilespmem:$0x19A40] =	vst v63  }
0x25d: {  	_ =	swait.ge [sflag:s18], $0x80  }
0x25e: {  	[sflag:s18] =	ssyncset.done $0x0  }
0x25f: {  	s13 =	simm.s32 $0x100;
	s10 =	simm.s32 $0x4500;
	[sflag:s18] =	ssyncadd.s32 $0xFFFFFF80  }
0x260: {  	[tilespmem:s10], [sflag:$0xD] =	stream.indirect.gather [hbm4b:s4+s28], $0x40, s13, s28, $0xb8;
	[tilespmem:$0x19A40] =	vst v63  }
0x261: {  	_ =	swait.ge [sflag:s20], $0x80  }
0x262: {  	[sflag:s20] =	ssyncset.done $0x0  }
0x263: {  	s12 =	simm.s32 $0x6500;
	[sflag:s20] =	ssyncadd.s32 $0xFFFFFF80  }
0x264: {  	[tilespmem:s12], [sflag:$0xE] =	stream.indirect.gather [hbm4b:s4+s28], $0x40, s5, s28, $0xb8;
	[tilespmem:$0x19A40] =	vst v63  }
0x265: {  	_ =	swait.ge [sflag:s22], $0x80  }
0x266: {  	[sflag:s22] =	ssyncset.done $0x0  }
0x267: {  	s1 =	simm.s32 $0x200;
	s13 =	simm.s32 $0x8500;
	[sflag:s22] =	ssyncadd.s32 $0xFFFFFF80  }
0x268: {  	[tilespmem:s13], [sflag:$0xF] =	stream.indirect.gather [hbm4b:s4+s28], $0x40, s1, s28, $0xb8;
	[tilespmem:$0x19A40] =	vst v63  }
0x269: {  	_ =	swait.ge [sflag:s7], $0x2000  }
0x26a: {  	[sflag:s7] =	ssyncset.done $0x0  }
0x26b: {  	s6 =	simm.s32 $0x6;
	[sflag:s7] =	ssyncadd.s32 $0xFFFFE000  }
0x26c: {  	_ =	swait.ge [sflag:s6], $0x80  }
0x26d: {  	[sflag:s6] =	ssyncset.done $0x0  }
0x26e: {  	s31 =	simm.s32 $0x500;
	s12 =	simm.s32 $0x280;
	[sflag:s6] =	ssyncadd.s32 $0xFFFFFF80  }
0x26f: {  	[spmem:s2] =	stream.indirect.scatter.add.f32 [tilespmem:s31], [sflag:$0x10], $0x40, s12, s28, $0xb8;
	[tilespmem:$0x19A40] =	vst v63  }
0x270: {  	_ =	swait.ge [sflag:s11], $0x2000  }
0x271: {  	[sflag:s11] =	ssyncset.done $0x0  }
0x272: {  	s31 =	simm.s32 $0x7;
	[sflag:s11] =	ssyncadd.s32 $0xFFFFE000  }
0x273: {  	_ =	swait.ge [sflag:s31], $0x80  }
0x274: {  	[sflag:s31] =	ssyncset.done $0x0  }
0x275: {  	s15 =	simm.s32 $0x300;
	s8 =	simm.s32 $0x2500;
	[sflag:s31] =	ssyncadd.s32 $0xFFFFFF80  }
0x276: {  	[spmem:s2] =	stream.indirect.scatter.add.f32 [tilespmem:s8], [sflag:$0x11], $0x40, s15, s28, $0xb8;
	[tilespmem:$0x19A40] =	vst v63  }
0x277: {  	_ =	swait.ge [sflag:s24], $0x2000  }
0x278: {  	[sflag:s24] =	ssyncset.done $0x0  }
0x279: {  	s15 =	simm.s32 $0x8;
	[sflag:s24] =	ssyncadd.s32 $0xFFFFE000  }
0x27a: {  	_ =	swait.ge [sflag:s15], $0x80  }
0x27b: {  	[sflag:s15] =	ssyncset.done $0x0  }
0x27c: {  	s14 =	simm.s32 $0x4500;
	s13 =	simm.s32 $0x380;
	[sflag:s15] =	ssyncadd.s32 $0xFFFFFF80  }
0x27d: {  	[spmem:s2] =	stream.indirect.scatter.add.f32 [tilespmem:s14], [sflag:$0x12], $0x40, s13, s28, $0xb8;
	[tilespmem:$0x19A40] =	vst v63  }
0x27e: {  	_ =	swait.ge [sflag:s25], $0x2000  }
0x27f: {  	[sflag:s25] =	ssyncset.done $0x0  }
0x280: {  	[sflag:s25] =	ssyncadd.s32 $0xFFFFE000  }
0x281: {  	_ =	swait.ge [sflag:s17], $0x80  }
0x282: {  	[sflag:s17] =	ssyncset.done $0x0  }
0x283: {  	s10 =	simm.s32 $0x6500;
	s14 =	simm.s32 $0x400;
	[sflag:s17] =	ssyncadd.s32 $0xFFFFFF80  }
0x284: {  	[spmem:s2] =	stream.indirect.scatter.add.f32 [tilespmem:s10], [sflag:$0x13], $0x40, s14, s28, $0xb8;
	[tilespmem:$0x19A40] =	vst v63  }
0x285: {  	_ =	swait.ge [sflag:s23], $0x2000  }
0x286: {  	[sflag:s23] =	ssyncset.done $0x0  }
0x287: {  	[sflag:s23] =	ssyncadd.s32 $0xFFFFE000  }
0x288: {  	_ =	swait.ge [sflag:s26], $0x80  }
0x289: {  	[sflag:s26] =	ssyncset.done $0x0  }
0x28a: {  	s1 =	simm.s32 $0x8500;
	[sflag:s26] =	ssyncadd.s32 $0xFFFFFF80  }
0x28b: {  	[spmem:s2] =	stream.indirect.scatter.add.f32 [tilespmem:s1], [sflag:$0x14], $0x40, s16, s28, $0xb8;
	[tilespmem:$0x19A40] =	vst v63  }
0x28c: {  	_ =	swait.ge [sflag:s29], $0x2000  }
0x28d: {  	[sflag:s29] =	ssyncset.done $0x0  }
0x28e: {  	[sflag:s29] =	ssyncadd.s32 $0xFFFFE000  }
0x28f: {  	_ =	swait.ge [sflag:s30], $0x2000  }
0x290: {  	[sflag:s30] =	ssyncset.done $0x0  }
0x291: {  	s15 =	simm.s32 $0x12;
	[sflag:s30] =	ssyncadd.s32 $0xFFFFE000  }
0x292: {  	_ =	swait.ge [sflag:s15], $0x2000  }
0x293: {  	[sflag:s15] =	ssyncset.done $0x0  }
0x294: {  	[sflag:s15] =	ssyncadd.s32 $0xFFFFE000;
	s15 =	simm.s32 $0x13  }
0x295: {  	_ =	swait.ge [sflag:s15], $0x2000  }
0x296: {  	[sflag:s15] =	ssyncset.done $0x0  }
0x297: {  	[sflag:s15] =	ssyncadd.s32 $0xFFFFE000  }
0x298: {  	_ =	swait.ge [sflag:s0], $0x2000  }
0x299: {  	[sflag:s0] =	ssyncset.done $0x0  }
0x29a: {  	s8 =	simm.s32 $0x0;
	s1 =	rddreg [dreg:$0x1a];
	[sflag:s0] =	ssyncadd.s32 $0xFFFFE000  }
0x29b: {  	[tilespmem:s8], [sflag:$0x1] =	stream.linear.gather [hbm4b:s1+s8], $0x80, $0x38;
	[tilespmem:$0x19A40] =	vst v63  }
0x29c: {  	s13 =	rddreg [dreg:$0x1b]  }
0x29d: {  	[tilespmem:s12], [sflag:$0x6] =	stream.linear.gather [hbm4b:s13+s8], $0x80, $0x38;
	[tilespmem:$0x19A40] =	vst v63  }
0x29e: {  	s14 =	rddreg [dreg:$0x1c];
	s12 =	simm.s32 $0xAD00  }
0x29f: {  	[tilespmem:s12], [sflag:$0x5] =	stream.linear.gather [hbm4b:s14+s8], $0x20, $0x38;
	[tilespmem:$0x19A40] =	vst v63  }
0x2a0: {  	s1 =	rddreg [dreg:$0x1d];
	s14 =	simm.s32 $0xAD20  }
0x2a1: {  	[tilespmem:s14], [sflag:$0xA] =	stream.linear.gather [hbm4b:s1+s8], $0x20, $0x38;
	[tilespmem:$0x19A40] =	vst v63  }
0x2a2: {  	_ =	swait.ge [sflag:s9], $0x80  }
0x2a3: {  	[sflag:s9] =	ssyncset.done $0x0  }
0x2a4: {  	s1 =	simm.s32 $0x500;
	[sflag:s9] =	ssyncadd.s32 $0xFFFFFF80  }
0x2a5: {  	[tilespmem:s1], [sflag:$0xB] =	stream.indirect.gather [hbm4b:s4+s28], $0x40, s8, s28, $0xb8;
	[tilespmem:$0x19A40] =	vst v63  }
0x2a6: {  	_ =	swait.ge [sflag:s22], $0x20  }
0x2a7: {  	[sflag:s22] =	ssyncset.done $0x0  }
0x2a8: {  	s10 =	simm.s32 $0xA500;
	s8 =	simm.s32 $0x20;
	[sflag:s22] =	ssyncadd.s32 $0xFFFFFFE0  }
0x2a9: {  	[tilespmem:s10], [sflag:$0xF] =	stream.indirect.gather [hbm4b:s4+s8], $0x40, s12, s8, $0xb8;
	[tilespmem:$0x19A40] =	vst v63  }
0x2aa: {  	_ =	swait.ge [sflag:s7], $0x2000  }
0x2ab: {  	[sflag:s7] =	ssyncset.done $0x0  }
0x2ac: {  	[sflag:s7] =	ssyncadd.s32 $0xFFFFE000  }
0x2ad: {  	_ =	swait.ge [sflag:s6], $0x80  }
0x2ae: {  	[sflag:s6] =	ssyncset.done $0x0  }
0x2af: {  	s13 =	simm.s32 $0x280;
	[sflag:s6] =	ssyncadd.s32 $0xFFFFFF80  }
0x2b0: {  	[spmem:s2] =	stream.indirect.scatter.add.f32 [tilespmem:s1], [sflag:$0x10], $0x40, s13, s28, $0xb8;
	[tilespmem:$0x19A40] =	vst v63  }
0x2b1: {  	_ =	swait.ge [sflag:s23], $0x800  }
0x2b2: {  	[sflag:s23] =	ssyncset.done $0x0  }
0x2b3: {  	[sflag:s23] =	ssyncadd.s32 $0xFFFFF800  }
0x2b4: {  	_ =	swait.ge [sflag:s26], $0x20  }
0x2b5: {  	[sflag:s26] =	ssyncset.done $0x0  }
0x2b6: {  	[sflag:s26] =	ssyncadd.s32 $0xFFFFFFE0  }
0x2b7: {  	[spmem:s2] =	stream.indirect.scatter.add.f32 [tilespmem:s10], [sflag:$0x11], $0x40, s14, s8, $0xb8;
	[tilespmem:$0x19A40] =	vst v63  }
0x2b8: {  	_ =	swait.ge [sflag:s29], $0x2000  }
0x2b9: {  	[sflag:s29] =	ssyncset.done $0x0  }
0x2ba: {  	[sflag:s29] =	ssyncadd.s32 $0xFFFFE000  }
0x2bb: {  	_ =	swait.ge [sflag:s30], $0x800  }
0x2bc: {  	[sflag:s30] =	ssyncset.done $0x0  }
0x2bd: {  	[sflag:s30] =	ssyncadd.s32 $0xFFFFF800  }
0x2be: {  	[bflag:$0x0] =	sbarrier.arrive $0xFFFF  }
0x2bf: {  	s14 =	sld [smem:$0x7F6]  }
0x2c0: {  	s1 =	sld [smem:$0x7F7];
	_ =	sdelay $0x1  }
0x2c1: {  	s12 =	rddreg [dreg:$0x1e]  }
0x2c2: {  	[hbm:s12], [sflag:s14] =	dma.local [spmem:s1], $0x13C0  }
0x2c3: {  	s12 =	simm.s32 $0x15  }
0x2c4: {  	_ =	swait.ge [sflag:s12], $0x13C0  }
0x2c5: {  	[sflag:s12] =	ssyncset.done $0x0  }
0x2c6: {  	s14 =	simm.s32 $0xAD40;
	s10 =	rddreg [dreg:$0x13];
	[sflag:s12] =	ssyncadd.s32 $0xFFFFEC40  }
0x2c7: {  	[spmem:s10] =	stream.linear.scatter [tilespmem:s14], [sflag:$0x15], $0x4F00, $0x38;
	[tilespmem:$0x19A40] =	vst v63  }
0x2c8: {  	_ =	swait.ge [sflag:s12], $0x4F00  }
0x2c9: {  	[sflag:s12] =	ssyncset.done $0x0  }
0x2ca: {  	s1 =	rddreg [dreg:$0x14];
	[sflag:s12] =	ssyncadd.s32 $0xFFFFB100  }
0x2cb: {  	[spmem:s1] =	stream.linear.scatter [tilespmem:s14], [sflag:$0x15], $0x4F00, $0x38;
	[tilespmem:$0x19A40] =	vst v63  }
0x2cc: {  	_ =	swait.ge [sflag:s12], $0x4F00  }
0x2cd: {  	[sflag:s12] =	ssyncset.done $0x0  }
0x2ce: {  	[sflag:s12] =	ssyncadd.s32 $0xFFFFB100  }
0x2cf: {  	[bflag:$0x0] =	sbarrier.arrive $0xFFFF  }
0x2d0: {  	s12 =	rddreg [dreg:$0x12]  }
0x2d1: {  	s10 =	sadd.s32 $0x0, s19;
	s8 =	sadd.s32 $0x0, s12  }
0x2d2: {  	[tilespmem:s3], [sflag:$0x1] =	stream.linear.gather [hbm4b:s8+s3], $0x80, $0x38;
	[tilespmem:$0x19A40] =	vst v63  }
0x2d3: {  	s13 =	simm.s32 $0x280;
	s1 =	sadd.s32 $0x13880, s10;
	s14 =	rddreg [dreg:$0x11]  }
0x2d4: {  	[tilespmem:s13], [sflag:$0x6] =	stream.linear.gather [hbm4b:s1+s3], $0x80, $0x38;
	[tilespmem:$0x19A40] =	vst v63  }
0x2d5: {  	s14 =	sadd.s32 $0x0, s14  }
0x2d6: {  	[tilespmem:s28], [sflag:$0x2] =	stream.linear.gather [hbm4b:s14+s3], $0x80, $0x38;
	[tilespmem:$0x19A40] =	vst v63  }
0x2d7: {  	s12 =	rddreg [dreg:$0x10];
	s1 =	sadd.s32 $0x13890, s10;
	s14 =	simm.s32 $0x300  }
0x2d8: {  	[tilespmem:s14], [sflag:$0x7] =	stream.linear.gather [hbm4b:s1+s3], $0x80, $0x38;
	[tilespmem:$0x19A40] =	vst v63  }
0x2d9: {  	s14 =	sadd.s32 $0x0, s12;
	s1 =	simm.s32 $0x100  }
0x2da: {  	[tilespmem:s1], [sflag:$0x3] =	stream.linear.gather [hbm4b:s14+s3], $0x80, $0x38;
	[tilespmem:$0x19A40] =	vst v63  }
0x2db: {  	s8 =	sadd.s32 $0x138A0, s10;
	s12 =	rddreg [dreg:$0xf];
	s14 =	simm.s32 $0x380  }
0x2dc: {  	[tilespmem:s14], [sflag:$0x8] =	stream.linear.gather [hbm4b:s8+s3], $0x80, $0x38;
	[tilespmem:$0x19A40] =	vst v63  }
0x2dd: {  	s14 =	sadd.s32 $0x0, s12  }
0x2de: {  	[tilespmem:s5], [sflag:$0x4] =	stream.linear.gather [hbm4b:s14+s3], $0x80, $0x38;
	[tilespmem:$0x19A40] =	vst v63  }
0x2df: {  	s12 =	rddreg [dreg:$0xe];
	s8 =	sadd.s32 $0x138B0, s10;
	s14 =	simm.s32 $0x400  }
0x2e0: {  	[tilespmem:s14], [sflag:$0x9] =	stream.linear.gather [hbm4b:s8+s3], $0x80, $0x38;
	[tilespmem:$0x19A40] =	vst v63  }
0x2e1: {  	s14 =	sadd.s32 $0x0, s12;
	s12 =	simm.s32 $0x200  }
0x2e2: {  	[tilespmem:s12], [sflag:$0x5] =	stream.linear.gather [hbm4b:s14+s3], $0x80, $0x38;
	[tilespmem:$0x19A40] =	vst v63  }
0x2e3: {  	s14 =	sadd.s32 $0x138C0, s10  }
0x2e4: {  	[tilespmem:s16], [sflag:$0xA] =	stream.linear.gather [hbm4b:s14+s3], $0x80, $0x38;
	[tilespmem:$0x19A40] =	vst v63  }
0x2e5: {  	_ =	swait.ge [sflag:s9], $0x80  }
0x2e6: {  	[sflag:s9] =	ssyncset.done $0x0  }
0x2e7: {  	s10 =	simm.s32 $0x2;
	s14 =	simm.s32 $0x500;
	[sflag:s9] =	ssyncadd.s32 $0xFFFFFF80  }
0x2e8: {  	[tilespmem:s14], [sflag:$0xB] =	stream.indirect.gather [hbm4b:s4+s28], $0x40, s3, s28, $0xb8;
	[tilespmem:$0x19A40] =	vst v63  }
0x2e9: {  	_ =	swait.ge [sflag:s10], $0x80  }
0x2ea: {  	[sflag:s10] =	ssyncset.done $0x0  }
0x2eb: {  	s8 =	simm.s32 $0x2500;
	[sflag:s10] =	ssyncadd.s32 $0xFFFFFF80  }
0x2ec: {  	[tilespmem:s8], [sflag:$0xC] =	stream.indirect.gather [hbm4b:s4+s28], $0x40, s28, s28, $0xb8;
	[tilespmem:$0x19A40] =	vst v63  }
0x2ed: {  	_ =	swait.ge [sflag:s18], $0x80  }
0x2ee: {  	[sflag:s18] =	ssyncset.done $0x0  }
0x2ef: {  	s10 =	simm.s32 $0x4500;
	[sflag:s18] =	ssyncadd.s32 $0xFFFFFF80  }
0x2f0: {  	[tilespmem:s10], [sflag:$0xD] =	stream.indirect.gather [hbm4b:s4+s28], $0x40, s1, s28, $0xb8;
	[tilespmem:$0x19A40] =	vst v63  }
0x2f1: {  	_ =	swait.ge [sflag:s20], $0x80  }
0x2f2: {  	[sflag:s20] =	ssyncset.done $0x0  }
0x2f3: {  	s9 =	simm.s32 $0x6500;
	[sflag:s20] =	ssyncadd.s32 $0xFFFFFF80  }
0x2f4: {  	[tilespmem:s9], [sflag:$0xE] =	stream.indirect.gather [hbm4b:s4+s28], $0x40, s5, s28, $0xb8;
	[tilespmem:$0x19A40] =	vst v63  }
0x2f5: {  	_ =	swait.ge [sflag:s22], $0x80  }
0x2f6: {  	[sflag:s22] =	ssyncset.done $0x0  }
0x2f7: {  	s1 =	simm.s32 $0x8500;
	[sflag:s22] =	ssyncadd.s32 $0xFFFFFF80  }
0x2f8: {  	[tilespmem:s1], [sflag:$0xF] =	stream.indirect.gather [hbm4b:s4+s28], $0x40, s12, s28, $0xb8;
	[tilespmem:$0x19A40] =	vst v63  }
0x2f9: {  	_ =	swait.ge [sflag:s7], $0x2000  }
0x2fa: {  	[sflag:s7] =	ssyncset.done $0x0  }
0x2fb: {  	[sflag:s7] =	ssyncadd.s32 $0xFFFFE000  }
0x2fc: {  	_ =	swait.ge [sflag:s6], $0x80  }
0x2fd: {  	[sflag:s6] =	ssyncset.done $0x0  }
0x2fe: {  	[sflag:s6] =	ssyncadd.s32 $0xFFFFFF80  }
0x2ff: {  	[spmem:s2] =	stream.indirect.scatter.add.f32 [tilespmem:s14], [sflag:$0x10], $0x40, s13, s28, $0xb8;
	[tilespmem:$0x19A40] =	vst v63  }
0x300: {  	_ =	swait.ge [sflag:s11], $0x2000  }
0x301: {  	[sflag:s11] =	ssyncset.done $0x0  }
0x302: {  	[sflag:s11] =	ssyncadd.s32 $0xFFFFE000  }
0x303: {  	_ =	swait.ge [sflag:s31], $0x80  }
0x304: {  	[sflag:s31] =	ssyncset.done $0x0  }
0x305: {  	s12 =	simm.s32 $0x300;
	[sflag:s31] =	ssyncadd.s32 $0xFFFFFF80  }
0x306: {  	[spmem:s2] =	stream.indirect.scatter.add.f32 [tilespmem:s8], [sflag:$0x11], $0x40, s12, s28, $0xb8;
	[tilespmem:$0x19A40] =	vst v63  }
0x307: {  	_ =	swait.ge [sflag:s24], $0x2000  }
0x308: {  	[sflag:s24] =	ssyncset.done $0x0  }
0x309: {  	s13 =	simm.s32 $0x8;
	[sflag:s24] =	ssyncadd.s32 $0xFFFFE000  }
0x30a: {  	_ =	swait.ge [sflag:s13], $0x80  }
0x30b: {  	[sflag:s13] =	ssyncset.done $0x0  }
0x30c: {  	s14 =	simm.s32 $0x380;
	[sflag:s13] =	ssyncadd.s32 $0xFFFFFF80  }
0x30d: {  	[spmem:s2] =	stream.indirect.scatter.add.f32 [tilespmem:s10], [sflag:$0x12], $0x40, s14, s28, $0xb8;
	[tilespmem:$0x19A40] =	vst v63  }
0x30e: {  	_ =	swait.ge [sflag:s25], $0x2000  }
0x30f: {  	[sflag:s25] =	ssyncset.done $0x0  }
0x310: {  	[sflag:s25] =	ssyncadd.s32 $0xFFFFE000  }
0x311: {  	_ =	swait.ge [sflag:s17], $0x80  }
0x312: {  	[sflag:s17] =	ssyncset.done $0x0  }
0x313: {  	s22 =	simm.s32 $0x400;
	[sflag:s17] =	ssyncadd.s32 $0xFFFFFF80  }
0x314: {  	[spmem:s2] =	stream.indirect.scatter.add.f32 [tilespmem:s9], [sflag:$0x13], $0x40, s22, s28, $0xb8;
	[tilespmem:$0x19A40] =	vst v63  }
0x315: {  	_ =	swait.ge [sflag:s23], $0x2000  }
0x316: {  	[sflag:s23] =	ssyncset.done $0x0  }
0x317: {  	[sflag:s23] =	ssyncadd.s32 $0xFFFFE000  }
0x318: {  	_ =	swait.ge [sflag:s26], $0x80  }
0x319: {  	[sflag:s26] =	ssyncset.done $0x0  }
0x31a: {  	[sflag:s26] =	ssyncadd.s32 $0xFFFFFF80  }
0x31b: {  	[spmem:s2] =	stream.indirect.scatter.add.f32 [tilespmem:s1], [sflag:$0x14], $0x40, s16, s28, $0xb8;
	[tilespmem:$0x19A40] =	vst v63  }
0x31c: {  	_ =	swait.ge [sflag:s29], $0x2000  }
0x31d: {  	[sflag:s29] =	ssyncset.done $0x0  }
0x31e: {  	[sflag:s29] =	ssyncadd.s32 $0xFFFFE000  }
0x31f: {  	_ =	swait.ge [sflag:s30], $0x2000  }
0x320: {  	[sflag:s30] =	ssyncset.done $0x0  }
0x321: {  	s26 =	simm.s32 $0x12;
	[sflag:s30] =	ssyncadd.s32 $0xFFFFE000  }
0x322: {  	_ =	swait.ge [sflag:s26], $0x2000  }
0x323: {  	[sflag:s26] =	ssyncset.done $0x0  }
0x324: {  	[sflag:s26] =	ssyncadd.s32 $0xFFFFE000  }
0x325: {  	s31 =	simm.s32 $0x10;
	s8 =	simm.s32 $0x50;
	_ =	swait.ge [sflag:s15], $0x2000  }
0x326: {  	s13 =	simm.s32 $0x14;
	s10 =	simm.s32 $0xA0;
	[sflag:s15] =	ssyncset.done $0x0  }
0x327: {  	s1 =	simm.s32 $0x11;
	s29 =	simm.s32 $0xA;
	[sflag:s15] =	ssyncadd.s32 $0xFFFFE000  }
0x328: {  	s30 =	simm.s32 $0x12;
	s26 =	simm.s32 $0xF;
	_ =	swait.ge [sflag:s0], $0x2000  }
0x329: {  	s12 =	rddreg [dreg:$0x12];
	[sflag:s0] =	ssyncset.done $0x0;
	s0 =	simm.s32 $0x13  }
.LBB2_8:
0x32a: {  	[sflag:s13] =	ssyncadd.s32 $0xFFFFE000;
	s12 =	sadd.s32 s8, s12;
	s16 =	sadd.s32 s8, s19  }
0x32b: {  	[tilespmem:s3], [sflag:$0x1] =	stream.linear.gather [hbm4b:s12+s3], $0x80, $0x38;
	[tilespmem:$0x19A40] =	vst v63  }
0x32c: {  	s6 =	rddreg [dreg:$0x11];
	s11 =	simm.s32 $0x280;
	s7 =	sadd.s32 $0x13880, s16  }
0x32d: {  	[tilespmem:s11], [sflag:$0x6] =	stream.linear.gather [hbm4b:s7+s3], $0x80, $0x38;
	[tilespmem:$0x19A40] =	vst v63  }
0x32e: {  	s9 =	sadd.s32 s8, s6  }
0x32f: {  	[tilespmem:s28], [sflag:$0x2] =	stream.linear.gather [hbm4b:s9+s3], $0x80, $0x38;
	[tilespmem:$0x19A40] =	vst v63  }
0x330: {  	s15 =	rddreg [dreg:$0x10];
	s17 =	simm.s32 $0x300;
	s22 =	sadd.s32 $0x13890, s16  }
0x331: {  	[tilespmem:s17], [sflag:$0x7] =	stream.linear.gather [hbm4b:s22+s3], $0x80, $0x38;
	[tilespmem:$0x19A40] =	vst v63  }
0x332: {  	s23 =	sadd.s32 s8, s15;
	s7 =	simm.s32 $0x100  }
0x333: {  	[tilespmem:s7], [sflag:$0x3] =	stream.linear.gather [hbm4b:s23+s3], $0x80, $0x38;
	[tilespmem:$0x19A40] =	vst v63  }
0x334: {  	s6 =	rddreg [dreg:$0xf];
	s15 =	simm.s32 $0x380;
	s9 =	sadd.s32 $0x138A0, s16  }
0x335: {  	[tilespmem:s15], [sflag:$0x8] =	stream.linear.gather [hbm4b:s9+s3], $0x80, $0x38;
	[tilespmem:$0x19A40] =	vst v63  }
0x336: {  	s19 =	sadd.s32 s8, s6  }
0x337: {  	[tilespmem:s5], [sflag:$0x4] =	stream.linear.gather [hbm4b:s19+s3], $0x80, $0x38;
	[tilespmem:$0x19A40] =	vst v63  }
0x338: {  	s6 =	sadd.s32 $0x138B0, s16;
	s22 =	rddreg [dreg:$0xe];
	s23 =	simm.s32 $0x400  }
0x339: {  	[tilespmem:s23], [sflag:$0x9] =	stream.linear.gather [hbm4b:s6+s3], $0x80, $0x38;
	[tilespmem:$0x19A40] =	vst v63  }
0x33a: {  	s9 =	sadd.s32 s8, s22;
	s6 =	simm.s32 $0x200  }
0x33b: {  	[tilespmem:s6], [sflag:$0x5] =	stream.linear.gather [hbm4b:s9+s3], $0x80, $0x38;
	[tilespmem:$0x19A40] =	vst v63  }
0x33c: {  	s22 =	sadd.s32 $0x138C0, s16;
	s16 =	simm.s32 $0x480;
	s5 =	simm.s32 $0x1  }
0x33d: {  	[tilespmem:s16], [sflag:$0xA] =	stream.linear.gather [hbm4b:s22+s3], $0x80, $0x38;
	[tilespmem:$0x19A40] =	vst v63  }
0x33e: {  	_ =	swait.ge [sflag:s5], $0x80  }
0x33f: {  	[sflag:s5] =	ssyncset.done $0x0  }
0x340: {  	s12 =	simm.s32 $0x500;
	s9 =	simm.s32 $0x2;
	[sflag:s5] =	ssyncadd.s32 $0xFFFFFF80  }
0x341: {  	[tilespmem:s12], [sflag:$0xB] =	stream.indirect.gather [hbm4b:s4+s28], $0x40, s3, s28, $0xb8;
	[tilespmem:$0x19A40] =	vst v63  }
0x342: {  	_ =	swait.ge [sflag:s9], $0x80  }
0x343: {  	[sflag:s9] =	ssyncset.done $0x0  }
0x344: {  	s5 =	simm.s32 $0x2500;
	[sflag:s9] =	ssyncadd.s32 $0xFFFFFF80  }
0x345: {  	[tilespmem:s5], [sflag:$0xC] =	stream.indirect.gather [hbm4b:s4+s28], $0x40, s28, s28, $0xb8;
	[tilespmem:$0x19A40] =	vst v63  }
0x346: {  	_ =	swait.ge [sflag:s18], $0x80  }
0x347: {  	[sflag:s18] =	ssyncset.done $0x0  }
0x348: {  	s22 =	simm.s32 $0x4500;
	[sflag:s18] =	ssyncadd.s32 $0xFFFFFF80  }
0x349: {  	[tilespmem:s22], [sflag:$0xD] =	stream.indirect.gather [hbm4b:s4+s28], $0x40, s7, s28, $0xb8;
	[tilespmem:$0x19A40] =	vst v63  }
0x34a: {  	s14 =	smov.u32 s10;
	_ =	swait.ge [sflag:s20], $0x80  }
0x34b: {  	s8 =	smov.u32 s14;
	s14 =	simm.s32 $0x5;
	[sflag:s20] =	ssyncset.done $0x0  }
0x34c: {  	s9 =	simm.s32 $0x180;
	s7 =	simm.s32 $0x6500;
	[sflag:s20] =	ssyncadd.s32 $0xFFFFFF80  }
0x34d: {  	[tilespmem:s7], [sflag:$0xE] =	stream.indirect.gather [hbm4b:s4+s28], $0x40, s9, s28, $0xb8;
	[tilespmem:$0x19A40] =	vst v63  }
0x34e: {  	_ =	swait.ge [sflag:s14], $0x80  }
0x34f: {  	[sflag:s14] =	ssyncset.done $0x0  }
0x350: {  	[sflag:s14] =	ssyncadd.s32 $0xFFFFFF80;
	s14 =	simm.s32 $0x8500  }
0x351: {  	[tilespmem:s14], [sflag:$0xF] =	stream.indirect.gather [hbm4b:s4+s28], $0x40, s6, s28, $0xb8;
	[tilespmem:$0x19A40] =	vst v63  }
0x352: {  	s6 =	simm.s32 $0xB  }
0x353: {  	_ =	swait.ge [sflag:s6], $0x2000  }
0x354: {  	[sflag:s6] =	ssyncset.done $0x0  }
0x355: {  	s9 =	simm.s32 $0x6;
	[sflag:s6] =	ssyncadd.s32 $0xFFFFE000  }
0x356: {  	_ =	swait.ge [sflag:s9], $0x80  }
0x357: {  	[sflag:s9] =	ssyncset.done $0x0  }
0x358: {  	[sflag:s9] =	ssyncadd.s32 $0xFFFFFF80  }
0x359: {  	[spmem:s2] =	stream.indirect.scatter.add.f32 [tilespmem:s12], [sflag:$0x10], $0x40, s11, s28, $0xb8;
	[tilespmem:$0x19A40] =	vst v63  }
0x35a: {  	s11 =	simm.s32 $0xC  }
0x35b: {  	_ =	swait.ge [sflag:s11], $0x2000  }
0x35c: {  	[sflag:s11] =	ssyncset.done $0x0  }
0x35d: {  	s12 =	simm.s32 $0x7;
	[sflag:s11] =	ssyncadd.s32 $0xFFFFE000  }
0x35e: {  	_ =	swait.ge [sflag:s12], $0x80  }
0x35f: {  	[sflag:s12] =	ssyncset.done $0x0  }
0x360: {  	[sflag:s12] =	ssyncadd.s32 $0xFFFFFF80  }
0x361: {  	[spmem:s2] =	stream.indirect.scatter.add.f32 [tilespmem:s5], [sflag:$0x11], $0x40, s17, s28, $0xb8;
	[tilespmem:$0x19A40] =	vst v63  }
0x362: {  	_ =	swait.ge [sflag:s24], $0x2000  }
0x363: {  	[sflag:s24] =	ssyncset.done $0x0  }
0x364: {  	s17 =	simm.s32 $0x8;
	[sflag:s24] =	ssyncadd.s32 $0xFFFFE000  }
0x365: {  	_ =	swait.ge [sflag:s17], $0x80  }
0x366: {  	[sflag:s17] =	ssyncset.done $0x0  }
0x367: {  	[sflag:s17] =	ssyncadd.s32 $0xFFFFFF80  }
0x368: {  	[spmem:s2] =	stream.indirect.scatter.add.f32 [tilespmem:s22], [sflag:$0x12], $0x40, s15, s28, $0xb8;
	[tilespmem:$0x19A40] =	vst v63  }
0x369: {  	_ =	swait.ge [sflag:s25], $0x2000  }
0x36a: {  	[sflag:s25] =	ssyncset.done $0x0  }
0x36b: {  	s22 =	simm.s32 $0x9;
	[sflag:s25] =	ssyncadd.s32 $0xFFFFE000  }
0x36c: {  	_ =	swait.ge [sflag:s22], $0x80  }
0x36d: {  	[sflag:s22] =	ssyncset.done $0x0  }
0x36e: {  	[sflag:s22] =	ssyncadd.s32 $0xFFFFFF80  }
0x36f: {  	[spmem:s2] =	stream.indirect.scatter.add.f32 [tilespmem:s7], [sflag:$0x13], $0x40, s23, s28, $0xb8;
	[tilespmem:$0x19A40] =	vst v63  }
0x370: {  	_ =	swait.ge [sflag:s26], $0x2000  }
0x371: {  	[sflag:s26] =	ssyncset.done $0x0  }
0x372: {  	[sflag:s26] =	ssyncadd.s32 $0xFFFFE000  }
0x373: {  	_ =	swait.ge [sflag:s29], $0x80  }
0x374: {  	[sflag:s29] =	ssyncset.done $0x0  }
0x375: {  	[sflag:s29] =	ssyncadd.s32 $0xFFFFFF80  }
0x376: {  	[spmem:s2] =	stream.indirect.scatter.add.f32 [tilespmem:s14], [sflag:$0x14], $0x40, s16, s28, $0xb8;
	[tilespmem:$0x19A40] =	vst v63  }
0x377: {  	_ =	swait.ge [sflag:s31], $0x2000  }
0x378: {  	[sflag:s31] =	ssyncset.done $0x0  }
0x379: {  	[sflag:s31] =	ssyncadd.s32 $0xFFFFE000  }
0x37a: {  	_ =	swait.ge [sflag:s1], $0x2000  }
0x37b: {  	[sflag:s1] =	ssyncset.done $0x0  }
0x37c: {  	[sflag:s1] =	ssyncadd.s32 $0xFFFFE000  }
0x37d: {  	_ =	swait.ge [sflag:s30], $0x2000  }
0x37e: {  	[sflag:s30] =	ssyncset.done $0x0  }
0x37f: {  	p0 =	sne.s32 s10, $0x960;
	[sflag:s30] =	ssyncadd.s32 $0xFFFFE000  }
.Ltmp3:
0x380: {  	_ =	swait.ge [sflag:s0], $0x2000;
	(pc) =	sbr.rel @p0 .LBB2_8-.Ltmp3, $4  }
0x381: {  	[sflag:s0] =	ssyncset.done $0x0  }
0x382: {  	[sflag:s0] =	ssyncadd.s32 $0xFFFFE000  }
0x383: {  	s10 =	sadd.s32 $0x50, s10;
	s19 =	smov.u32 s21;
	_ =	swait.ge [sflag:s13], $0x2000  }
0x384: {  	s5 =	simm.s32 $0x180;
	s12 =	rddreg [dreg:$0x12];
	[sflag:s13] =	ssyncset.done $0x0  }
0x385: {  	[sflag:s13] =	ssyncadd.s32 $0xFFFFE000;
	s10 =	sadd.s32 s8, s12;
	s12 =	sadd.s32 s8, s19  }
0x386: {  	[tilespmem:s3], [sflag:$0x1] =	stream.linear.gather [hbm4b:s10+s3], $0x80, $0x38;
	[tilespmem:$0x19A40] =	vst v63  }
0x387: {  	s14 =	rddreg [dreg:$0x11];
	s6 =	simm.s32 $0x280;
	s7 =	sadd.s32 $0x13880, s12  }
0x388: {  	[tilespmem:s6], [sflag:$0x6] =	stream.linear.gather [hbm4b:s7+s3], $0x80, $0x38;
	[tilespmem:$0x19A40] =	vst v63  }
0x389: {  	s14 =	sadd.s32 s8, s14  }
0x38a: {  	[tilespmem:s28], [sflag:$0x2] =	stream.linear.gather [hbm4b:s14+s3], $0x80, $0x38;
	[tilespmem:$0x19A40] =	vst v63  }
0x38b: {  	s15 =	rddreg [dreg:$0x10];
	s17 =	simm.s32 $0x300;
	s21 =	sadd.s32 $0x13890, s12  }
0x38c: {  	[tilespmem:s17], [sflag:$0x7] =	stream.linear.gather [hbm4b:s21+s3], $0x80, $0x38;
	[tilespmem:$0x19A40] =	vst v63  }
0x38d: {  	s22 =	sadd.s32 s8, s15;
	s7 =	simm.s32 $0x100  }
0x38e: {  	[tilespmem:s7], [sflag:$0x3] =	stream.linear.gather [hbm4b:s22+s3], $0x80, $0x38;
	[tilespmem:$0x19A40] =	vst v63  }
0x38f: {  	s23 =	rddreg [dreg:$0xf];
	s6 =	sadd.s32 $0x138A0, s12;
	s22 =	simm.s32 $0x380  }
0x390: {  	[tilespmem:s22], [sflag:$0x8] =	stream.linear.gather [hbm4b:s6+s3], $0x80, $0x38;
	[tilespmem:$0x19A40] =	vst v63  }
0x391: {  	s14 =	sadd.s32 s8, s23  }
0x392: {  	[tilespmem:s5], [sflag:$0x4] =	stream.linear.gather [hbm4b:s14+s3], $0x80, $0x38;
	[tilespmem:$0x19A40] =	vst v63  }
0x393: {  	s15 =	rddreg [dreg:$0xe];
	s23 =	simm.s32 $0x400;
	s21 =	sadd.s32 $0x138B0, s12  }
0x394: {  	[tilespmem:s23], [sflag:$0x9] =	stream.linear.gather [hbm4b:s21+s3], $0x80, $0x38;
	[tilespmem:$0x19A40] =	vst v63  }
0x395: {  	s6 =	simm.s32 $0x200;
	s5 =	sadd.s32 s8, s15  }
0x396: {  	[tilespmem:s6], [sflag:$0x5] =	stream.linear.gather [hbm4b:s5+s3], $0x80, $0x38;
	[tilespmem:$0x19A40] =	vst v63  }
0x397: {  	s10 =	sadd.s32 $0x138C0, s12;
	s14 =	simm.s32 $0x1  }
0x398: {  	[tilespmem:s16], [sflag:$0xA] =	stream.linear.gather [hbm4b:s10+s3], $0x80, $0x38;
	[tilespmem:$0x19A40] =	vst v63  }
0x399: {  	_ =	swait.ge [sflag:s14], $0x80  }
0x39a: {  	[sflag:s14] =	ssyncset.done $0x0  }
0x39b: {  	s12 =	simm.s32 $0x2;
	s21 =	simm.s32 $0x500;
	[sflag:s14] =	ssyncadd.s32 $0xFFFFFF80  }
0x39c: {  	[tilespmem:s21], [sflag:$0xB] =	stream.indirect.gather [hbm4b:s4+s28], $0x40, s3, s28, $0xb8;
	[tilespmem:$0x19A40] =	vst v63  }
0x39d: {  	_ =	swait.ge [sflag:s12], $0x80  }
0x39e: {  	[sflag:s12] =	ssyncset.done $0x0  }
0x39f: {  	s5 =	simm.s32 $0x2500;
	[sflag:s12] =	ssyncadd.s32 $0xFFFFFF80  }
0x3a0: {  	[tilespmem:s5], [sflag:$0xC] =	stream.indirect.gather [hbm4b:s4+s28], $0x40, s28, s28, $0xb8;
	[tilespmem:$0x19A40] =	vst v63  }
0x3a1: {  	_ =	swait.ge [sflag:s18], $0x80  }
0x3a2: {  	[sflag:s18] =	ssyncset.done $0x0  }
0x3a3: {  	s10 =	simm.s32 $0x4500;
	[sflag:s18] =	ssyncadd.s32 $0xFFFFFF80  }
0x3a4: {  	[tilespmem:s10], [sflag:$0xD] =	stream.indirect.gather [hbm4b:s4+s28], $0x40, s7, s28, $0xb8;
	[tilespmem:$0x19A40] =	vst v63  }
0x3a5: {  	_ =	swait.ge [sflag:s20], $0x80  }
0x3a6: {  	s15 =	simm.s32 $0x180;
	[sflag:s20] =	ssyncset.done $0x0  }
0x3a7: {  	s18 =	simm.s32 $0x5;
	s7 =	simm.s32 $0x6500;
	[sflag:s20] =	ssyncadd.s32 $0xFFFFFF80  }
0x3a8: {  	[tilespmem:s7], [sflag:$0xE] =	stream.indirect.gather [hbm4b:s4+s28], $0x40, s15, s28, $0xb8;
	[tilespmem:$0x19A40] =	vst v63  }
0x3a9: {  	_ =	swait.ge [sflag:s18], $0x80  }
0x3aa: {  	[sflag:s18] =	ssyncset.done $0x0  }
0x3ab: {  	s8 =	simm.s32 $0x8500;
	s15 =	simm.s32 $0xB;
	[sflag:s18] =	ssyncadd.s32 $0xFFFFFF80  }
0x3ac: {  	[tilespmem:s8], [sflag:$0xF] =	stream.indirect.gather [hbm4b:s4+s28], $0x40, s6, s28, $0xb8;
	[tilespmem:$0x19A40] =	vst v63  }
0x3ad: {  	_ =	swait.ge [sflag:s15], $0x2000  }
0x3ae: {  	[sflag:s15] =	ssyncset.done $0x0  }
0x3af: {  	[sflag:s15] =	ssyncadd.s32 $0xFFFFE000  }
0x3b0: {  	_ =	swait.ge [sflag:s9], $0x80  }
0x3b1: {  	[sflag:s9] =	ssyncset.done $0x0  }
0x3b2: {  	s12 =	simm.s32 $0x280;
	[sflag:s9] =	ssyncadd.s32 $0xFFFFFF80  }
0x3b3: {  	[spmem:s2] =	stream.indirect.scatter.add.f32 [tilespmem:s21], [sflag:$0x10], $0x40, s12, s28, $0xb8;
	[tilespmem:$0x19A40] =	vst v63  }
0x3b4: {  	_ =	swait.ge [sflag:s11], $0x2000  }
0x3b5: {  	[sflag:s11] =	ssyncset.done $0x0  }
0x3b6: {  	s12 =	simm.s32 $0x7;
	[sflag:s11] =	ssyncadd.s32 $0xFFFFE000  }
0x3b7: {  	_ =	swait.ge [sflag:s12], $0x80  }
0x3b8: {  	[sflag:s12] =	ssyncset.done $0x0  }
0x3b9: {  	[sflag:s12] =	ssyncadd.s32 $0xFFFFFF80  }
0x3ba: {  	[spmem:s2] =	stream.indirect.scatter.add.f32 [tilespmem:s5], [sflag:$0x11], $0x40, s17, s28, $0xb8;
	[tilespmem:$0x19A40] =	vst v63  }
0x3bb: {  	_ =	swait.ge [sflag:s24], $0x2000  }
0x3bc: {  	[sflag:s24] =	ssyncset.done $0x0  }
0x3bd: {  	s17 =	simm.s32 $0x8;
	[sflag:s24] =	ssyncadd.s32 $0xFFFFE000  }
0x3be: {  	_ =	swait.ge [sflag:s17], $0x80  }
0x3bf: {  	[sflag:s17] =	ssyncset.done $0x0  }
0x3c0: {  	[sflag:s17] =	ssyncadd.s32 $0xFFFFFF80  }
0x3c1: {  	[spmem:s2] =	stream.indirect.scatter.add.f32 [tilespmem:s10], [sflag:$0x12], $0x40, s22, s28, $0xb8;
	[tilespmem:$0x19A40] =	vst v63  }
0x3c2: {  	_ =	swait.ge [sflag:s25], $0x2000  }
0x3c3: {  	[sflag:s25] =	ssyncset.done $0x0  }
0x3c4: {  	s22 =	simm.s32 $0x9;
	[sflag:s25] =	ssyncadd.s32 $0xFFFFE000  }
0x3c5: {  	_ =	swait.ge [sflag:s22], $0x80  }
0x3c6: {  	[sflag:s22] =	ssyncset.done $0x0  }
0x3c7: {  	[sflag:s22] =	ssyncadd.s32 $0xFFFFFF80  }
0x3c8: {  	[spmem:s2] =	stream.indirect.scatter.add.f32 [tilespmem:s7], [sflag:$0x13], $0x40, s23, s28, $0xb8;
	[tilespmem:$0x19A40] =	vst v63  }
0x3c9: {  	_ =	swait.ge [sflag:s26], $0x2000  }
0x3ca: {  	[sflag:s26] =	ssyncset.done $0x0  }
0x3cb: {  	[sflag:s26] =	ssyncadd.s32 $0xFFFFE000  }
0x3cc: {  	_ =	swait.ge [sflag:s29], $0x80  }
0x3cd: {  	[sflag:s29] =	ssyncset.done $0x0  }
0x3ce: {  	[sflag:s29] =	ssyncadd.s32 $0xFFFFFF80  }
0x3cf: {  	[spmem:s2] =	stream.indirect.scatter.add.f32 [tilespmem:s8], [sflag:$0x14], $0x40, s16, s28, $0xb8;
	[tilespmem:$0x19A40] =	vst v63  }
0x3d0: {  	_ =	swait.ge [sflag:s31], $0x2000  }
0x3d1: {  	[sflag:s31] =	ssyncset.done $0x0  }
0x3d2: {  	[sflag:s31] =	ssyncadd.s32 $0xFFFFE000  }
0x3d3: {  	_ =	swait.ge [sflag:s1], $0x2000  }
0x3d4: {  	[sflag:s1] =	ssyncset.done $0x0  }
0x3d5: {  	[sflag:s1] =	ssyncadd.s32 $0xFFFFE000  }
0x3d6: {  	_ =	swait.ge [sflag:s30], $0x2000  }
0x3d7: {  	[sflag:s30] =	ssyncset.done $0x0  }
0x3d8: {  	[sflag:s30] =	ssyncadd.s32 $0xFFFFE000  }
0x3d9: {  	_ =	swait.ge [sflag:s0], $0x2000  }
0x3da: {  	[sflag:s0] =	ssyncset.done $0x0  }
0x3db: {  	[sflag:s0] =	ssyncadd.s32 $0xFFFFE000  }
0x3dc: {  	_ =	swait.ge [sflag:s13], $0x2000  }
0x3dd: {  	[sflag:s13] =	ssyncset.done $0x0;
	s5 =	rddreg [dreg:$0x1f]  }
0x3de: {  	s6 =	sld [smem:$0x7F9];
	[sflag:s13] =	ssyncadd.s32 $0xFFFFE000  }
0x3df: {  	[tilespmem:s3], [sflag:$0x1] =	stream.linear.gather [hbm4b:s5+s3], $0x80, $0x38;
	[tilespmem:$0x19A40] =	vst v63  }
0x3e0: {  	s7 =	simm.s32 $0x280;
	s10 =	sld [smem:$0x7FA]  }
0x3e1: {  	[tilespmem:s7], [sflag:$0x6] =	stream.linear.gather [hbm4b:s6+s3], $0x80, $0x38;
	[tilespmem:$0x19A40] =	vst v63  }
0x3e2: {  	s11 =	simm.s32 $0xAD00;
	s12 =	sld [smem:$0x7FB]  }
0x3e3: {  	[tilespmem:s11], [sflag:$0x5] =	stream.linear.gather [hbm4b:s10+s3], $0x20, $0x38;
	[tilespmem:$0x19A40] =	vst v63  }
0x3e4: {  	s13 =	simm.s32 $0xAD20  }
0x3e5: {  	[tilespmem:s13], [sflag:$0xA] =	stream.linear.gather [hbm4b:s12+s3], $0x20, $0x38;
	[tilespmem:$0x19A40] =	vst v63  }
0x3e6: {  	_ =	swait.ge [sflag:s14], $0x80  }
0x3e7: {  	[sflag:s14] =	ssyncset.done $0x0  }
0x3e8: {  	[sflag:s14] =	ssyncadd.s32 $0xFFFFFF80  }
0x3e9: {  	[tilespmem:s21], [sflag:$0xB] =	stream.indirect.gather [hbm4b:s4+s28], $0x40, s3, s28, $0xb8;
	[tilespmem:$0x19A40] =	vst v63  }
0x3ea: {  	_ =	swait.ge [sflag:s18], $0x20  }
0x3eb: {  	[sflag:s18] =	ssyncset.done $0x0  }
0x3ec: {  	s17 =	simm.s32 $0xA500;
	s16 =	simm.s32 $0x20;
	[sflag:s18] =	ssyncadd.s32 $0xFFFFFFE0  }
0x3ed: {  	[tilespmem:s17], [sflag:$0xF] =	stream.indirect.gather [hbm4b:s4+s16], $0x40, s11, s16, $0xb8;
	[tilespmem:$0x19A40] =	vst v63  }
0x3ee: {  	_ =	swait.ge [sflag:s15], $0x2000  }
0x3ef: {  	[sflag:s15] =	ssyncset.done $0x0  }
0x3f0: {  	[sflag:s15] =	ssyncadd.s32 $0xFFFFE000  }
0x3f1: {  	_ =	swait.ge [sflag:s9], $0x80  }
0x3f2: {  	[sflag:s9] =	ssyncset.done $0x0  }
0x3f3: {  	[sflag:s9] =	ssyncadd.s32 $0xFFFFFF80  }
0x3f4: {  	[spmem:s2] =	stream.indirect.scatter.add.f32 [tilespmem:s21], [sflag:$0x10], $0x40, s7, s28, $0xb8;
	[tilespmem:$0x19A40] =	vst v63  }
0x3f5: {  	_ =	swait.ge [sflag:s26], $0x800  }
0x3f6: {  	[sflag:s26] =	ssyncset.done $0x0  }
0x3f7: {  	[sflag:s26] =	ssyncadd.s32 $0xFFFFF800  }
0x3f8: {  	_ =	swait.ge [sflag:s29], $0x20  }
0x3f9: {  	[sflag:s29] =	ssyncset.done $0x0  }
0x3fa: {  	[sflag:s29] =	ssyncadd.s32 $0xFFFFFFE0  }
0x3fb: {  	[spmem:s2] =	stream.indirect.scatter.add.f32 [tilespmem:s17], [sflag:$0x11], $0x40, s13, s16, $0xb8;
	[tilespmem:$0x19A40] =	vst v63  }
0x3fc: {  	_ =	swait.ge [sflag:s31], $0x2000  }
0x3fd: {  	[sflag:s31] =	ssyncset.done $0x0  }
0x3fe: {  	[sflag:s31] =	ssyncadd.s32 $0xFFFFE000  }
0x3ff: {  	_ =	swait.ge [sflag:s1], $0x800  }
0x400: {  	[sflag:s1] =	ssyncset.done $0x0  }
0x401: {  	[sflag:s1] =	ssyncadd.s32 $0xFFFFF800  }
0x402: {  	[bflag:$0x0] =	sbarrier.arrive $0xFFFF  }
0x403: {  	s18 =	sld [smem:$0x7FC]  }
0x404: {  	s21 =	sld [smem:$0x7F6]  }
0x405: {  	s22 =	sld [smem:$0x7F7];
	_ =	sdelay $0x1  }
0x406: {  	s23 =	simm.s32 $0x15  }
0x407: {  	[hbm:s18], [sflag:s21] =	dma.local [spmem:s22], $0x13C0  }
0x408: {  	_ =	swait.ge [sflag:s23], $0x13C0  }
0x409: {  	s26 =	sld [smem:$0x7F8]  }
0x40a: {  	s31 =	sld [smem:$0x7FD];
	_ =	sdelay $0x1  }
0x40b: {  	s12 =	sadd.s32 $0x1, s26  }
0x40c: {  	p0 =	sne.s32 s12, s31  }
.Ltmp4:
0x40d: {  	_ = 	snop;
	(pc) =	sbr.rel @p0 .LBB2_1-.Ltmp4, $4  }
0x40e: {  	_ = 	snop  }
0x40f: {  	s30 =	simm.s32 $0x11;
	s0 =	simm.s32 $0x14;
	s14 =	simm.s32 $0x300  }
0x410: {  	s29 =	simm.s32 $0x10;
	s16 =	simm.s32 $0x100;
	[sflag:s23] =	ssyncset.done $0x0  }
0x411: {  	s21 =	simm.s32 $0x380;
	[sflag:s23] =	ssyncadd.s32 $0xFFFFEC40;
	s26 =	simm.s32 $0xA  }
0x412: {  	_ =	sfence.sel $0x180000  }
0x413: {  	[bflag:$0x0] =	sbarrier.arrive $0xFFFF  }
0x414: {  	_ =	strace $0x90000047  }
0x415: {  	s0 =	stileid.u32;
	[bflag:$0x2] =	sbarrier.arrive $0xFFFF  }
0x416: {  	p0 =	sne.s32 s0, $0x0;
	s0 =	rddreg [dreg:$0x3]  }
0x417: {  	s0 =	sadd.s32 @!p0 $0x100000, s0  }
0x418: {  	[sflag:s0] =	ssyncadd.tile.s32 @!p0 $0x1;
	_ =	shalt  }
.Lfunc_end2:
_tile_overlayer_lowered:
.L_overlay_start_2:
0x419: {  	(tag) =	ssettag $0x2  }
0x41a: {  	s0 =	rddreg [dreg:$0x0];
	s2 =	stileid.u32  }
0x41b: {  	s1 =	rddreg [dreg:$0x1];
	p0 =	sne.s32 s2, $0x0  }
0x41c: {  	s3 =	rddreg [dreg:$0x2];
	[bflag:$0x3] =	sbarrier.arrive $0xFFFF;
	s2 =	simm.s32 @!p0 $0x1C15  }
0x41d: {  	[timem:s3], [sflag:s2] =	dma.local @!p0 [hbm:s0], s1  }
0x41e: {  	s0 =	simm.s32 @!p0 $0x15  }
0x41f: {  	_ =	swait.ge @!p0 [sflag:s0], s1  }
0x420: {  	s1 =	ssub.s32 @!p0 $0x0, s1;
	[sflag:s0] =	ssyncset.done @!p0 $0x0  }
0x421: {  	[sflag:s0] =	ssyncadd.s32 @!p0 s1  }
0x422: {  	[bflag:$0x3] =	sbarrier.arrive $0xFFFF  }
0x423: {  	_ =	shalt  }

</sc_bundles>
